<compile_context>
chip_gen: v7x
topology: tpu7x:2x2x1
jax: 0.10.2.dev20260603
libtpu: 0.0.44.dev20260713+nightly
codegen_flags: <defaults>
</compile_context>

<pallas_src>
import functools
import jax
import jax.numpy as jnp
from jax import lax
from jax.experimental import pallas as pl
from jax.experimental.pallas import tpu as pltpu
from jax.experimental.pallas import tpu_sc as plsc

NC, NS, L = 2, 16, 16
NW = NC * NS
CH = 2048

LN2 = 0.6931471805599453
SQRT2 = 1.4142135623730951


def _tree(op, xs):
    while len(xs) > 1:
        nxt = [op(xs[i], xs[i + 1]) for i in range(0, len(xs) - 1, 2)]
        if len(xs) % 2:
            nxt.append(xs[-1])
        xs = nxt
    return xs[0]


def _sc_body(ncls, M, HW, W, PW, out_hbm, lbl_hbm, lw_hbm, sfp_hbm, w_hbm,
             sum_out, cnt_out,
             lbuf0, s0buf0, s1buf0, lblbuf0, lwbuf0,
             lbuf1, s0buf1, s1buf1, lblbuf1, lwbuf1,
             idxbuf, wbuf, accv, cntv, sem0, sem1):
    cid = lax.axis_index("c")
    sid = lax.axis_index("s")
    wid = sid * NC + cid
    base = wid * PW
    b = base // M
    moff = base - b * M
    R = CH // W
    wsh = W.bit_length() - 1

    pltpu.sync_copy(w_hbm, wbuf)

    acc = jnp.zeros((L,), jnp.float32)
    tot = jnp.int32(0)

    nch = PW // CH
    nv = CH // L
    lane = lax.iota(jnp.int32, L)

    nvw = W // L

    def mbody(s0buf, s1buf, lwbuf, i, cnt):
        o16 = i * L
        r = i // nvw
        w0 = (i - r * nvw) * L
        rsl = pl.ds(w0, L)
        s0 = s0buf[r, rsl]
        s1 = s1buf[r, rsl]
        lwv = lwbuf[pl.ds(o16, L)]
        mk = jnp.bitwise_and(jnp.where(s1 > s0, 1, 0), lwv) != 0
        pos = o16 + lane
        plsc.store_compressed(idxbuf.at[pl.ds(cnt, L)], pos, mask=mk)
        return cnt + jnp.sum(mk.astype(jnp.int32))

    def cbody(lbuf, lblbuf, ccnt, i, acc):
        o16 = i * L
        posv = idxbuf[pl.ds(o16, L)]
        lanev = lane < (ccnt - o16)
        ph = jnp.right_shift(posv, wsh)
        pw = jnp.bitwise_and(posv, W - 1)
        xs = [plsc.load_gather(lbuf, [jnp.full((L,), c, jnp.int32), ph, pw])
              for c in range(ncls)]
        mx = _tree(jnp.maximum, xs)
        s = _tree(jnp.add, [jnp.exp(x - mx) for x in xs])
        bits = lax.bitcast_convert_type(s, jnp.int32)
        e = jnp.right_shift(bits, 23) - 127
        mant = lax.bitcast_convert_type(
            jnp.bitwise_or(jnp.bitwise_and(bits, 0x7FFFFF), 0x3F800000),
            jnp.float32)
        adj = mant > SQRT2
        mant = jnp.where(adj, mant * 0.5, mant)
        e = e + jnp.where(adj, 1, 0)
        t = (mant - 1.0) / (mant + 1.0)
        t2 = t * t
        logm = 2.0 * t * (1.0 + t2 * (1.0 / 3.0 + t2 * (0.2 + t2 * (1.0 / 7.0))))
        logs = e.astype(jnp.float32) * LN2 + logm

        lblv = plsc.load_gather(lblbuf, [ph, pw])
        validm = lblv != 255
        tgt = jnp.where(validm, lblv, 0)
        xt = plsc.load_gather(lbuf, [tgt, ph, pw])
        wv = plsc.load_gather(wbuf, [tgt]) * jnp.where(validm, 1.0, 0.0)

        nll = logs + mx - xt
        return acc + jnp.where(lanev, nll * wv, 0.0)

    bufs = [
        (lbuf0, s0buf0, s1buf0, lblbuf0, lwbuf0),
        (lbuf1, s0buf1, s1buf1, lblbuf1, lwbuf1),
    ]
    sems = [sem0, sem1]

    def fire(c, si):
        off = moff + c * CH
        d = off // HW
        h0 = (off - d * HW) // W
        lbuf, s0buf, s1buf, lblbuf, lwbuf = bufs[si]
        sem = sems[si]
        pltpu.async_copy(out_hbm.at[b, :, d, pl.ds(h0, R), :], lbuf, sem)
        pltpu.async_copy(sfp_hbm.at[b, 0, d, pl.ds(h0, R), :], s0buf, sem)
        pltpu.async_copy(sfp_hbm.at[b, 1, d, pl.ds(h0, R), :], s1buf, sem)
        pltpu.async_copy(lbl_hbm.at[b, d, pl.ds(h0, R), :], lblbuf, sem)
        pltpu.async_copy(lw_hbm.at[b, pl.ds(off, CH)], lwbuf, sem)

    def wait_set(si):
        lbuf, s0buf, s1buf, lblbuf, lwbuf = bufs[si]
        sem = sems[si]
        pltpu.make_async_copy(
            out_hbm.at[0, :, 0, pl.ds(0, R), :], lbuf, sem).wait()
        pltpu.make_async_copy(
            sfp_hbm.at[0, 0, 0, pl.ds(0, R), :], s0buf, sem).wait()
        pltpu.make_async_copy(
            sfp_hbm.at[0, 1, 0, pl.ds(0, R), :], s1buf, sem).wait()
        pltpu.make_async_copy(
            lbl_hbm.at[0, 0, pl.ds(0, R), :], lblbuf, sem).wait()
        pltpu.make_async_copy(lw_hbm.at[0, pl.ds(0, CH)], lwbuf, sem).wait()

    def process(si, acc, tot):
        lbuf, s0buf, s1buf, lblbuf, lwbuf = bufs[si]
        ccnt = plsc.parallel_loop(
            0, nv, 1, unroll=4, carry=jnp.int32(0))(
                functools.partial(mbody, s0buf, s1buf, lwbuf))
        idxbuf[pl.ds(ccnt, L)] = jnp.zeros((L,), jnp.int32)
        nvec = (ccnt + (L - 1)) // L
        acc = plsc.parallel_loop(
            0, nvec, 1, unroll=2, carry=acc)(
                functools.partial(cbody, lbuf, lblbuf, ccnt))
        return acc, tot + ccnt

    fire(0, 0)

    def outer(g, carry):
        acc, tot = carry
        c0 = g * 2
        fire(c0 + 1, 1)
        wait_set(0)
        acc, tot = process(0, acc, tot)

        @pl.when(c0 + 2 < nch)
        def _():
            fire(c0 + 2, 0)

        wait_set(1)
        acc, tot = process(1, acc, tot)
        return acc, tot

    acc, tot = lax.fori_loop(0, nch // 2, outer, (acc, tot))

    accv[...] = acc
    cntv[...] = jnp.where(lane == 0, jnp.full((L,), tot, jnp.int32), 0)
    orow = wid // 4
    ocol = (wid - orow * 4) * L
    pltpu.sync_copy(accv, sum_out.at[orow, pl.ds(ocol, L)])
    pltpu.sync_copy(cntv, cnt_out.at[orow, pl.ds(ocol, L)])


def _tc_reduce_body(sum_ref, cnt_ref, loss_ref, flag_ref):
    s = jnp.sum(sum_ref[:, :4 * L])
    c = jnp.sum(cnt_ref[:, :4 * L])
    denom = jnp.maximum(c.astype(jnp.float32), 1.0)
    loss_ref[...] = jnp.where(c > 0, s / denom, 0.0)
    flag_ref[...] = c > 0


@jax.jit
def kernel(output, label, label_weight, sketch_from_pred, weight):
    B = output.shape[0]
    ncls = output.shape[1]
    D, H, W = output.shape[2], output.shape[3], output.shape[4]
    M = D * H * W
    HW = H * W
    N = B * M
    PW = N // NW
    R = CH // W

    mesh = plsc.VectorSubcoreMesh(core_axis_name="c", subcore_axis_name="s")
    sc = pl.kernel(
        functools.partial(_sc_body, ncls, M, HW, W, PW),
        out_type=(
            jax.ShapeDtypeStruct((8, 8 * L), jnp.float32),
            jax.ShapeDtypeStruct((8, 8 * L), jnp.int32),
        ),
        mesh=mesh,
        compiler_params=pltpu.CompilerParams(
            use_tc_tiling_on_sc=False, needs_layout_passes=False),
        scratch_types=[
            pltpu.VMEM((ncls, R, W), jnp.float32),
            pltpu.VMEM((R, W), jnp.float32),
            pltpu.VMEM((R, W), jnp.float32),
            pltpu.VMEM((R, W), jnp.int32),
            pltpu.VMEM((CH,), jnp.int32),
            pltpu.VMEM((ncls, R, W), jnp.float32),
            pltpu.VMEM((R, W), jnp.float32),
            pltpu.VMEM((R, W), jnp.float32),
            pltpu.VMEM((R, W), jnp.int32),
            pltpu.VMEM((CH,), jnp.int32),
            pltpu.VMEM((CH + L,), jnp.int32),
            pltpu.VMEM((ncls,), jnp.float32),
            pltpu.VMEM((L,), jnp.float32),
            pltpu.VMEM((L,), jnp.int32),
            pltpu.SemaphoreType.DMA,
            pltpu.SemaphoreType.DMA,
        ],
    )
    sums, cnts = sc(output, label, label_weight, sketch_from_pred, weight)

    edge_loss, has_edges = pl.pallas_call(
        _tc_reduce_body,
        out_shape=(
            jax.ShapeDtypeStruct((), jnp.float32),
            jax.ShapeDtypeStruct((), jnp.bool_),
        ),
        out_specs=(
            pl.BlockSpec(memory_space=pltpu.SMEM),
            pl.BlockSpec(memory_space=pltpu.SMEM),
        ),
    )(sums, cnts)

    return (edge_loss, has_edges)

# --- scband reference (transcript-rebuilt; emitter-appended) ---
"""Pipeline reference for scband-edge-ce-loss-68444598829422 (READ-ONLY COPY).

The authoritative reference and input builder live on the scoring server;
editing this copy changes nothing except your own understanding.
"""

import jax, jax.numpy as jnp
import numpy as np

def setup_inputs(seed: int = 0):
    key = jax.random.key(seed)
    k1, k2, k3, k4 = jax.random.split(key, 4)
    B, D, H, W = 2, 32, 128, 128
    output = jax.random.normal(k1, (B, 12, D, H, W), dtype=jnp.float32)
    label = jax.random.randint(k2, (B, D, H, W), 0, 12).astype(jnp.int32)
    label_weight = jax.random.randint(k3, (B, D * H * W), 0, 2).astype(jnp.int32)
    sketch_from_pred = jax.random.normal(k4, (B, 2, D, H, W), dtype=jnp.float32)
    weight = jnp.ones((12,), dtype=jnp.float32)
    return {"output": output, "label": label, "label_weight": label_weight, "sketch_from_pred": sketch_from_pred, "weight": weight}

def reference(output, label, label_weight, sketch_from_pred, weight):
    B = label_weight.shape[0]
    sketch = jnp.argmax(sketch_from_pred, axis=1).astype(jnp.int32).reshape(B, -1)
    lw = label_weight.astype(jnp.int32)
    edges = sketch & lw
    mask = edges.reshape(-1) != 0
    count = jnp.sum(mask.astype(jnp.int32))
    has_edges = count > 0
    filterLabel = label.reshape(-1)
    filterOutput = jnp.transpose(output, (0, 2, 3, 4, 1)).reshape(-1, 12)
    logp = jax.nn.log_softmax(filterOutput, axis=-1)
    valid = filterLabel != 255
    tgt = jnp.where(valid, filterLabel, 0).astype(jnp.int32)
    nll = -jnp.take_along_axis(logp, tgt[:, None], axis=-1)[:, 0]
    w = jnp.take(weight, tgt, axis=0) * valid.astype(jnp.float32)
    maskf = mask.astype(jnp.float32)
    denom = jnp.maximum(count.astype(jnp.float32), 1.0)
    edge_loss = jnp.sum(nll * w * maskf) / denom
    edge_loss = jnp.where(has_edges, edge_loss, jnp.array(0.0, dtype=jnp.float32))
    return (edge_loss, has_edges)

if __name__ == "__main__":
    import jax
    _d = setup_inputs()
    print(jax.jit(kernel)(*tuple(_d.values())))

</pallas_src>

<mosaic_0001>
#map = affine_map<(d0, d1) -> (0, 0, 0, 0, 0)>
#map1 = affine_map<(d0, d1) -> (0, 0, 0, 0)>
#map2 = affine_map<(d0, d1) -> (0, 0)>
#map3 = affine_map<(d0, d1) -> (0)>
module attributes {stable_mosaic.version = 14 : i64} {
  func.func @_sc_body(%arg0: i32, %arg1: i32, %arg2: memref<2x12x32x128x128xf32, #tpu.memory_space<hbm>>, %arg3: memref<2x32x128x128xi32, #tpu.memory_space<hbm>>, %arg4: memref<2x524288xi32, #tpu.memory_space<hbm>>, %arg5: memref<2x2x32x128x128xf32, #tpu.memory_space<hbm>>, %arg6: memref<12xf32, #tpu.memory_space<hbm>>, %arg7: memref<8x128xf32, #tpu.memory_space<hbm>>, %arg8: memref<8x128xi32, #tpu.memory_space<hbm>>, %arg9: memref<12x16x128xf32, #tpu.memory_space<vmem>>, %arg10: memref<16x128xf32, #tpu.memory_space<vmem>>, %arg11: memref<16x128xf32, #tpu.memory_space<vmem>>, %arg12: memref<16x128xi32, #tpu.memory_space<vmem>>, %arg13: memref<2048xi32, #tpu.memory_space<vmem>>, %arg14: memref<12x16x128xf32, #tpu.memory_space<vmem>>, %arg15: memref<16x128xf32, #tpu.memory_space<vmem>>, %arg16: memref<16x128xf32, #tpu.memory_space<vmem>>, %arg17: memref<16x128xi32, #tpu.memory_space<vmem>>, %arg18: memref<2048xi32, #tpu.memory_space<vmem>>, %arg19: memref<2064xi32, #tpu.memory_space<vmem>>, %arg20: memref<12xf32, #tpu.memory_space<vmem>>, %arg21: memref<16xf32, #tpu.memory_space<vmem>>, %arg22: memref<16xi32, #tpu.memory_space<vmem>>, %arg23: memref<!tpu.dma_semaphore, #tpu.memory_space<semaphore_mem>>, %arg24: memref<!tpu.dma_semaphore, #tpu.memory_space<semaphore_mem>>) attributes {dimension_semantics = [#tpu.dimension_semantics<core_parallel>, #tpu.dimension_semantics<subcore_parallel>], iteration_bounds = array<i64: 2, 16>, scalar_prefetch = 0 : i64, scratch_operands = 16 : i64, tpu.core_type = #tpu.core_type<sc_vector_subcore>, window_params = [{transform_indices = #map}, {transform_indices = #map1}, {transform_indices = #map2}, {transform_indices = #map}, {transform_indices = #map3}, {transform_indices = #map2}, {transform_indices = #map2}]} {
    %mul3A = arith.constant 2 : i32
    %mul3A_0 = arith.muli %arg1, %mul3A : i32
    %add3A = arith.addi %mul3A_0, %arg0 : i32
    %mul3A_1 = arith.constant 32768 : i32
    %mul3A_2 = arith.muli %add3A, %mul3A_1 : i32
    %jit3A = arith.constant 524288 : i32
    %div3A = arith.divsi %mul3A_2, %jit3A : i32
    %sign3A = arith.constant 0 : i32
    %sign3A_3 = arith.cmpi sgt, %mul3A_2, %sign3A : i32
    %sign3A_4 = arith.extui %sign3A_3 : i1 to i32
    %sign3A_5 = arith.constant 0 : i32
    %sign3A_6 = arith.cmpi slt, %mul3A_2, %sign3A_5 : i32
    %sign3A_7 = arith.extui %sign3A_6 : i1 to i32
    %sign3A_8 = arith.subi %sign3A_4, %sign3A_7 : i32
    %sign3A_9 = arith.constant 0 : i32
    %sign3A_10 = arith.cmpi sgt, %jit3A, %sign3A_9 : i32
    %sign3A_11 = arith.extui %sign3A_10 : i1 to i32
    %sign3A_12 = arith.constant 0 : i32
    %sign3A_13 = arith.cmpi slt, %jit3A, %sign3A_12 : i32
    %sign3A_14 = arith.extui %sign3A_13 : i1 to i32
    %sign3A_15 = arith.subi %sign3A_11, %sign3A_14 : i32
    %ne3A = arith.cmpi ne, %sign3A_8, %sign3A_15 : i32
    %rem3A = arith.remsi %mul3A_2, %jit3A : i32
    %ne3A_16 = arith.constant 0 : i32
    %ne3A_17 = arith.cmpi ne, %rem3A, %ne3A_16 : i32
    %and3A = arith.andi %ne3A, %ne3A_17 : i1
    %sub3A = arith.constant 1 : i32
    %sub3A_18 = arith.subi %div3A, %sub3A : i32
    %select_n3A = arith.select %and3A, %sub3A_18, %div3A : i32
    %mul3A_19 = arith.constant 524288 : i32
    %mul3A_20 = arith.muli %select_n3A, %mul3A_19 : i32
    %sub3A_21 = arith.subi %mul3A_2, %mul3A_20 : i32
    "tpu.region"() ({
      %run_scoped3A = tpu.sem_alloc : memref<!tpu.dma_semaphore, #tpu.memory_space<semaphore_mem>>
      tpu.enqueue_dma source(%arg6 : memref<12xf32, #tpu.memory_space<hbm>>) target(%arg20 : memref<12xf32, #tpu.memory_space<vmem>>) target_semaphore(%run_scoped3A : memref<!tpu.dma_semaphore, #tpu.memory_space<semaphore_mem>>)
      tpu.wait_dma2 semaphore(%run_scoped3A : memref<!tpu.dma_semaphore, #tpu.memory_space<semaphore_mem>>) src(%arg6 : memref<12xf32, #tpu.memory_space<hbm>>) dst(%arg20 : memref<12xf32, #tpu.memory_space<vmem>>)
      tpu.yield
    }) : () -> ()
    %broadcast_in_dim3A = arith.constant 0.000000e+00 : f32
    %broadcast_in_dim3A_22 = vector.broadcast %broadcast_in_dim3A : f32 to vector<16xf32>
    %iota3A = tpu.iota {dimensions = array<i32: 0>} : vector<16xi32>
    %add3A_23 = arith.constant 0 : i32
    %add3A_24 = arith.addi %sub3A_21, %add3A_23 : i32
    %jit3A_25 = arith.constant 16384 : i32
    %div3A_26 = arith.divsi %add3A_24, %jit3A_25 : i32
    %sign3A_27 = arith.constant 0 : i32
    %sign3A_28 = arith.cmpi sgt, %add3A_24, %sign3A_27 : i32
    %sign3A_29 = arith.extui %sign3A_28 : i1 to i32
    %sign3A_30 = arith.constant 0 : i32
    %sign3A_31 = arith.cmpi slt, %add3A_24, %sign3A_30 : i32
    %sign3A_32 = arith.extui %sign3A_31 : i1 to i32
    %sign3A_33 = arith.subi %sign3A_29, %sign3A_32 : i32
    %sign3A_34 = arith.constant 0 : i32
    %sign3A_35 = arith.cmpi sgt, %jit3A_25, %sign3A_34 : i32
    %sign3A_36 = arith.extui %sign3A_35 : i1 to i32
    %sign3A_37 = arith.constant 0 : i32
    %sign3A_38 = arith.cmpi slt, %jit3A_25, %sign3A_37 : i32
    %sign3A_39 = arith.extui %sign3A_38 : i1 to i32
    %sign3A_40 = arith.subi %sign3A_36, %sign3A_39 : i32
    %ne3A_41 = arith.cmpi ne, %sign3A_33, %sign3A_40 : i32
    %rem3A_42 = arith.remsi %add3A_24, %jit3A_25 : i32
    %ne3A_43 = arith.constant 0 : i32
    %ne3A_44 = arith.cmpi ne, %rem3A_42, %ne3A_43 : i32
    %and3A_45 = arith.andi %ne3A_41, %ne3A_44 : i1
    %sub3A_46 = arith.constant 1 : i32
    %sub3A_47 = arith.subi %div3A_26, %sub3A_46 : i32
    %select_n3A_48 = arith.select %and3A_45, %sub3A_47, %div3A_26 : i32
    %mul3A_49 = arith.constant 16384 : i32
    %mul3A_50 = arith.muli %select_n3A_48, %mul3A_49 : i32
    %sub3A_51 = arith.subi %add3A_24, %mul3A_50 : i32
    %jit3A_52 = arith.constant 128 : i32
    %div3A_53 = arith.divsi %sub3A_51, %jit3A_52 : i32
    %sign3A_54 = arith.constant 0 : i32
    %sign3A_55 = arith.cmpi sgt, %sub3A_51, %sign3A_54 : i32
    %sign3A_56 = arith.extui %sign3A_55 : i1 to i32
    %sign3A_57 = arith.constant 0 : i32
    %sign3A_58 = arith.cmpi slt, %sub3A_51, %sign3A_57 : i32
    %sign3A_59 = arith.extui %sign3A_58 : i1 to i32
    %sign3A_60 = arith.subi %sign3A_56, %sign3A_59 : i32
    %sign3A_61 = arith.constant 0 : i32
    %sign3A_62 = arith.cmpi sgt, %jit3A_52, %sign3A_61 : i32
    %sign3A_63 = arith.extui %sign3A_62 : i1 to i32
    %sign3A_64 = arith.constant 0 : i32
    %sign3A_65 = arith.cmpi slt, %jit3A_52, %sign3A_64 : i32
    %sign3A_66 = arith.extui %sign3A_65 : i1 to i32
    %sign3A_67 = arith.subi %sign3A_63, %sign3A_66 : i32
    %ne3A_68 = arith.cmpi ne, %sign3A_60, %sign3A_67 : i32
    %rem3A_69 = arith.remsi %sub3A_51, %jit3A_52 : i32
    %ne3A_70 = arith.constant 0 : i32
    %ne3A_71 = arith.cmpi ne, %rem3A_69, %ne3A_70 : i32
    %and3A_72 = arith.andi %ne3A_68, %ne3A_71 : i1
    %sub3A_73 = arith.constant 1 : i32
    %sub3A_74 = arith.subi %div3A_53, %sub3A_73 : i32
    %select_n3A_75 = arith.select %and3A_72, %sub3A_74, %div3A_53 : i32
    %dma_start3A = arith.constant 0 : i32
    %dma_start3A_76 = arith.constant 0 : i32
    %dma_start3A_77 = tpu.memref_slice %arg2[%select_n3A, %dma_start3A, %select_n3A_48, %select_n3A_75, %dma_start3A_76] : memref<2x12x32x128x128xf32, #tpu.memory_space<hbm>> -> memref<1x12x1x16x128xf32, #tpu.memory_space<hbm>>
    %dma_start3A_78 = tpu.memref_squeeze %dma_start3A_77 : memref<1x12x1x16x128xf32, #tpu.memory_space<hbm>> -> memref<12x16x128xf32, #tpu.memory_space<hbm>>
    %dma_start3A_79 = arith.constant 0 : i32
    %dma_start3A_80 = arith.constant 0 : i32
    %dma_start3A_81 = tpu.memref_slice %arg2[%select_n3A, %dma_start3A_79, %select_n3A_48, %select_n3A_75, %dma_start3A_80] : memref<2x12x32x128x128xf32, #tpu.memory_space<hbm>> -> memref<1x12x1x16x128xf32, #tpu.memory_space<hbm>>
    %dma_start3A_82 = tpu.memref_squeeze %dma_start3A_81 : memref<1x12x1x16x128xf32, #tpu.memory_space<hbm>> -> memref<12x16x128xf32, #tpu.memory_space<hbm>>
    tpu.enqueue_dma source(%dma_start3A_82 : memref<12x16x128xf32, #tpu.memory_space<hbm>>) target(%arg9 : memref<12x16x128xf32, #tpu.memory_space<vmem>>) target_semaphore(%arg23 : memref<!tpu.dma_semaphore, #tpu.memory_space<semaphore_mem>>)
    %dma_start3A_83 = arith.constant 0 : i32
    %dma_start3A_84 = arith.constant 0 : i32
    %dma_start3A_85 = tpu.memref_slice %arg5[%select_n3A, %dma_start3A_83, %select_n3A_48, %select_n3A_75, %dma_start3A_84] : memref<2x2x32x128x128xf32, #tpu.memory_space<hbm>> -> memref<1x1x1x16x128xf32, #tpu.memory_space<hbm>>
    %dma_start3A_86 = tpu.memref_squeeze %dma_start3A_85 : memref<1x1x1x16x128xf32, #tpu.memory_space<hbm>> -> memref<16x128xf32, #tpu.memory_space<hbm>>
    %dma_start3A_87 = arith.constant 0 : i32
    %dma_start3A_88 = tpu.memref_slice %arg5[%select_n3A, %dma_start3A_83, %select_n3A_48, %select_n3A_75, %dma_start3A_87] : memref<2x2x32x128x128xf32, #tpu.memory_space<hbm>> -> memref<1x1x1x16x128xf32, #tpu.memory_space<hbm>>
    %dma_start3A_89 = tpu.memref_squeeze %dma_start3A_88 : memref<1x1x1x16x128xf32, #tpu.memory_space<hbm>> -> memref<16x128xf32, #tpu.memory_space<hbm>>
    tpu.enqueue_dma source(%dma_start3A_89 : memref<16x128xf32, #tpu.memory_space<hbm>>) target(%arg10 : memref<16x128xf32, #tpu.memory_space<vmem>>) target_semaphore(%arg23 : memref<!tpu.dma_semaphore, #tpu.memory_space<semaphore_mem>>)
    %dma_start3A_90 = arith.constant 1 : i32
    %dma_start3A_91 = arith.constant 0 : i32
    %dma_start3A_92 = tpu.memref_slice %arg5[%select_n3A, %dma_start3A_90, %select_n3A_48, %select_n3A_75, %dma_start3A_91] : memref<2x2x32x128x128xf32, #tpu.memory_space<hbm>> -> memref<1x1x1x16x128xf32, #tpu.memory_space<hbm>>
    %dma_start3A_93 = tpu.memref_squeeze %dma_start3A_92 : memref<1x1x1x16x128xf32, #tpu.memory_space<hbm>> -> memref<16x128xf32, #tpu.memory_space<hbm>>
    %dma_start3A_94 = arith.constant 0 : i32
    %dma_start3A_95 = tpu.memref_slice %arg5[%select_n3A, %dma_start3A_90, %select_n3A_48, %select_n3A_75, %dma_start3A_94] : memref<2x2x32x128x128xf32, #tpu.memory_space<hbm>> -> memref<1x1x1x16x128xf32, #tpu.memory_space<hbm>>
    %dma_start3A_96 = tpu.memref_squeeze %dma_start3A_95 : memref<1x1x1x16x128xf32, #tpu.memory_space<hbm>> -> memref<16x128xf32, #tpu.memory_space<hbm>>
    tpu.enqueue_dma source(%dma_start3A_96 : memref<16x128xf32, #tpu.memory_space<hbm>>) target(%arg11 : memref<16x128xf32, #tpu.memory_space<vmem>>) target_semaphore(%arg23 : memref<!tpu.dma_semaphore, #tpu.memory_space<semaphore_mem>>)
    %dma_start3A_97 = arith.constant 0 : i32
    %dma_start3A_98 = tpu.memref_slice %arg3[%select_n3A, %select_n3A_48, %select_n3A_75, %dma_start3A_97] : memref<2x32x128x128xi32, #tpu.memory_space<hbm>> -> memref<1x1x16x128xi32, #tpu.memory_space<hbm>>
    %dma_start3A_99 = tpu.memref_squeeze %dma_start3A_98 : memref<1x1x16x128xi32, #tpu.memory_space<hbm>> -> memref<16x128xi32, #tpu.memory_space<hbm>>
    %dma_start3A_100 = arith.constant 0 : i32
    %dma_start3A_101 = tpu.memref_slice %arg3[%select_n3A, %select_n3A_48, %select_n3A_75, %dma_start3A_100] : memref<2x32x128x128xi32, #tpu.memory_space<hbm>> -> memref<1x1x16x128xi32, #tpu.memory_space<hbm>>
    %dma_start3A_102 = tpu.memref_squeeze %dma_start3A_101 : memref<1x1x16x128xi32, #tpu.memory_space<hbm>> -> memref<16x128xi32, #tpu.memory_space<hbm>>
    tpu.enqueue_dma source(%dma_start3A_102 : memref<16x128xi32, #tpu.memory_space<hbm>>) target(%arg12 : memref<16x128xi32, #tpu.memory_space<vmem>>) target_semaphore(%arg23 : memref<!tpu.dma_semaphore, #tpu.memory_space<semaphore_mem>>)
    %dma_start3A_103 = tpu.memref_slice %arg4[%select_n3A, %add3A_24] : memref<2x524288xi32, #tpu.memory_space<hbm>> -> memref<1x2048xi32, #tpu.memory_space<hbm>>
    %dma_start3A_104 = tpu.memref_squeeze %dma_start3A_103 : memref<1x2048xi32, #tpu.memory_space<hbm>> -> memref<2048xi32, #tpu.memory_space<hbm>>
    %dma_start3A_105 = tpu.memref_slice %arg4[%select_n3A, %add3A_24] : memref<2x524288xi32, #tpu.memory_space<hbm>> -> memref<1x2048xi32, #tpu.memory_space<hbm>>
    %dma_start3A_106 = tpu.memref_squeeze %dma_start3A_105 : memref<1x2048xi32, #tpu.memory_space<hbm>> -> memref<2048xi32, #tpu.memory_space<hbm>>
    tpu.enqueue_dma source(%dma_start3A_106 : memref<2048xi32, #tpu.memory_space<hbm>>) target(%arg13 : memref<2048xi32, #tpu.memory_space<vmem>>) target_semaphore(%arg23 : memref<!tpu.dma_semaphore, #tpu.memory_space<semaphore_mem>>)
    %scan3A = arith.constant 0 : i32
    %scan3A_107 = arith.constant 0 : i32
    %scan3A_108 = arith.constant 8 : i32
    %scan3A_109 = arith.addi %scan3A_107, %scan3A_108 : i32
    %scan3A_110 = arith.constant 1 : i32
    %scan3A_111:2 = scf.for %scan3A_151 = %scan3A_107 to %scan3A_109 step %scan3A_110 iter_args(%scan3A_152 = %broadcast_in_dim3A_22, %scan3A_153 = %scan3A) -> (vector<16xf32>, i32)  : i32 {
      %mul3A_154 = arith.constant 2 : i32
      %mul3A_155 = arith.muli %scan3A_151, %mul3A_154 : i32
      %add3A_156 = arith.constant 1 : i32
      %add3A_157 = arith.addi %mul3A_155, %add3A_156 : i32
      %mul3A_158 = arith.constant 2048 : i32
      %mul3A_159 = arith.muli %add3A_157, %mul3A_158 : i32
      %add3A_160 = arith.addi %sub3A_21, %mul3A_159 : i32
      %jit3A_161 = arith.constant 16384 : i32
      %div3A_162 = arith.divsi %add3A_160, %jit3A_161 : i32
      %sign3A_163 = arith.constant 0 : i32
      %sign3A_164 = arith.cmpi sgt, %add3A_160, %sign3A_163 : i32
      %sign3A_165 = arith.extui %sign3A_164 : i1 to i32
      %sign3A_166 = arith.constant 0 : i32
      %sign3A_167 = arith.cmpi slt, %add3A_160, %sign3A_166 : i32
      %sign3A_168 = arith.extui %sign3A_167 : i1 to i32
      %sign3A_169 = arith.subi %sign3A_165, %sign3A_168 : i32
      %sign3A_170 = arith.constant 0 : i32
      %sign3A_171 = arith.cmpi sgt, %jit3A_161, %sign3A_170 : i32
      %sign3A_172 = arith.extui %sign3A_171 : i1 to i32
      %sign3A_173 = arith.constant 0 : i32
      %sign3A_174 = arith.cmpi slt, %jit3A_161, %sign3A_173 : i32
      %sign3A_175 = arith.extui %sign3A_174 : i1 to i32
      %sign3A_176 = arith.subi %sign3A_172, %sign3A_175 : i32
      %ne3A_177 = arith.cmpi ne, %sign3A_169, %sign3A_176 : i32
      %rem3A_178 = arith.remsi %add3A_160, %jit3A_161 : i32
      %ne3A_179 = arith.constant 0 : i32
      %ne3A_180 = arith.cmpi ne, %rem3A_178, %ne3A_179 : i32
      %and3A_181 = arith.andi %ne3A_177, %ne3A_180 : i1
      %sub3A_182 = arith.constant 1 : i32
      %sub3A_183 = arith.subi %div3A_162, %sub3A_182 : i32
      %select_n3A_184 = arith.select %and3A_181, %sub3A_183, %div3A_162 : i32
      %mul3A_185 = arith.constant 16384 : i32
      %mul3A_186 = arith.muli %select_n3A_184, %mul3A_185 : i32
      %sub3A_187 = arith.subi %add3A_160, %mul3A_186 : i32
      %jit3A_188 = arith.constant 128 : i32
      %div3A_189 = arith.divsi %sub3A_187, %jit3A_188 : i32
      %sign3A_190 = arith.constant 0 : i32
      %sign3A_191 = arith.cmpi sgt, %sub3A_187, %sign3A_190 : i32
      %sign3A_192 = arith.extui %sign3A_191 : i1 to i32
      %sign3A_193 = arith.constant 0 : i32
      %sign3A_194 = arith.cmpi slt, %sub3A_187, %sign3A_193 : i32
      %sign3A_195 = arith.extui %sign3A_194 : i1 to i32
      %sign3A_196 = arith.subi %sign3A_192, %sign3A_195 : i32
      %sign3A_197 = arith.constant 0 : i32
      %sign3A_198 = arith.cmpi sgt, %jit3A_188, %sign3A_197 : i32
      %sign3A_199 = arith.extui %sign3A_198 : i1 to i32
      %sign3A_200 = arith.constant 0 : i32
      %sign3A_201 = arith.cmpi slt, %jit3A_188, %sign3A_200 : i32
      %sign3A_202 = arith.extui %sign3A_201 : i1 to i32
      %sign3A_203 = arith.subi %sign3A_199, %sign3A_202 : i32
      %ne3A_204 = arith.cmpi ne, %sign3A_196, %sign3A_203 : i32
      %rem3A_205 = arith.remsi %sub3A_187, %jit3A_188 : i32
      %ne3A_206 = arith.constant 0 : i32
      %ne3A_207 = arith.cmpi ne, %rem3A_205, %ne3A_206 : i32
      %and3A_208 = arith.andi %ne3A_204, %ne3A_207 : i1
      %sub3A_209 = arith.constant 1 : i32
      %sub3A_210 = arith.subi %div3A_189, %sub3A_209 : i32
      %select_n3A_211 = arith.select %and3A_208, %sub3A_210, %div3A_189 : i32
      %dma_start3A_212 = arith.constant 0 : i32
      %dma_start3A_213 = arith.constant 0 : i32
      %dma_start3A_214 = tpu.memref_slice %arg2[%select_n3A, %dma_start3A_212, %select_n3A_184, %select_n3A_211, %dma_start3A_213] : memref<2x12x32x128x128xf32, #tpu.memory_space<hbm>> -> memref<1x12x1x16x128xf32, #tpu.memory_space<hbm>>
      %dma_start3A_215 = tpu.memref_squeeze %dma_start3A_214 : memref<1x12x1x16x128xf32, #tpu.memory_space<hbm>> -> memref<12x16x128xf32, #tpu.memory_space<hbm>>
      %dma_start3A_216 = arith.constant 0 : i32
      %dma_start3A_217 = arith.constant 0 : i32
      %dma_start3A_218 = tpu.memref_slice %arg2[%select_n3A, %dma_start3A_216, %select_n3A_184, %select_n3A_211, %dma_start3A_217] : memref<2x12x32x128x128xf32, #tpu.memory_space<hbm>> -> memref<1x12x1x16x128xf32, #tpu.memory_space<hbm>>
      %dma_start3A_219 = tpu.memref_squeeze %dma_start3A_218 : memref<1x12x1x16x128xf32, #tpu.memory_space<hbm>> -> memref<12x16x128xf32, #tpu.memory_space<hbm>>
      tpu.enqueue_dma source(%dma_start3A_219 : memref<12x16x128xf32, #tpu.memory_space<hbm>>) target(%arg14 : memref<12x16x128xf32, #tpu.memory_space<vmem>>) target_semaphore(%arg24 : memref<!tpu.dma_semaphore, #tpu.memory_space<semaphore_mem>>)
      %dma_start3A_220 = arith.constant 0 : i32
      %dma_start3A_221 = arith.constant 0 : i32
      %dma_start3A_222 = tpu.memref_slice %arg5[%select_n3A, %dma_start3A_220, %select_n3A_184, %select_n3A_211, %dma_start3A_221] : memref<2x2x32x128x128xf32, #tpu.memory_space<hbm>> -> memref<1x1x1x16x128xf32, #tpu.memory_space<hbm>>
      %dma_start3A_223 = tpu.memref_squeeze %dma_start3A_222 : memref<1x1x1x16x128xf32, #tpu.memory_space<hbm>> -> memref<16x128xf32, #tpu.memory_space<hbm>>
      %dma_start3A_224 = arith.constant 0 : i32
      %dma_start3A_225 = tpu.memref_slice %arg5[%select_n3A, %dma_start3A_220, %select_n3A_184, %select_n3A_211, %dma_start3A_224] : memref<2x2x32x128x128xf32, #tpu.memory_space<hbm>> -> memref<1x1x1x16x128xf32, #tpu.memory_space<hbm>>
      %dma_start3A_226 = tpu.memref_squeeze %dma_start3A_225 : memref<1x1x1x16x128xf32, #tpu.memory_space<hbm>> -> memref<16x128xf32, #tpu.memory_space<hbm>>
      tpu.enqueue_dma source(%dma_start3A_226 : memref<16x128xf32, #tpu.memory_space<hbm>>) target(%arg15 : memref<16x128xf32, #tpu.memory_space<vmem>>) target_semaphore(%arg24 : memref<!tpu.dma_semaphore, #tpu.memory_space<semaphore_mem>>)
      %dma_start3A_227 = arith.constant 1 : i32
      %dma_start3A_228 = arith.constant 0 : i32
      %dma_start3A_229 = tpu.memref_slice %arg5[%select_n3A, %dma_start3A_227, %select_n3A_184, %select_n3A_211, %dma_start3A_228] : memref<2x2x32x128x128xf32, #tpu.memory_space<hbm>> -> memref<1x1x1x16x128xf32, #tpu.memory_space<hbm>>
      %dma_start3A_230 = tpu.memref_squeeze %dma_start3A_229 : memref<1x1x1x16x128xf32, #tpu.memory_space<hbm>> -> memref<16x128xf32, #tpu.memory_space<hbm>>
      %dma_start3A_231 = arith.constant 0 : i32
      %dma_start3A_232 = tpu.memref_slice %arg5[%select_n3A, %dma_start3A_227, %select_n3A_184, %select_n3A_211, %dma_start3A_231] : memref<2x2x32x128x128xf32, #tpu.memory_space<hbm>> -> memref<1x1x1x16x128xf32, #tpu.memory_space<hbm>>
      %dma_start3A_233 = tpu.memref_squeeze %dma_start3A_232 : memref<1x1x1x16x128xf32, #tpu.memory_space<hbm>> -> memref<16x128xf32, #tpu.memory_space<hbm>>
      tpu.enqueue_dma source(%dma_start3A_233 : memref<16x128xf32, #tpu.memory_space<hbm>>) target(%arg16 : memref<16x128xf32, #tpu.memory_space<vmem>>) target_semaphore(%arg24 : memref<!tpu.dma_semaphore, #tpu.memory_space<semaphore_mem>>)
      %dma_start3A_234 = arith.constant 0 : i32
      %dma_start3A_235 = tpu.memref_slice %arg3[%select_n3A, %select_n3A_184, %select_n3A_211, %dma_start3A_234] : memref<2x32x128x128xi32, #tpu.memory_space<hbm>> -> memref<1x1x16x128xi32, #tpu.memory_space<hbm>>
      %dma_start3A_236 = tpu.memref_squeeze %dma_start3A_235 : memref<1x1x16x128xi32, #tpu.memory_space<hbm>> -> memref<16x128xi32, #tpu.memory_space<hbm>>
      %dma_start3A_237 = arith.constant 0 : i32
      %dma_start3A_238 = tpu.memref_slice %arg3[%select_n3A, %select_n3A_184, %select_n3A_211, %dma_start3A_237] : memref<2x32x128x128xi32, #tpu.memory_space<hbm>> -> memref<1x1x16x128xi32, #tpu.memory_space<hbm>>
      %dma_start3A_239 = tpu.memref_squeeze %dma_start3A_238 : memref<1x1x16x128xi32, #tpu.memory_space<hbm>> -> memref<16x128xi32, #tpu.memory_space<hbm>>
      tpu.enqueue_dma source(%dma_start3A_239 : memref<16x128xi32, #tpu.memory_space<hbm>>) target(%arg17 : memref<16x128xi32, #tpu.memory_space<vmem>>) target_semaphore(%arg24 : memref<!tpu.dma_semaphore, #tpu.memory_space<semaphore_mem>>)
      %dma_start3A_240 = tpu.memref_slice %arg4[%select_n3A, %add3A_160] : memref<2x524288xi32, #tpu.memory_space<hbm>> -> memref<1x2048xi32, #tpu.memory_space<hbm>>
      %dma_start3A_241 = tpu.memref_squeeze %dma_start3A_240 : memref<1x2048xi32, #tpu.memory_space<hbm>> -> memref<2048xi32, #tpu.memory_space<hbm>>
      %dma_start3A_242 = tpu.memref_slice %arg4[%select_n3A, %add3A_160] : memref<2x524288xi32, #tpu.memory_space<hbm>> -> memref<1x2048xi32, #tpu.memory_space<hbm>>
      %dma_start3A_243 = tpu.memref_squeeze %dma_start3A_242 : memref<1x2048xi32, #tpu.memory_space<hbm>> -> memref<2048xi32, #tpu.memory_space<hbm>>
      tpu.enqueue_dma source(%dma_start3A_243 : memref<2048xi32, #tpu.memory_space<hbm>>) target(%arg18 : memref<2048xi32, #tpu.memory_space<vmem>>) target_semaphore(%arg24 : memref<!tpu.dma_semaphore, #tpu.memory_space<semaphore_mem>>)
      %dma_wait3A = arith.constant 0 : i32
      %dma_wait3A_244 = arith.constant 0 : i32
      %dma_wait3A_245 = arith.constant 0 : i32
      %dma_wait3A_246 = arith.constant 0 : i32
      %dma_wait3A_247 = arith.constant 0 : i32
      %dma_wait3A_248 = tpu.memref_slice %arg2[%dma_wait3A, %dma_wait3A_245, %dma_wait3A_244, %dma_wait3A_246, %dma_wait3A_247] : memref<2x12x32x128x128xf32, #tpu.memory_space<hbm>> -> memref<1x12x1x16x128xf32, #tpu.memory_space<hbm>>
      %dma_wait3A_249 = tpu.memref_squeeze %dma_wait3A_248 : memref<1x12x1x16x128xf32, #tpu.memory_space<hbm>> -> memref<12x16x128xf32, #tpu.memory_space<hbm>>
      %dma_wait3A_250 = arith.constant 0 : i32
      %dma_wait3A_251 = arith.constant 0 : i32
      %dma_wait3A_252 = arith.constant 0 : i32
      %dma_wait3A_253 = tpu.memref_slice %arg2[%dma_wait3A, %dma_wait3A_250, %dma_wait3A_244, %dma_wait3A_251, %dma_wait3A_252] : memref<2x12x32x128x128xf32, #tpu.memory_space<hbm>> -> memref<1x12x1x16x128xf32, #tpu.memory_space<hbm>>
      %dma_wait3A_254 = tpu.memref_squeeze %dma_wait3A_253 : memref<1x12x1x16x128xf32, #tpu.memory_space<hbm>> -> memref<12x16x128xf32, #tpu.memory_space<hbm>>
      tpu.wait_dma2 semaphore(%arg23 : memref<!tpu.dma_semaphore, #tpu.memory_space<semaphore_mem>>) src(%dma_wait3A_254 : memref<12x16x128xf32, #tpu.memory_space<hbm>>) dst(%arg9 : memref<12x16x128xf32, #tpu.memory_space<vmem>>)
      %dma_wait3A_255 = arith.constant 0 : i32
      %dma_wait3A_256 = arith.constant 0 : i32
      %dma_wait3A_257 = arith.constant 0 : i32
      %dma_wait3A_258 = arith.constant 0 : i32
      %dma_wait3A_259 = arith.constant 0 : i32
      %dma_wait3A_260 = tpu.memref_slice %arg5[%dma_wait3A_255, %dma_wait3A_256, %dma_wait3A_257, %dma_wait3A_258, %dma_wait3A_259] : memref<2x2x32x128x128xf32, #tpu.memory_space<hbm>> -> memref<1x1x1x16x128xf32, #tpu.memory_space<hbm>>
      %dma_wait3A_261 = tpu.memref_squeeze %dma_wait3A_260 : memref<1x1x1x16x128xf32, #tpu.memory_space<hbm>> -> memref<16x128xf32, #tpu.memory_space<hbm>>
      %dma_wait3A_262 = arith.constant 0 : i32
      %dma_wait3A_263 = arith.constant 0 : i32
      %dma_wait3A_264 = tpu.memref_slice %arg5[%dma_wait3A_255, %dma_wait3A_256, %dma_wait3A_257, %dma_wait3A_262, %dma_wait3A_263] : memref<2x2x32x128x128xf32, #tpu.memory_space<hbm>> -> memref<1x1x1x16x128xf32, #tpu.memory_space<hbm>>
      %dma_wait3A_265 = tpu.memref_squeeze %dma_wait3A_264 : memref<1x1x1x16x128xf32, #tpu.memory_space<hbm>> -> memref<16x128xf32, #tpu.memory_space<hbm>>
      tpu.wait_dma2 semaphore(%arg23 : memref<!tpu.dma_semaphore, #tpu.memory_space<semaphore_mem>>) src(%dma_wait3A_265 : memref<16x128xf32, #tpu.memory_space<hbm>>) dst(%arg10 : memref<16x128xf32, #tpu.memory_space<vmem>>)
      %dma_wait3A_266 = arith.constant 0 : i32
      %dma_wait3A_267 = arith.constant 1 : i32
      %dma_wait3A_268 = arith.constant 0 : i32
      %dma_wait3A_269 = arith.constant 0 : i32
      %dma_wait3A_270 = arith.constant 0 : i32
      %dma_wait3A_271 = tpu.memref_slice %arg5[%dma_wait3A_266, %dma_wait3A_267, %dma_wait3A_268, %dma_wait3A_269, %dma_wait3A_270] : memref<2x2x32x128x128xf32, #tpu.memory_space<hbm>> -> memref<1x1x1x16x128xf32, #tpu.memory_space<hbm>>
      %dma_wait3A_272 = tpu.memref_squeeze %dma_wait3A_271 : memref<1x1x1x16x128xf32, #tpu.memory_space<hbm>> -> memref<16x128xf32, #tpu.memory_space<hbm>>
      %dma_wait3A_273 = arith.constant 0 : i32
      %dma_wait3A_274 = arith.constant 0 : i32
      %dma_wait3A_275 = tpu.memref_slice %arg5[%dma_wait3A_266, %dma_wait3A_267, %dma_wait3A_268, %dma_wait3A_273, %dma_wait3A_274] : memref<2x2x32x128x128xf32, #tpu.memory_space<hbm>> -> memref<1x1x1x16x128xf32, #tpu.memory_space<hbm>>
      %dma_wait3A_276 = tpu.memref_squeeze %dma_wait3A_275 : memref<1x1x1x16x128xf32, #tpu.memory_space<hbm>> -> memref<16x128xf32, #tpu.memory_space<hbm>>
      tpu.wait_dma2 semaphore(%arg23 : memref<!tpu.dma_semaphore, #tpu.memory_space<semaphore_mem>>) src(%dma_wait3A_276 : memref<16x128xf32, #tpu.memory_space<hbm>>) dst(%arg11 : memref<16x128xf32, #tpu.memory_space<vmem>>)
      %dma_wait3A_277 = arith.constant 0 : i32
      %dma_wait3A_278 = arith.constant 0 : i32
      %dma_wait3A_279 = arith.constant 0 : i32
      %dma_wait3A_280 = arith.constant 0 : i32
      %dma_wait3A_281 = tpu.memref_slice %arg3[%dma_wait3A_277, %dma_wait3A_278, %dma_wait3A_279, %dma_wait3A_280] : memref<2x32x128x128xi32, #tpu.memory_space<hbm>> -> memref<1x1x16x128xi32, #tpu.memory_space<hbm>>
      %dma_wait3A_282 = tpu.memref_squeeze %dma_wait3A_281 : memref<1x1x16x128xi32, #tpu.memory_space<hbm>> -> memref<16x128xi32, #tpu.memory_space<hbm>>
      %dma_wait3A_283 = arith.constant 0 : i32
      %dma_wait3A_284 = arith.constant 0 : i32
      %dma_wait3A_285 = tpu.memref_slice %arg3[%dma_wait3A_277, %dma_wait3A_278, %dma_wait3A_283, %dma_wait3A_284] : memref<2x32x128x128xi32, #tpu.memory_space<hbm>> -> memref<1x1x16x128xi32, #tpu.memory_space<hbm>>
      %dma_wait3A_286 = tpu.memref_squeeze %dma_wait3A_285 : memref<1x1x16x128xi32, #tpu.memory_space<hbm>> -> memref<16x128xi32, #tpu.memory_space<hbm>>
      tpu.wait_dma2 semaphore(%arg23 : memref<!tpu.dma_semaphore, #tpu.memory_space<semaphore_mem>>) src(%dma_wait3A_286 : memref<16x128xi32, #tpu.memory_space<hbm>>) dst(%arg12 : memref<16x128xi32, #tpu.memory_space<vmem>>)
      %dma_wait3A_287 = arith.constant 0 : i32
      %dma_wait3A_288 = arith.constant 0 : i32
      %dma_wait3A_289 = tpu.memref_slice %arg4[%dma_wait3A_287, %dma_wait3A_288] : memref<2x524288xi32, #tpu.memory_space<hbm>> -> memref<1x2048xi32, #tpu.memory_space<hbm>>
      %dma_wait3A_290 = tpu.memref_squeeze %dma_wait3A_289 : memref<1x2048xi32, #tpu.memory_space<hbm>> -> memref<2048xi32, #tpu.memory_space<hbm>>
      %dma_wait3A_291 = arith.constant 0 : i32
      %dma_wait3A_292 = tpu.memref_slice %arg4[%dma_wait3A_287, %dma_wait3A_291] : memref<2x524288xi32, #tpu.memory_space<hbm>> -> memref<1x2048xi32, #tpu.memory_space<hbm>>
      %dma_wait3A_293 = tpu.memref_squeeze %dma_wait3A_292 : memref<1x2048xi32, #tpu.memory_space<hbm>> -> memref<2048xi32, #tpu.memory_space<hbm>>
      tpu.wait_dma2 semaphore(%arg23 : memref<!tpu.dma_semaphore, #tpu.memory_space<semaphore_mem>>) src(%dma_wait3A_293 : memref<2048xi32, #tpu.memory_space<hbm>>) dst(%arg13 : memref<2048xi32, #tpu.memory_space<vmem>>)
      %parallel_loop3A = arith.constant 0 : i32
      %parallel_loop3A_294 = arith.constant 128 : i32
      %parallel_loop3A_295 = arith.constant 1 : i32
      %parallel_loop3A_296 = arith.constant 0 : i32
      %parallel_loop3A_297 = scf.for %parallel_loop3A_426 = %parallel_loop3A to %parallel_loop3A_294 step %parallel_loop3A_295 iter_args(%parallel_loop3A_427 = %parallel_loop3A_296) -> (i32)  : i32 {
        %parallel_loop3A_428 = arith.constant 16 : i32
        %parallel_loop3A_429 = arith.muli %parallel_loop3A_426, %parallel_loop3A_428 : i32
        %parallel_loop3A_430 = arith.constant 8 : i32
        %parallel_loop3A_431 = arith.divsi %parallel_loop3A_426, %parallel_loop3A_430 : i32
        %parallel_loop3A_432 = arith.constant 0 : i32
        %parallel_loop3A_433 = arith.cmpi sgt, %parallel_loop3A_426, %parallel_loop3A_432 : i32
        %parallel_loop3A_434 = arith.extui %parallel_loop3A_433 : i1 to i32
        %parallel_loop3A_435 = arith.constant 0 : i32
        %parallel_loop3A_436 = arith.cmpi slt, %parallel_loop3A_426, %parallel_loop3A_435 : i32
        %parallel_loop3A_437 = arith.extui %parallel_loop3A_436 : i1 to i32
        %parallel_loop3A_438 = arith.subi %parallel_loop3A_434, %parallel_loop3A_437 : i32
        %parallel_loop3A_439 = arith.constant 0 : i32
        %parallel_loop3A_440 = arith.cmpi sgt, %parallel_loop3A_430, %parallel_loop3A_439 : i32
        %parallel_loop3A_441 = arith.extui %parallel_loop3A_440 : i1 to i32
        %parallel_loop3A_442 = arith.constant 0 : i32
        %parallel_loop3A_443 = arith.cmpi slt, %parallel_loop3A_430, %parallel_loop3A_442 : i32
        %parallel_loop3A_444 = arith.extui %parallel_loop3A_443 : i1 to i32
        %parallel_loop3A_445 = arith.subi %parallel_loop3A_441, %parallel_loop3A_444 : i32
        %parallel_loop3A_446 = arith.cmpi ne, %parallel_loop3A_438, %parallel_loop3A_445 : i32
        %parallel_loop3A_447 = arith.remsi %parallel_loop3A_426, %parallel_loop3A_430 : i32
        %parallel_loop3A_448 = arith.constant 0 : i32
        %parallel_loop3A_449 = arith.cmpi ne, %parallel_loop3A_447, %parallel_loop3A_448 : i32
        %parallel_loop3A_450 = arith.andi %parallel_loop3A_446, %parallel_loop3A_449 : i1
        %parallel_loop3A_451 = arith.constant 1 : i32
        %parallel_loop3A_452 = arith.subi %parallel_loop3A_431, %parallel_loop3A_451 : i32
        %parallel_loop3A_453 = arith.select %parallel_loop3A_450, %parallel_loop3A_452, %parallel_loop3A_431 : i32
        %parallel_loop3A_454 = arith.constant 8 : i32
        %parallel_loop3A_455 = arith.muli %parallel_loop3A_453, %parallel_loop3A_454 : i32
        %parallel_loop3A_456 = arith.subi %parallel_loop3A_426, %parallel_loop3A_455 : i32
        %parallel_loop3A_457 = arith.constant 16 : i32
        %parallel_loop3A_458 = arith.muli %parallel_loop3A_456, %parallel_loop3A_457 : i32
        %parallel_loop3A_459 = arith.index_cast %parallel_loop3A_453 : i32 to index
        %parallel_loop3A_460 = arith.index_cast %parallel_loop3A_458 : i32 to index
        %parallel_loop3A_461 = tpu.vector_load %arg10[%parallel_loop3A_459, %parallel_loop3A_460] {strides = array<i32>} : memref<16x128xf32, #tpu.memory_space<vmem>>, vector<16xf32>,
        %parallel_loop3A_462 = arith.index_cast %parallel_loop3A_453 : i32 to index
        %parallel_loop3A_463 = arith.index_cast %parallel_loop3A_458 : i32 to index
        %parallel_loop3A_464 = tpu.vector_load %arg11[%parallel_loop3A_462, %parallel_loop3A_463] {strides = array<i32>} : memref<16x128xf32, #tpu.memory_space<vmem>>, vector<16xf32>,
        %parallel_loop3A_465 = arith.index_cast %parallel_loop3A_429 : i32 to index
        %parallel_loop3A_466 = tpu.vector_load %arg13[%parallel_loop3A_465] {strides = array<i32>} : memref<2048xi32, #tpu.memory_space<vmem>>, vector<16xi32>,
        %parallel_loop3A_467 = arith.cmpf ogt, %parallel_loop3A_464, %parallel_loop3A_461 : vector<16xf32>
        %parallel_loop3A_468 = arith.constant 1 : i32
        %parallel_loop3A_469 = arith.constant 0 : i32
        %parallel_loop3A_470 = vector.broadcast %parallel_loop3A_468 : i32 to vector<16xi32>
        %parallel_loop3A_471 = vector.broadcast %parallel_loop3A_469 : i32 to vector<16xi32>
        %parallel_loop3A_472 = arith.select %parallel_loop3A_467, %parallel_loop3A_470, %parallel_loop3A_471 : vector<16xi1>, vector<16xi32>
        %parallel_loop3A_473 = arith.andi %parallel_loop3A_472, %parallel_loop3A_466 : vector<16xi32>
        %parallel_loop3A_474 = arith.constant 0 : i32
        %parallel_loop3A_475 = vector.broadcast %parallel_loop3A_474 : i32 to vector<16xi32>
        %parallel_loop3A_476 = arith.cmpi ne, %parallel_loop3A_473, %parallel_loop3A_475 : vector<16xi32>
        %parallel_loop3A_477 = vector.broadcast %parallel_loop3A_429 : i32 to vector<16xi32>
        %parallel_loop3A_478 = arith.addi %parallel_loop3A_477, %iota3A : vector<16xi32>
        %parallel_loop3A_479 = arith.index_cast %parallel_loop3A_427 : i32 to index
        %parallel_loop3A_480 = tpu.vector_load %arg19[%parallel_loop3A_479] masked %parallel_loop3A_476 {strides = array<i32>} : memref<2064xi32, #tpu.memory_space<vmem>>, vector<16xi32>, vector<16xi1>
        tpu.vector_store %arg19[%parallel_loop3A_479], %parallel_loop3A_478 masked %parallel_loop3A_476 {strides = array<i32>} : memref<2064xi32, #tpu.memory_space<vmem>>, vector<16xi32>, vector<16xi1>
        %parallel_loop3A_481 = arith.extui %parallel_loop3A_476 : vector<16xi1> to vector<16xi32>
        %parallel_loop3A_482 = arith.constant true
        %parallel_loop3A_483 = vector.broadcast %parallel_loop3A_482 : i1 to vector<16xi1>
        %parallel_loop3A_484 = tpu.scan <sum>, %parallel_loop3A_481 masked %parallel_loop3A_483 : vector<16xi32>, vector<16xi1> -> vector<16xi32>
        %parallel_loop3A_485 = vector.extract %parallel_loop3A_484[15] : i32 from vector<16xi32>
        %parallel_loop3A_486 = arith.addi %parallel_loop3A_427, %parallel_loop3A_485 : i32
        scf.yield %parallel_loop3A_486 : i32
      } {sc.loop_unroll_factor = 4 : i64, sc.parallel_access}
      %broadcast_in_dim3A_298 = arith.constant 0 : i32
      %broadcast_in_dim3A_299 = vector.broadcast %broadcast_in_dim3A_298 : i32 to vector<16xi32>
      %swap3A_300 = arith.index_cast %parallel_loop3A_297 : i32 to index
      %swap3A_301 = tpu.vector_load %arg19[%swap3A_300] {strides = array<i32>} : memref<2064xi32, #tpu.memory_space<vmem>>, vector<16xi32>,
      tpu.vector_store %arg19[%swap3A_300], %broadcast_in_dim3A_299 {strides = array<i32>} : memref<2064xi32, #tpu.memory_space<vmem>>, vector<16xi32>,
      %add3A_302 = arith.constant 15 : i32
      %add3A_303 = arith.addi %parallel_loop3A_297, %add3A_302 : i32
      %jit3A_304 = arith.constant 16 : i32
      %div3A_305 = arith.divsi %add3A_303, %jit3A_304 : i32
      %sign3A_306 = arith.constant 0 : i32
      %sign3A_307 = arith.cmpi sgt, %add3A_303, %sign3A_306 : i32
      %sign3A_308 = arith.extui %sign3A_307 : i1 to i32
      %sign3A_309 = arith.constant 0 : i32
      %sign3A_310 = arith.cmpi slt, %add3A_303, %sign3A_309 : i32
      %sign3A_311 = arith.extui %sign3A_310 : i1 to i32
      %sign3A_312 = arith.subi %sign3A_308, %sign3A_311 : i32
      %sign3A_313 = arith.constant 0 : i32
      %sign3A_314 = arith.cmpi sgt, %jit3A_304, %sign3A_313 : i32
      %sign3A_315 = arith.extui %sign3A_314 : i1 to i32
      %sign3A_316 = arith.constant 0 : i32
      %sign3A_317 = arith.cmpi slt, %jit3A_304, %sign3A_316 : i32
      %sign3A_318 = arith.extui %sign3A_317 : i1 to i32
      %sign3A_319 = arith.subi %sign3A_315, %sign3A_318 : i32
      %ne3A_320 = arith.cmpi ne, %sign3A_312, %sign3A_319 : i32
      %rem3A_321 = arith.remsi %add3A_303, %jit3A_304 : i32
      %ne3A_322 = arith.constant 0 : i32
      %ne3A_323 = arith.cmpi ne, %rem3A_321, %ne3A_322 : i32
      %and3A_324 = arith.andi %ne3A_320, %ne3A_323 : i1
      %sub3A_325 = arith.constant 1 : i32
      %sub3A_326 = arith.subi %div3A_305, %sub3A_325 : i32
      %select_n3A_327 = arith.select %and3A_324, %sub3A_326, %div3A_305 : i32
      %parallel_loop3A_328 = arith.constant 0 : i32
      %parallel_loop3A_329 = arith.constant 1 : i32
      %parallel_loop3A_330 = scf.for %parallel_loop3A_426 = %parallel_loop3A_328 to %select_n3A_327 step %parallel_loop3A_329 iter_args(%parallel_loop3A_427 = %scan3A_152) -> (vector<16xf32>)  : i32 {
        %parallel_loop3A_428 = arith.constant 16 : i32
        %parallel_loop3A_429 = arith.muli %parallel_loop3A_426, %parallel_loop3A_428 : i32
        %parallel_loop3A_430 = arith.index_cast %parallel_loop3A_429 : i32 to index
        %parallel_loop3A_431 = tpu.vector_load %arg19[%parallel_loop3A_430] {strides = array<i32>} : memref<2064xi32, #tpu.memory_space<vmem>>, vector<16xi32>,
        %parallel_loop3A_432 = arith.subi %parallel_loop3A_297, %parallel_loop3A_429 : i32
        %parallel_loop3A_433 = vector.broadcast %parallel_loop3A_432 : i32 to vector<16xi32>
        %parallel_loop3A_434 = arith.cmpi slt, %iota3A, %parallel_loop3A_433 : vector<16xi32>
        %parallel_loop3A_435 = arith.constant 7 : i32
        %parallel_loop3A_436 = vector.broadcast %parallel_loop3A_435 : i32 to vector<16xi32>
        %parallel_loop3A_437 = arith.shrsi %parallel_loop3A_431, %parallel_loop3A_436 : vector<16xi32>
        %parallel_loop3A_438 = arith.constant 127 : i32
        %parallel_loop3A_439 = vector.broadcast %parallel_loop3A_438 : i32 to vector<16xi32>
        %parallel_loop3A_440 = arith.andi %parallel_loop3A_431, %parallel_loop3A_439 : vector<16xi32>
        %parallel_loop3A_441 = arith.constant 0 : i32
        %parallel_loop3A_442 = vector.broadcast %parallel_loop3A_441 : i32 to vector<16xi32>
        %parallel_loop3A_443 = tpu.vector_load_idx %arg9[%parallel_loop3A_442, %parallel_loop3A_437, %parallel_loop3A_440] : memref<12x16x128xf32, #tpu.memory_space<vmem>>[vector<16xi32>, vector<16xi32>, vector<16xi32>], vector<16xf32>,
        %parallel_loop3A_444 = arith.constant 1 : i32
        %parallel_loop3A_445 = vector.broadcast %parallel_loop3A_444 : i32 to vector<16xi32>
        %parallel_loop3A_446 = tpu.vector_load_idx %arg9[%parallel_loop3A_445, %parallel_loop3A_437, %parallel_loop3A_440] : memref<12x16x128xf32, #tpu.memory_space<vmem>>[vector<16xi32>, vector<16xi32>, vector<16xi32>], vector<16xf32>,
        %parallel_loop3A_447 = arith.constant 2 : i32
        %parallel_loop3A_448 = vector.broadcast %parallel_loop3A_447 : i32 to vector<16xi32>
        %parallel_loop3A_449 = tpu.vector_load_idx %arg9[%parallel_loop3A_448, %parallel_loop3A_437, %parallel_loop3A_440] : memref<12x16x128xf32, #tpu.memory_space<vmem>>[vector<16xi32>, vector<16xi32>, vector<16xi32>], vector<16xf32>,
        %parallel_loop3A_450 = arith.constant 3 : i32
        %parallel_loop3A_451 = vector.broadcast %parallel_loop3A_450 : i32 to vector<16xi32>
        %parallel_loop3A_452 = tpu.vector_load_idx %arg9[%parallel_loop3A_451, %parallel_loop3A_437, %parallel_loop3A_440] : memref<12x16x128xf32, #tpu.memory_space<vmem>>[vector<16xi32>, vector<16xi32>, vector<16xi32>], vector<16xf32>,
        %parallel_loop3A_453 = arith.constant 4 : i32
        %parallel_loop3A_454 = vector.broadcast %parallel_loop3A_453 : i32 to vector<16xi32>
        %parallel_loop3A_455 = tpu.vector_load_idx %arg9[%parallel_loop3A_454, %parallel_loop3A_437, %parallel_loop3A_440] : memref<12x16x128xf32, #tpu.memory_space<vmem>>[vector<16xi32>, vector<16xi32>, vector<16xi32>], vector<16xf32>,
        %parallel_loop3A_456 = arith.constant 5 : i32
        %parallel_loop3A_457 = vector.broadcast %parallel_loop3A_456 : i32 to vector<16xi32>
        %parallel_loop3A_458 = tpu.vector_load_idx %arg9[%parallel_loop3A_457, %parallel_loop3A_437, %parallel_loop3A_440] : memref<12x16x128xf32, #tpu.memory_space<vmem>>[vector<16xi32>, vector<16xi32>, vector<16xi32>], vector<16xf32>,
        %parallel_loop3A_459 = arith.constant 6 : i32
        %parallel_loop3A_460 = vector.broadcast %parallel_loop3A_459 : i32 to vector<16xi32>
        %parallel_loop3A_461 = tpu.vector_load_idx %arg9[%parallel_loop3A_460, %parallel_loop3A_437, %parallel_loop3A_440] : memref<12x16x128xf32, #tpu.memory_space<vmem>>[vector<16xi32>, vector<16xi32>, vector<16xi32>], vector<16xf32>,
        %parallel_loop3A_462 = arith.constant 7 : i32
        %parallel_loop3A_463 = vector.broadcast %parallel_loop3A_462 : i32 to vector<16xi32>
        %parallel_loop3A_464 = tpu.vector_load_idx %arg9[%parallel_loop3A_463, %parallel_loop3A_437, %parallel_loop3A_440] : memref<12x16x128xf32, #tpu.memory_space<vmem>>[vector<16xi32>, vector<16xi32>, vector<16xi32>], vector<16xf32>,
        %parallel_loop3A_465 = arith.constant 8 : i32
        %parallel_loop3A_466 = vector.broadcast %parallel_loop3A_465 : i32 to vector<16xi32>
        %parallel_loop3A_467 = tpu.vector_load_idx %arg9[%parallel_loop3A_466, %parallel_loop3A_437, %parallel_loop3A_440] : memref<12x16x128xf32, #tpu.memory_space<vmem>>[vector<16xi32>, vector<16xi32>, vector<16xi32>], vector<16xf32>,
        %parallel_loop3A_468 = arith.constant 9 : i32
        %parallel_loop3A_469 = vector.broadcast %parallel_loop3A_468 : i32 to vector<16xi32>
        %parallel_loop3A_470 = tpu.vector_load_idx %arg9[%parallel_loop3A_469, %parallel_loop3A_437, %parallel_loop3A_440] : memref<12x16x128xf32, #tpu.memory_space<vmem>>[vector<16xi32>, vector<16xi32>, vector<16xi32>], vector<16xf32>,
        %parallel_loop3A_471 = arith.constant 10 : i32
        %parallel_loop3A_472 = vector.broadcast %parallel_loop3A_471 : i32 to vector<16xi32>
        %parallel_loop3A_473 = tpu.vector_load_idx %arg9[%parallel_loop3A_472, %parallel_loop3A_437, %parallel_loop3A_440] : memref<12x16x128xf32, #tpu.memory_space<vmem>>[vector<16xi32>, vector<16xi32>, vector<16xi32>], vector<16xf32>,
        %parallel_loop3A_474 = arith.constant 11 : i32
        %parallel_loop3A_475 = vector.broadcast %parallel_loop3A_474 : i32 to vector<16xi32>
        %parallel_loop3A_476 = tpu.vector_load_idx %arg9[%parallel_loop3A_475, %parallel_loop3A_437, %parallel_loop3A_440] : memref<12x16x128xf32, #tpu.memory_space<vmem>>[vector<16xi32>, vector<16xi32>, vector<16xi32>], vector<16xf32>,
        %parallel_loop3A_477 = arith.maximumf %parallel_loop3A_443, %parallel_loop3A_446 : vector<16xf32>
        %parallel_loop3A_478 = arith.maximumf %parallel_loop3A_449, %parallel_loop3A_452 : vector<16xf32>
        %parallel_loop3A_479 = arith.maximumf %parallel_loop3A_455, %parallel_loop3A_458 : vector<16xf32>
        %parallel_loop3A_480 = arith.maximumf %parallel_loop3A_461, %parallel_loop3A_464 : vector<16xf32>
        %parallel_loop3A_481 = arith.maximumf %parallel_loop3A_467, %parallel_loop3A_470 : vector<16xf32>
        %parallel_loop3A_482 = arith.maximumf %parallel_loop3A_473, %parallel_loop3A_476 : vector<16xf32>
        %parallel_loop3A_483 = arith.maximumf %parallel_loop3A_477, %parallel_loop3A_478 : vector<16xf32>
        %parallel_loop3A_484 = arith.maximumf %parallel_loop3A_479, %parallel_loop3A_480 : vector<16xf32>
        %parallel_loop3A_485 = arith.maximumf %parallel_loop3A_481, %parallel_loop3A_482 : vector<16xf32>
        %parallel_loop3A_486 = arith.maximumf %parallel_loop3A_483, %parallel_loop3A_484 : vector<16xf32>
        %parallel_loop3A_487 = arith.maximumf %parallel_loop3A_486, %parallel_loop3A_485 : vector<16xf32>
        %parallel_loop3A_488 = arith.subf %parallel_loop3A_443, %parallel_loop3A_487 : vector<16xf32>
        %parallel_loop3A_489 = math.exp %parallel_loop3A_488 : vector<16xf32>
        %parallel_loop3A_490 = arith.subf %parallel_loop3A_446, %parallel_loop3A_487 : vector<16xf32>
        %parallel_loop3A_491 = math.exp %parallel_loop3A_490 : vector<16xf32>
        %parallel_loop3A_492 = arith.subf %parallel_loop3A_449, %parallel_loop3A_487 : vector<16xf32>
        %parallel_loop3A_493 = math.exp %parallel_loop3A_492 : vector<16xf32>
        %parallel_loop3A_494 = arith.subf %parallel_loop3A_452, %parallel_loop3A_487 : vector<16xf32>
        %parallel_loop3A_495 = math.exp %parallel_loop3A_494 : vector<16xf32>
        %parallel_loop3A_496 = arith.subf %parallel_loop3A_455, %parallel_loop3A_487 : vector<16xf32>
        %parallel_loop3A_497 = math.exp %parallel_loop3A_496 : vector<16xf32>
        %parallel_loop3A_498 = arith.subf %parallel_loop3A_458, %parallel_loop3A_487 : vector<16xf32>
        %parallel_loop3A_499 = math.exp %parallel_loop3A_498 : vector<16xf32>
        %parallel_loop3A_500 = arith.subf %parallel_loop3A_461, %parallel_loop3A_487 : vector<16xf32>
        %parallel_loop3A_501 = math.exp %parallel_loop3A_500 : vector<16xf32>
        %parallel_loop3A_502 = arith.subf %parallel_loop3A_464, %parallel_loop3A_487 : vector<16xf32>
        %parallel_loop3A_503 = math.exp %parallel_loop3A_502 : vector<16xf32>
        %parallel_loop3A_504 = arith.subf %parallel_loop3A_467, %parallel_loop3A_487 : vector<16xf32>
        %parallel_loop3A_505 = math.exp %parallel_loop3A_504 : vector<16xf32>
        %parallel_loop3A_506 = arith.subf %parallel_loop3A_470, %parallel_loop3A_487 : vector<16xf32>
        %parallel_loop3A_507 = math.exp %parallel_loop3A_506 : vector<16xf32>
        %parallel_loop3A_508 = arith.subf %parallel_loop3A_473, %parallel_loop3A_487 : vector<16xf32>
        %parallel_loop3A_509 = math.exp %parallel_loop3A_508 : vector<16xf32>
        %parallel_loop3A_510 = arith.subf %parallel_loop3A_476, %parallel_loop3A_487 : vector<16xf32>
        %parallel_loop3A_511 = math.exp %parallel_loop3A_510 : vector<16xf32>
        %parallel_loop3A_512 = arith.addf %parallel_loop3A_489, %parallel_loop3A_491 : vector<16xf32>
        %parallel_loop3A_513 = arith.addf %parallel_loop3A_493, %parallel_loop3A_495 : vector<16xf32>
        %parallel_loop3A_514 = arith.addf %parallel_loop3A_497, %parallel_loop3A_499 : vector<16xf32>
        %parallel_loop3A_515 = arith.addf %parallel_loop3A_501, %parallel_loop3A_503 : vector<16xf32>
        %parallel_loop3A_516 = arith.addf %parallel_loop3A_505, %parallel_loop3A_507 : vector<16xf32>
        %parallel_loop3A_517 = arith.addf %parallel_loop3A_509, %parallel_loop3A_511 : vector<16xf32>
        %parallel_loop3A_518 = arith.addf %parallel_loop3A_512, %parallel_loop3A_513 : vector<16xf32>
        %parallel_loop3A_519 = arith.addf %parallel_loop3A_514, %parallel_loop3A_515 : vector<16xf32>
        %parallel_loop3A_520 = arith.addf %parallel_loop3A_516, %parallel_loop3A_517 : vector<16xf32>
        %parallel_loop3A_521 = arith.addf %parallel_loop3A_518, %parallel_loop3A_519 : vector<16xf32>
        %parallel_loop3A_522 = arith.addf %parallel_loop3A_521, %parallel_loop3A_520 : vector<16xf32>
        %parallel_loop3A_523 = tpu.bitcast %parallel_loop3A_522 : vector<16xf32> -> vector<16xi32>
        %parallel_loop3A_524 = arith.constant 23 : i32
        %parallel_loop3A_525 = vector.broadcast %parallel_loop3A_524 : i32 to vector<16xi32>
        %parallel_loop3A_526 = arith.shrsi %parallel_loop3A_523, %parallel_loop3A_525 : vector<16xi32>
        %parallel_loop3A_527 = arith.constant 127 : i32
        %parallel_loop3A_528 = vector.broadcast %parallel_loop3A_527 : i32 to vector<16xi32>
        %parallel_loop3A_529 = arith.subi %parallel_loop3A_526, %parallel_loop3A_528 : vector<16xi32>
        %parallel_loop3A_530 = arith.constant 8388607 : i32
        %parallel_loop3A_531 = vector.broadcast %parallel_loop3A_530 : i32 to vector<16xi32>
        %parallel_loop3A_532 = arith.andi %parallel_loop3A_523, %parallel_loop3A_531 : vector<16xi32>
        %parallel_loop3A_533 = arith.constant 1065353216 : i32
        %parallel_loop3A_534 = vector.broadcast %parallel_loop3A_533 : i32 to vector<16xi32>
        %parallel_loop3A_535 = arith.ori %parallel_loop3A_532, %parallel_loop3A_534 : vector<16xi32>
        %parallel_loop3A_536 = tpu.bitcast %parallel_loop3A_535 : vector<16xi32> -> vector<16xf32>
        %parallel_loop3A_537 = arith.constant 1.41421354 : f32
        %parallel_loop3A_538 = vector.broadcast %parallel_loop3A_537 : f32 to vector<16xf32>
        %parallel_loop3A_539 = arith.cmpf ogt, %parallel_loop3A_536, %parallel_loop3A_538 : vector<16xf32>
        %parallel_loop3A_540 = arith.constant 5.000000e-01 : f32
        %parallel_loop3A_541 = vector.broadcast %parallel_loop3A_540 : f32 to vector<16xf32>
        %parallel_loop3A_542 = arith.mulf %parallel_loop3A_536, %parallel_loop3A_541 : vector<16xf32>
        %parallel_loop3A_543 = arith.select %parallel_loop3A_539, %parallel_loop3A_542, %parallel_loop3A_536 : vector<16xi1>, vector<16xf32>
        %parallel_loop3A_544 = arith.constant 1 : i32
        %parallel_loop3A_545 = arith.constant 0 : i32
        %parallel_loop3A_546 = vector.broadcast %parallel_loop3A_544 : i32 to vector<16xi32>
        %parallel_loop3A_547 = vector.broadcast %parallel_loop3A_545 : i32 to vector<16xi32>
        %parallel_loop3A_548 = arith.select %parallel_loop3A_539, %parallel_loop3A_546, %parallel_loop3A_547 : vector<16xi1>, vector<16xi32>
        %parallel_loop3A_549 = arith.addi %parallel_loop3A_529, %parallel_loop3A_548 : vector<16xi32>
        %parallel_loop3A_550 = arith.constant 1.000000e+00 : f32
        %parallel_loop3A_551 = vector.broadcast %parallel_loop3A_550 : f32 to vector<16xf32>
        %parallel_loop3A_552 = arith.subf %parallel_loop3A_543, %parallel_loop3A_551 : vector<16xf32>
        %parallel_loop3A_553 = arith.constant 1.000000e+00 : f32
        %parallel_loop3A_554 = vector.broadcast %parallel_loop3A_553 : f32 to vector<16xf32>
        %parallel_loop3A_555 = arith.addf %parallel_loop3A_543, %parallel_loop3A_554 : vector<16xf32>
        %parallel_loop3A_556 = arith.divf %parallel_loop3A_552, %parallel_loop3A_555 : vector<16xf32>
        %parallel_loop3A_557 = arith.mulf %parallel_loop3A_556, %parallel_loop3A_556 : vector<16xf32>
        %parallel_loop3A_558 = arith.constant 2.000000e+00 : f32
        %parallel_loop3A_559 = vector.broadcast %parallel_loop3A_558 : f32 to vector<16xf32>
        %parallel_loop3A_560 = arith.mulf %parallel_loop3A_559, %parallel_loop3A_556 : vector<16xf32>
        %parallel_loop3A_561 = arith.constant 0.142857149 : f32
        %parallel_loop3A_562 = vector.broadcast %parallel_loop3A_561 : f32 to vector<16xf32>
        %parallel_loop3A_563 = arith.mulf %parallel_loop3A_557, %parallel_loop3A_562 : vector<16xf32>
        %parallel_loop3A_564 = arith.constant 2.000000e-01 : f32
        %parallel_loop3A_565 = vector.broadcast %parallel_loop3A_564 : f32 to vector<16xf32>
        %parallel_loop3A_566 = arith.addf %parallel_loop3A_565, %parallel_loop3A_563 : vector<16xf32>
        %parallel_loop3A_567 = arith.mulf %parallel_loop3A_557, %parallel_loop3A_566 : vector<16xf32>
        %parallel_loop3A_568 = arith.constant 0.333333343 : f32
        %parallel_loop3A_569 = vector.broadcast %parallel_loop3A_568 : f32 to vector<16xf32>
        %parallel_loop3A_570 = arith.addf %parallel_loop3A_569, %parallel_loop3A_567 : vector<16xf32>
        %parallel_loop3A_571 = arith.mulf %parallel_loop3A_557, %parallel_loop3A_570 : vector<16xf32>
        %parallel_loop3A_572 = arith.constant 1.000000e+00 : f32
        %parallel_loop3A_573 = vector.broadcast %parallel_loop3A_572 : f32 to vector<16xf32>
        %parallel_loop3A_574 = arith.addf %parallel_loop3A_573, %parallel_loop3A_571 : vector<16xf32>
        %parallel_loop3A_575 = arith.mulf %parallel_loop3A_560, %parallel_loop3A_574 : vector<16xf32>
        %parallel_loop3A_576 = arith.sitofp %parallel_loop3A_549 : vector<16xi32> to vector<16xf32>
        %parallel_loop3A_577 = arith.constant 0.693147182 : f32
        %parallel_loop3A_578 = vector.broadcast %parallel_loop3A_577 : f32 to vector<16xf32>
        %parallel_loop3A_579 = arith.mulf %parallel_loop3A_576, %parallel_loop3A_578 : vector<16xf32>
        %parallel_loop3A_580 = arith.addf %parallel_loop3A_579, %parallel_loop3A_575 : vector<16xf32>
        %parallel_loop3A_581 = tpu.vector_load_idx %arg12[%parallel_loop3A_437, %parallel_loop3A_440] : memref<16x128xi32, #tpu.memory_space<vmem>>[vector<16xi32>, vector<16xi32>], vector<16xi32>,
        %parallel_loop3A_582 = arith.constant 255 : i32
        %parallel_loop3A_583 = vector.broadcast %parallel_loop3A_582 : i32 to vector<16xi32>
        %parallel_loop3A_584 = arith.cmpi ne, %parallel_loop3A_581, %parallel_loop3A_583 : vector<16xi32>
        %parallel_loop3A_585 = arith.constant 0 : i32
        %parallel_loop3A_586 = vector.broadcast %parallel_loop3A_585 : i32 to vector<16xi32>
        %parallel_loop3A_587 = arith.select %parallel_loop3A_584, %parallel_loop3A_581, %parallel_loop3A_586 : vector<16xi1>, vector<16xi32>
        %parallel_loop3A_588 = tpu.vector_load_idx %arg9[%parallel_loop3A_587, %parallel_loop3A_437, %parallel_loop3A_440] : memref<12x16x128xf32, #tpu.memory_space<vmem>>[vector<16xi32>, vector<16xi32>, vector<16xi32>], vector<16xf32>,
        %parallel_loop3A_589 = tpu.vector_load_idx %arg20[%parallel_loop3A_587] : memref<12xf32, #tpu.memory_space<vmem>>[vector<16xi32>], vector<16xf32>,
        %parallel_loop3A_590 = arith.constant 1.000000e+00 : f32
        %parallel_loop3A_591 = arith.constant 0.000000e+00 : f32
        %parallel_loop3A_592 = vector.broadcast %parallel_loop3A_590 : f32 to vector<16xf32>
        %parallel_loop3A_593 = vector.broadcast %parallel_loop3A_591 : f32 to vector<16xf32>
        %parallel_loop3A_594 = arith.select %parallel_loop3A_584, %parallel_loop3A_592, %parallel_loop3A_593 : vector<16xi1>, vector<16xf32>
        %parallel_loop3A_595 = arith.mulf %parallel_loop3A_589, %parallel_loop3A_594 : vector<16xf32>
        %parallel_loop3A_596 = arith.addf %parallel_loop3A_580, %parallel_loop3A_487 : vector<16xf32>
        %parallel_loop3A_597 = arith.subf %parallel_loop3A_596, %parallel_loop3A_588 : vector<16xf32>
        %parallel_loop3A_598 = arith.mulf %parallel_loop3A_597, %parallel_loop3A_595 : vector<16xf32>
        %parallel_loop3A_599 = arith.constant 0.000000e+00 : f32
        %parallel_loop3A_600 = vector.broadcast %parallel_loop3A_599 : f32 to vector<16xf32>
        %parallel_loop3A_601 = arith.select %parallel_loop3A_434, %parallel_loop3A_598, %parallel_loop3A_600 : vector<16xi1>, vector<16xf32>
        %parallel_loop3A_602 = arith.addf %parallel_loop3A_427, %parallel_loop3A_601 : vector<16xf32>
        scf.yield %parallel_loop3A_602 : vector<16xf32>
      } {sc.loop_unroll_factor = 2 : i64, sc.parallel_access}
      %add3A_331 = arith.addi %scan3A_153, %parallel_loop3A_297 : i32
      %add3A_332 = arith.constant 2 : i32
      %add3A_333 = arith.addi %mul3A_155, %add3A_332 : i32
      %lt3A = arith.constant 16 : i32
      %lt3A_334 = arith.cmpi slt, %add3A_333, %lt3A : i32
      %convert_element_type3A = arith.extui %lt3A_334 : i1 to i32
      %cond3A = arith.constant 0 : i32
      %cond3A_335 = arith.cmpi ne, %convert_element_type3A, %cond3A : i32
      scf.if %cond3A_335 {
        %add3A_426 = arith.constant 2 : i32
        %add3A_427 = arith.addi %mul3A_155, %add3A_426 : i32
        %mul3A_428 = arith.constant 2048 : i32
        %mul3A_429 = arith.muli %add3A_427, %mul3A_428 : i32
        %add3A_430 = arith.addi %sub3A_21, %mul3A_429 : i32
        %jit3A_431 = arith.constant 16384 : i32
        %div3A_432 = arith.divsi %add3A_430, %jit3A_431 : i32
        %sign3A_433 = arith.constant 0 : i32
        %sign3A_434 = arith.cmpi sgt, %add3A_430, %sign3A_433 : i32
        %sign3A_435 = arith.extui %sign3A_434 : i1 to i32
        %sign3A_436 = arith.constant 0 : i32
        %sign3A_437 = arith.cmpi slt, %add3A_430, %sign3A_436 : i32
        %sign3A_438 = arith.extui %sign3A_437 : i1 to i32
        %sign3A_439 = arith.subi %sign3A_435, %sign3A_438 : i32
        %sign3A_440 = arith.constant 0 : i32
        %sign3A_441 = arith.cmpi sgt, %jit3A_431, %sign3A_440 : i32
        %sign3A_442 = arith.extui %sign3A_441 : i1 to i32
        %sign3A_443 = arith.constant 0 : i32
        %sign3A_444 = arith.cmpi slt, %jit3A_431, %sign3A_443 : i32
        %sign3A_445 = arith.extui %sign3A_444 : i1 to i32
        %sign3A_446 = arith.subi %sign3A_442, %sign3A_445 : i32
        %ne3A_447 = arith.cmpi ne, %sign3A_439, %sign3A_446 : i32
        %rem3A_448 = arith.remsi %add3A_430, %jit3A_431 : i32
        %ne3A_449 = arith.constant 0 : i32
        %ne3A_450 = arith.cmpi ne, %rem3A_448, %ne3A_449 : i32
        %and3A_451 = arith.andi %ne3A_447, %ne3A_450 : i1
        %sub3A_452 = arith.constant 1 : i32
        %sub3A_453 = arith.subi %div3A_432, %sub3A_452 : i32
        %select_n3A_454 = arith.select %and3A_451, %sub3A_453, %div3A_432 : i32
        %mul3A_455 = arith.constant 16384 : i32
        %mul3A_456 = arith.muli %select_n3A_454, %mul3A_455 : i32
        %sub3A_457 = arith.subi %add3A_430, %mul3A_456 : i32
        %jit3A_458 = arith.constant 128 : i32
        %div3A_459 = arith.divsi %sub3A_457, %jit3A_458 : i32
        %sign3A_460 = arith.constant 0 : i32
        %sign3A_461 = arith.cmpi sgt, %sub3A_457, %sign3A_460 : i32
        %sign3A_462 = arith.extui %sign3A_461 : i1 to i32
        %sign3A_463 = arith.constant 0 : i32
        %sign3A_464 = arith.cmpi slt, %sub3A_457, %sign3A_463 : i32
        %sign3A_465 = arith.extui %sign3A_464 : i1 to i32
        %sign3A_466 = arith.subi %sign3A_462, %sign3A_465 : i32
        %sign3A_467 = arith.constant 0 : i32
        %sign3A_468 = arith.cmpi sgt, %jit3A_458, %sign3A_467 : i32
        %sign3A_469 = arith.extui %sign3A_468 : i1 to i32
        %sign3A_470 = arith.constant 0 : i32
        %sign3A_471 = arith.cmpi slt, %jit3A_458, %sign3A_470 : i32
        %sign3A_472 = arith.extui %sign3A_471 : i1 to i32
        %sign3A_473 = arith.subi %sign3A_469, %sign3A_472 : i32
        %ne3A_474 = arith.cmpi ne, %sign3A_466, %sign3A_473 : i32
        %rem3A_475 = arith.remsi %sub3A_457, %jit3A_458 : i32
        %ne3A_476 = arith.constant 0 : i32
        %ne3A_477 = arith.cmpi ne, %rem3A_475, %ne3A_476 : i32
        %and3A_478 = arith.andi %ne3A_474, %ne3A_477 : i1
        %sub3A_479 = arith.constant 1 : i32
        %sub3A_480 = arith.subi %div3A_459, %sub3A_479 : i32
        %select_n3A_481 = arith.select %and3A_478, %sub3A_480, %div3A_459 : i32
        %dma_start3A_482 = arith.constant 0 : i32
        %dma_start3A_483 = arith.constant 0 : i32
        %dma_start3A_484 = tpu.memref_slice %arg2[%select_n3A, %dma_start3A_482, %select_n3A_454, %select_n3A_481, %dma_start3A_483] : memref<2x12x32x128x128xf32, #tpu.memory_space<hbm>> -> memref<1x12x1x16x128xf32, #tpu.memory_space<hbm>>
        %dma_start3A_485 = tpu.memref_squeeze %dma_start3A_484 : memref<1x12x1x16x128xf32, #tpu.memory_space<hbm>> -> memref<12x16x128xf32, #tpu.memory_space<hbm>>
        %dma_start3A_486 = arith.constant 0 : i32
        %dma_start3A_487 = arith.constant 0 : i32
        %dma_start3A_488 = tpu.memref_slice %arg2[%select_n3A, %dma_start3A_486, %select_n3A_454, %select_n3A_481, %dma_start3A_487] : memref<2x12x32x128x128xf32, #tpu.memory_space<hbm>> -> memref<1x12x1x16x128xf32, #tpu.memory_space<hbm>>
        %dma_start3A_489 = tpu.memref_squeeze %dma_start3A_488 : memref<1x12x1x16x128xf32, #tpu.memory_space<hbm>> -> memref<12x16x128xf32, #tpu.memory_space<hbm>>
        tpu.enqueue_dma source(%dma_start3A_489 : memref<12x16x128xf32, #tpu.memory_space<hbm>>) target(%arg9 : memref<12x16x128xf32, #tpu.memory_space<vmem>>) target_semaphore(%arg23 : memref<!tpu.dma_semaphore, #tpu.memory_space<semaphore_mem>>)
        %dma_start3A_490 = arith.constant 0 : i32
        %dma_start3A_491 = arith.constant 0 : i32
        %dma_start3A_492 = tpu.memref_slice %arg5[%select_n3A, %dma_start3A_490, %select_n3A_454, %select_n3A_481, %dma_start3A_491] : memref<2x2x32x128x128xf32, #tpu.memory_space<hbm>> -> memref<1x1x1x16x128xf32, #tpu.memory_space<hbm>>
        %dma_start3A_493 = tpu.memref_squeeze %dma_start3A_492 : memref<1x1x1x16x128xf32, #tpu.memory_space<hbm>> -> memref<16x128xf32, #tpu.memory_space<hbm>>
        %dma_start3A_494 = arith.constant 0 : i32
        %dma_start3A_495 = tpu.memref_slice %arg5[%select_n3A, %dma_start3A_490, %select_n3A_454, %select_n3A_481, %dma_start3A_494] : memref<2x2x32x128x128xf32, #tpu.memory_space<hbm>> -> memref<1x1x1x16x128xf32, #tpu.memory_space<hbm>>
        %dma_start3A_496 = tpu.memref_squeeze %dma_start3A_495 : memref<1x1x1x16x128xf32, #tpu.memory_space<hbm>> -> memref<16x128xf32, #tpu.memory_space<hbm>>
        tpu.enqueue_dma source(%dma_start3A_496 : memref<16x128xf32, #tpu.memory_space<hbm>>) target(%arg10 : memref<16x128xf32, #tpu.memory_space<vmem>>) target_semaphore(%arg23 : memref<!tpu.dma_semaphore, #tpu.memory_space<semaphore_mem>>)
        %dma_start3A_497 = arith.constant 1 : i32
        %dma_start3A_498 = arith.constant 0 : i32
        %dma_start3A_499 = tpu.memref_slice %arg5[%select_n3A, %dma_start3A_497, %select_n3A_454, %select_n3A_481, %dma_start3A_498] : memref<2x2x32x128x128xf32, #tpu.memory_space<hbm>> -> memref<1x1x1x16x128xf32, #tpu.memory_space<hbm>>
        %dma_start3A_500 = tpu.memref_squeeze %dma_start3A_499 : memref<1x1x1x16x128xf32, #tpu.memory_space<hbm>> -> memref<16x128xf32, #tpu.memory_space<hbm>>
        %dma_start3A_501 = arith.constant 0 : i32
        %dma_start3A_502 = tpu.memref_slice %arg5[%select_n3A, %dma_start3A_497, %select_n3A_454, %select_n3A_481, %dma_start3A_501] : memref<2x2x32x128x128xf32, #tpu.memory_space<hbm>> -> memref<1x1x1x16x128xf32, #tpu.memory_space<hbm>>
        %dma_start3A_503 = tpu.memref_squeeze %dma_start3A_502 : memref<1x1x1x16x128xf32, #tpu.memory_space<hbm>> -> memref<16x128xf32, #tpu.memory_space<hbm>>
        tpu.enqueue_dma source(%dma_start3A_503 : memref<16x128xf32, #tpu.memory_space<hbm>>) target(%arg11 : memref<16x128xf32, #tpu.memory_space<vmem>>) target_semaphore(%arg23 : memref<!tpu.dma_semaphore, #tpu.memory_space<semaphore_mem>>)
        %dma_start3A_504 = arith.constant 0 : i32
        %dma_start3A_505 = tpu.memref_slice %arg3[%select_n3A, %select_n3A_454, %select_n3A_481, %dma_start3A_504] : memref<2x32x128x128xi32, #tpu.memory_space<hbm>> -> memref<1x1x16x128xi32, #tpu.memory_space<hbm>>
        %dma_start3A_506 = tpu.memref_squeeze %dma_start3A_505 : memref<1x1x16x128xi32, #tpu.memory_space<hbm>> -> memref<16x128xi32, #tpu.memory_space<hbm>>
        %dma_start3A_507 = arith.constant 0 : i32
        %dma_start3A_508 = tpu.memref_slice %arg3[%select_n3A, %select_n3A_454, %select_n3A_481, %dma_start3A_507] : memref<2x32x128x128xi32, #tpu.memory_space<hbm>> -> memref<1x1x16x128xi32, #tpu.memory_space<hbm>>
        %dma_start3A_509 = tpu.memref_squeeze %dma_start3A_508 : memref<1x1x16x128xi32, #tpu.memory_space<hbm>> -> memref<16x128xi32, #tpu.memory_space<hbm>>
        tpu.enqueue_dma source(%dma_start3A_509 : memref<16x128xi32, #tpu.memory_space<hbm>>) target(%arg12 : memref<16x128xi32, #tpu.memory_space<vmem>>) target_semaphore(%arg23 : memref<!tpu.dma_semaphore, #tpu.memory_space<semaphore_mem>>)
        %dma_start3A_510 = tpu.memref_slice %arg4[%select_n3A, %add3A_430] : memref<2x524288xi32, #tpu.memory_space<hbm>> -> memref<1x2048xi32, #tpu.memory_space<hbm>>
        %dma_start3A_511 = tpu.memref_squeeze %dma_start3A_510 : memref<1x2048xi32, #tpu.memory_space<hbm>> -> memref<2048xi32, #tpu.memory_space<hbm>>
        %dma_start3A_512 = tpu.memref_slice %arg4[%select_n3A, %add3A_430] : memref<2x524288xi32, #tpu.memory_space<hbm>> -> memref<1x2048xi32, #tpu.memory_space<hbm>>
        %dma_start3A_513 = tpu.memref_squeeze %dma_start3A_512 : memref<1x2048xi32, #tpu.memory_space<hbm>> -> memref<2048xi32, #tpu.memory_space<hbm>>
        tpu.enqueue_dma source(%dma_start3A_513 : memref<2048xi32, #tpu.memory_space<hbm>>) target(%arg13 : memref<2048xi32, #tpu.memory_space<vmem>>) target_semaphore(%arg23 : memref<!tpu.dma_semaphore, #tpu.memory_space<semaphore_mem>>)
      } else {
      }
      %dma_wait3A_336 = arith.constant 0 : i32
      %dma_wait3A_337 = arith.constant 0 : i32
      %dma_wait3A_338 = arith.constant 0 : i32
      %dma_wait3A_339 = arith.constant 0 : i32
      %dma_wait3A_340 = arith.constant 0 : i32
      %dma_wait3A_341 = tpu.memref_slice %arg2[%dma_wait3A_336, %dma_wait3A_338, %dma_wait3A_337, %dma_wait3A_339, %dma_wait3A_340] : memref<2x12x32x128x128xf32, #tpu.memory_space<hbm>> -> memref<1x12x1x16x128xf32, #tpu.memory_space<hbm>>
      %dma_wait3A_342 = tpu.memref_squeeze %dma_wait3A_341 : memref<1x12x1x16x128xf32, #tpu.memory_space<hbm>> -> memref<12x16x128xf32, #tpu.memory_space<hbm>>
      %dma_wait3A_343 = arith.constant 0 : i32
      %dma_wait3A_344 = arith.constant 0 : i32
      %dma_wait3A_345 = arith.constant 0 : i32
      %dma_wait3A_346 = tpu.memref_slice %arg2[%dma_wait3A_336, %dma_wait3A_343, %dma_wait3A_337, %dma_wait3A_344, %dma_wait3A_345] : memref<2x12x32x128x128xf32, #tpu.memory_space<hbm>> -> memref<1x12x1x16x128xf32, #tpu.memory_space<hbm>>
      %dma_wait3A_347 = tpu.memref_squeeze %dma_wait3A_346 : memref<1x12x1x16x128xf32, #tpu.memory_space<hbm>> -> memref<12x16x128xf32, #tpu.memory_space<hbm>>
      tpu.wait_dma2 semaphore(%arg24 : memref<!tpu.dma_semaphore, #tpu.memory_space<semaphore_mem>>) src(%dma_wait3A_347 : memref<12x16x128xf32, #tpu.memory_space<hbm>>) dst(%arg14 : memref<12x16x128xf32, #tpu.memory_space<vmem>>)
      %dma_wait3A_348 = arith.constant 0 : i32
      %dma_wait3A_349 = arith.constant 0 : i32
      %dma_wait3A_350 = arith.constant 0 : i32
      %dma_wait3A_351 = arith.constant 0 : i32
      %dma_wait3A_352 = arith.constant 0 : i32
      %dma_wait3A_353 = tpu.memref_slice %arg5[%dma_wait3A_348, %dma_wait3A_349, %dma_wait3A_350, %dma_wait3A_351, %dma_wait3A_352] : memref<2x2x32x128x128xf32, #tpu.memory_space<hbm>> -> memref<1x1x1x16x128xf32, #tpu.memory_space<hbm>>
      %dma_wait3A_354 = tpu.memref_squeeze %dma_wait3A_353 : memref<1x1x1x16x128xf32, #tpu.memory_space<hbm>> -> memref<16x128xf32, #tpu.memory_space<hbm>>
      %dma_wait3A_355 = arith.constant 0 : i32
      %dma_wait3A_356 = arith.constant 0 : i32
      %dma_wait3A_357 = tpu.memref_slice %arg5[%dma_wait3A_348, %dma_wait3A_349, %dma_wait3A_350, %dma_wait3A_355, %dma_wait3A_356] : memref<2x2x32x128x128xf32, #tpu.memory_space<hbm>> -> memref<1x1x1x16x128xf32, #tpu.memory_space<hbm>>
      %dma_wait3A_358 = tpu.memref_squeeze %dma_wait3A_357 : memref<1x1x1x16x128xf32, #tpu.memory_space<hbm>> -> memref<16x128xf32, #tpu.memory_space<hbm>>
      tpu.wait_dma2 semaphore(%arg24 : memref<!tpu.dma_semaphore, #tpu.memory_space<semaphore_mem>>) src(%dma_wait3A_358 : memref<16x128xf32, #tpu.memory_space<hbm>>) dst(%arg15 : memref<16x128xf32, #tpu.memory_space<vmem>>)
      %dma_wait3A_359 = arith.constant 0 : i32
      %dma_wait3A_360 = arith.constant 1 : i32
      %dma_wait3A_361 = arith.constant 0 : i32
      %dma_wait3A_362 = arith.constant 0 : i32
      %dma_wait3A_363 = arith.constant 0 : i32
      %dma_wait3A_364 = tpu.memref_slice %arg5[%dma_wait3A_359, %dma_wait3A_360, %dma_wait3A_361, %dma_wait3A_362, %dma_wait3A_363] : memref<2x2x32x128x128xf32, #tpu.memory_space<hbm>> -> memref<1x1x1x16x128xf32, #tpu.memory_space<hbm>>
      %dma_wait3A_365 = tpu.memref_squeeze %dma_wait3A_364 : memref<1x1x1x16x128xf32, #tpu.memory_space<hbm>> -> memref<16x128xf32, #tpu.memory_space<hbm>>
      %dma_wait3A_366 = arith.constant 0 : i32
      %dma_wait3A_367 = arith.constant 0 : i32
      %dma_wait3A_368 = tpu.memref_slice %arg5[%dma_wait3A_359, %dma_wait3A_360, %dma_wait3A_361, %dma_wait3A_366, %dma_wait3A_367] : memref<2x2x32x128x128xf32, #tpu.memory_space<hbm>> -> memref<1x1x1x16x128xf32, #tpu.memory_space<hbm>>
      %dma_wait3A_369 = tpu.memref_squeeze %dma_wait3A_368 : memref<1x1x1x16x128xf32, #tpu.memory_space<hbm>> -> memref<16x128xf32, #tpu.memory_space<hbm>>
      tpu.wait_dma2 semaphore(%arg24 : memref<!tpu.dma_semaphore, #tpu.memory_space<semaphore_mem>>) src(%dma_wait3A_369 : memref<16x128xf32, #tpu.memory_space<hbm>>) dst(%arg16 : memref<16x128xf32, #tpu.memory_space<vmem>>)
      %dma_wait3A_370 = arith.constant 0 : i32
      %dma_wait3A_371 = arith.constant 0 : i32
      %dma_wait3A_372 = arith.constant 0 : i32
      %dma_wait3A_373 = arith.constant 0 : i32
      %dma_wait3A_374 = tpu.memref_slice %arg3[%dma_wait3A_370, %dma_wait3A_371, %dma_wait3A_372, %dma_wait3A_373] : memref<2x32x128x128xi32, #tpu.memory_space<hbm>> -> memref<1x1x16x128xi32, #tpu.memory_space<hbm>>
      %dma_wait3A_375 = tpu.memref_squeeze %dma_wait3A_374 : memref<1x1x16x128xi32, #tpu.memory_space<hbm>> -> memref<16x128xi32, #tpu.memory_space<hbm>>
      %dma_wait3A_376 = arith.constant 0 : i32
      %dma_wait3A_377 = arith.constant 0 : i32
      %dma_wait3A_378 = tpu.memref_slice %arg3[%dma_wait3A_370, %dma_wait3A_371, %dma_wait3A_376, %dma_wait3A_377] : memref<2x32x128x128xi32, #tpu.memory_space<hbm>> -> memref<1x1x16x128xi32, #tpu.memory_space<hbm>>
      %dma_wait3A_379 = tpu.memref_squeeze %dma_wait3A_378 : memref<1x1x16x128xi32, #tpu.memory_space<hbm>> -> memref<16x128xi32, #tpu.memory_space<hbm>>
      tpu.wait_dma2 semaphore(%arg24 : memref<!tpu.dma_semaphore, #tpu.memory_space<semaphore_mem>>) src(%dma_wait3A_379 : memref<16x128xi32, #tpu.memory_space<hbm>>) dst(%arg17 : memref<16x128xi32, #tpu.memory_space<vmem>>)
      %dma_wait3A_380 = arith.constant 0 : i32
      %dma_wait3A_381 = arith.constant 0 : i32
      %dma_wait3A_382 = tpu.memref_slice %arg4[%dma_wait3A_380, %dma_wait3A_381] : memref<2x524288xi32, #tpu.memory_space<hbm>> -> memref<1x2048xi32, #tpu.memory_space<hbm>>
      %dma_wait3A_383 = tpu.memref_squeeze %dma_wait3A_382 : memref<1x2048xi32, #tpu.memory_space<hbm>> -> memref<2048xi32, #tpu.memory_space<hbm>>
      %dma_wait3A_384 = arith.constant 0 : i32
      %dma_wait3A_385 = tpu.memref_slice %arg4[%dma_wait3A_380, %dma_wait3A_384] : memref<2x524288xi32, #tpu.memory_space<hbm>> -> memref<1x2048xi32, #tpu.memory_space<hbm>>
      %dma_wait3A_386 = tpu.memref_squeeze %dma_wait3A_385 : memref<1x2048xi32, #tpu.memory_space<hbm>> -> memref<2048xi32, #tpu.memory_space<hbm>>
      tpu.wait_dma2 semaphore(%arg24 : memref<!tpu.dma_semaphore, #tpu.memory_space<semaphore_mem>>) src(%dma_wait3A_386 : memref<2048xi32, #tpu.memory_space<hbm>>) dst(%arg18 : memref<2048xi32, #tpu.memory_space<vmem>>)
      %parallel_loop3A_387 = arith.constant 0 : i32
      %parallel_loop3A_388 = arith.constant 128 : i32
      %parallel_loop3A_389 = arith.constant 1 : i32
      %parallel_loop3A_390 = arith.constant 0 : i32
      %parallel_loop3A_391 = scf.for %parallel_loop3A_426 = %parallel_loop3A_387 to %parallel_loop3A_388 step %parallel_loop3A_389 iter_args(%parallel_loop3A_427 = %parallel_loop3A_390) -> (i32)  : i32 {
        %parallel_loop3A_428 = arith.constant 16 : i32
        %parallel_loop3A_429 = arith.muli %parallel_loop3A_426, %parallel_loop3A_428 : i32
        %parallel_loop3A_430 = arith.constant 8 : i32
        %parallel_loop3A_431 = arith.divsi %parallel_loop3A_426, %parallel_loop3A_430 : i32
        %parallel_loop3A_432 = arith.constant 0 : i32
        %parallel_loop3A_433 = arith.cmpi sgt, %parallel_loop3A_426, %parallel_loop3A_432 : i32
        %parallel_loop3A_434 = arith.extui %parallel_loop3A_433 : i1 to i32
        %parallel_loop3A_435 = arith.constant 0 : i32
        %parallel_loop3A_436 = arith.cmpi slt, %parallel_loop3A_426, %parallel_loop3A_435 : i32
        %parallel_loop3A_437 = arith.extui %parallel_loop3A_436 : i1 to i32
        %parallel_loop3A_438 = arith.subi %parallel_loop3A_434, %parallel_loop3A_437 : i32
        %parallel_loop3A_439 = arith.constant 0 : i32
        %parallel_loop3A_440 = arith.cmpi sgt, %parallel_loop3A_430, %parallel_loop3A_439 : i32
        %parallel_loop3A_441 = arith.extui %parallel_loop3A_440 : i1 to i32
        %parallel_loop3A_442 = arith.constant 0 : i32
        %parallel_loop3A_443 = arith.cmpi slt, %parallel_loop3A_430, %parallel_loop3A_442 : i32
        %parallel_loop3A_444 = arith.extui %parallel_loop3A_443 : i1 to i32
        %parallel_loop3A_445 = arith.subi %parallel_loop3A_441, %parallel_loop3A_444 : i32
        %parallel_loop3A_446 = arith.cmpi ne, %parallel_loop3A_438, %parallel_loop3A_445 : i32
        %parallel_loop3A_447 = arith.remsi %parallel_loop3A_426, %parallel_loop3A_430 : i32
        %parallel_loop3A_448 = arith.constant 0 : i32
        %parallel_loop3A_449 = arith.cmpi ne, %parallel_loop3A_447, %parallel_loop3A_448 : i32
        %parallel_loop3A_450 = arith.andi %parallel_loop3A_446, %parallel_loop3A_449 : i1
        %parallel_loop3A_451 = arith.constant 1 : i32
        %parallel_loop3A_452 = arith.subi %parallel_loop3A_431, %parallel_loop3A_451 : i32
        %parallel_loop3A_453 = arith.select %parallel_loop3A_450, %parallel_loop3A_452, %parallel_loop3A_431 : i32
        %parallel_loop3A_454 = arith.constant 8 : i32
        %parallel_loop3A_455 = arith.muli %parallel_loop3A_453, %parallel_loop3A_454 : i32
        %parallel_loop3A_456 = arith.subi %parallel_loop3A_426, %parallel_loop3A_455 : i32
        %parallel_loop3A_457 = arith.constant 16 : i32
        %parallel_loop3A_458 = arith.muli %parallel_loop3A_456, %parallel_loop3A_457 : i32
        %parallel_loop3A_459 = arith.index_cast %parallel_loop3A_453 : i32 to index
        %parallel_loop3A_460 = arith.index_cast %parallel_loop3A_458 : i32 to index
        %parallel_loop3A_461 = tpu.vector_load %arg15[%parallel_loop3A_459, %parallel_loop3A_460] {strides = array<i32>} : memref<16x128xf32, #tpu.memory_space<vmem>>, vector<16xf32>,
        %parallel_loop3A_462 = arith.index_cast %parallel_loop3A_453 : i32 to index
        %parallel_loop3A_463 = arith.index_cast %parallel_loop3A_458 : i32 to index
        %parallel_loop3A_464 = tpu.vector_load %arg16[%parallel_loop3A_462, %parallel_loop3A_463] {strides = array<i32>} : memref<16x128xf32, #tpu.memory_space<vmem>>, vector<16xf32>,
        %parallel_loop3A_465 = arith.index_cast %parallel_loop3A_429 : i32 to index
        %parallel_loop3A_466 = tpu.vector_load %arg18[%parallel_loop3A_465] {strides = array<i32>} : memref<2048xi32, #tpu.memory_space<vmem>>, vector<16xi32>,
        %parallel_loop3A_467 = arith.cmpf ogt, %parallel_loop3A_464, %parallel_loop3A_461 : vector<16xf32>
        %parallel_loop3A_468 = arith.constant 1 : i32
        %parallel_loop3A_469 = arith.constant 0 : i32
        %parallel_loop3A_470 = vector.broadcast %parallel_loop3A_468 : i32 to vector<16xi32>
        %parallel_loop3A_471 = vector.broadcast %parallel_loop3A_469 : i32 to vector<16xi32>
        %parallel_loop3A_472 = arith.select %parallel_loop3A_467, %parallel_loop3A_470, %parallel_loop3A_471 : vector<16xi1>, vector<16xi32>
        %parallel_loop3A_473 = arith.andi %parallel_loop3A_472, %parallel_loop3A_466 : vector<16xi32>
        %parallel_loop3A_474 = arith.constant 0 : i32
        %parallel_loop3A_475 = vector.broadcast %parallel_loop3A_474 : i32 to vector<16xi32>
        %parallel_loop3A_476 = arith.cmpi ne, %parallel_loop3A_473, %parallel_loop3A_475 : vector<16xi32>
        %parallel_loop3A_477 = vector.broadcast %parallel_loop3A_429 : i32 to vector<16xi32>
        %parallel_loop3A_478 = arith.addi %parallel_loop3A_477, %iota3A : vector<16xi32>
        %parallel_loop3A_479 = arith.index_cast %parallel_loop3A_427 : i32 to index
        %parallel_loop3A_480 = tpu.vector_load %arg19[%parallel_loop3A_479] masked %parallel_loop3A_476 {strides = array<i32>} : memref<2064xi32, #tpu.memory_space<vmem>>, vector<16xi32>, vector<16xi1>
        tpu.vector_store %arg19[%parallel_loop3A_479], %parallel_loop3A_478 masked %parallel_loop3A_476 {strides = array<i32>} : memref<2064xi32, #tpu.memory_space<vmem>>, vector<16xi32>, vector<16xi1>
        %parallel_loop3A_481 = arith.extui %parallel_loop3A_476 : vector<16xi1> to vector<16xi32>
        %parallel_loop3A_482 = arith.constant true
        %parallel_loop3A_483 = vector.broadcast %parallel_loop3A_482 : i1 to vector<16xi1>
        %parallel_loop3A_484 = tpu.scan <sum>, %parallel_loop3A_481 masked %parallel_loop3A_483 : vector<16xi32>, vector<16xi1> -> vector<16xi32>
        %parallel_loop3A_485 = vector.extract %parallel_loop3A_484[15] : i32 from vector<16xi32>
        %parallel_loop3A_486 = arith.addi %parallel_loop3A_427, %parallel_loop3A_485 : i32
        scf.yield %parallel_loop3A_486 : i32
      } {sc.loop_unroll_factor = 4 : i64, sc.parallel_access}
      %broadcast_in_dim3A_392 = arith.constant 0 : i32
      %broadcast_in_dim3A_393 = vector.broadcast %broadcast_in_dim3A_392 : i32 to vector<16xi32>
      %swap3A_394 = arith.index_cast %parallel_loop3A_391 : i32 to index
      %swap3A_395 = tpu.vector_load %arg19[%swap3A_394] {strides = array<i32>} : memref<2064xi32, #tpu.memory_space<vmem>>, vector<16xi32>,
      tpu.vector_store %arg19[%swap3A_394], %broadcast_in_dim3A_393 {strides = array<i32>} : memref<2064xi32, #tpu.memory_space<vmem>>, vector<16xi32>,
      %add3A_396 = arith.constant 15 : i32
      %add3A_397 = arith.addi %parallel_loop3A_391, %add3A_396 : i32
      %jit3A_398 = arith.constant 16 : i32
      %div3A_399 = arith.divsi %add3A_397, %jit3A_398 : i32
      %sign3A_400 = arith.constant 0 : i32
      %sign3A_401 = arith.cmpi sgt, %add3A_397, %sign3A_400 : i32
      %sign3A_402 = arith.extui %sign3A_401 : i1 to i32
      %sign3A_403 = arith.constant 0 : i32
      %sign3A_404 = arith.cmpi slt, %add3A_397, %sign3A_403 : i32
      %sign3A_405 = arith.extui %sign3A_404 : i1 to i32
      %sign3A_406 = arith.subi %sign3A_402, %sign3A_405 : i32
      %sign3A_407 = arith.constant 0 : i32
      %sign3A_408 = arith.cmpi sgt, %jit3A_398, %sign3A_407 : i32
      %sign3A_409 = arith.extui %sign3A_408 : i1 to i32
      %sign3A_410 = arith.constant 0 : i32
      %sign3A_411 = arith.cmpi slt, %jit3A_398, %sign3A_410 : i32
      %sign3A_412 = arith.extui %sign3A_411 : i1 to i32
      %sign3A_413 = arith.subi %sign3A_409, %sign3A_412 : i32
      %ne3A_414 = arith.cmpi ne, %sign3A_406, %sign3A_413 : i32
      %rem3A_415 = arith.remsi %add3A_397, %jit3A_398 : i32
      %ne3A_416 = arith.constant 0 : i32
      %ne3A_417 = arith.cmpi ne, %rem3A_415, %ne3A_416 : i32
      %and3A_418 = arith.andi %ne3A_414, %ne3A_417 : i1
      %sub3A_419 = arith.constant 1 : i32
      %sub3A_420 = arith.subi %div3A_399, %sub3A_419 : i32
      %select_n3A_421 = arith.select %and3A_418, %sub3A_420, %div3A_399 : i32
      %parallel_loop3A_422 = arith.constant 0 : i32
      %parallel_loop3A_423 = arith.constant 1 : i32
      %parallel_loop3A_424 = scf.for %parallel_loop3A_426 = %parallel_loop3A_422 to %select_n3A_421 step %parallel_loop3A_423 iter_args(%parallel_loop3A_427 = %parallel_loop3A_330) -> (vector<16xf32>)  : i32 {
        %parallel_loop3A_428 = arith.constant 16 : i32
        %parallel_loop3A_429 = arith.muli %parallel_loop3A_426, %parallel_loop3A_428 : i32
        %parallel_loop3A_430 = arith.index_cast %parallel_loop3A_429 : i32 to index
        %parallel_loop3A_431 = tpu.vector_load %arg19[%parallel_loop3A_430] {strides = array<i32>} : memref<2064xi32, #tpu.memory_space<vmem>>, vector<16xi32>,
        %parallel_loop3A_432 = arith.subi %parallel_loop3A_391, %parallel_loop3A_429 : i32
        %parallel_loop3A_433 = vector.broadcast %parallel_loop3A_432 : i32 to vector<16xi32>
        %parallel_loop3A_434 = arith.cmpi slt, %iota3A, %parallel_loop3A_433 : vector<16xi32>
        %parallel_loop3A_435 = arith.constant 7 : i32
        %parallel_loop3A_436 = vector.broadcast %parallel_loop3A_435 : i32 to vector<16xi32>
        %parallel_loop3A_437 = arith.shrsi %parallel_loop3A_431, %parallel_loop3A_436 : vector<16xi32>
        %parallel_loop3A_438 = arith.constant 127 : i32
        %parallel_loop3A_439 = vector.broadcast %parallel_loop3A_438 : i32 to vector<16xi32>
        %parallel_loop3A_440 = arith.andi %parallel_loop3A_431, %parallel_loop3A_439 : vector<16xi32>
        %parallel_loop3A_441 = arith.constant 0 : i32
        %parallel_loop3A_442 = vector.broadcast %parallel_loop3A_441 : i32 to vector<16xi32>
        %parallel_loop3A_443 = tpu.vector_load_idx %arg14[%parallel_loop3A_442, %parallel_loop3A_437, %parallel_loop3A_440] : memref<12x16x128xf32, #tpu.memory_space<vmem>>[vector<16xi32>, vector<16xi32>, vector<16xi32>], vector<16xf32>,
        %parallel_loop3A_444 = arith.constant 1 : i32
        %parallel_loop3A_445 = vector.broadcast %parallel_loop3A_444 : i32 to vector<16xi32>
        %parallel_loop3A_446 = tpu.vector_load_idx %arg14[%parallel_loop3A_445, %parallel_loop3A_437, %parallel_loop3A_440] : memref<12x16x128xf32, #tpu.memory_space<vmem>>[vector<16xi32>, vector<16xi32>, vector<16xi32>], vector<16xf32>,
        %parallel_loop3A_447 = arith.constant 2 : i32
        %parallel_loop3A_448 = vector.broadcast %parallel_loop3A_447 : i32 to vector<16xi32>
        %parallel_loop3A_449 = tpu.vector_load_idx %arg14[%parallel_loop3A_448, %parallel_loop3A_437, %parallel_loop3A_440] : memref<12x16x128xf32, #tpu.memory_space<vmem>>[vector<16xi32>, vector<16xi32>, vector<16xi32>], vector<16xf32>,
        %parallel_loop3A_450 = arith.constant 3 : i32
        %parallel_loop3A_451 = vector.broadcast %parallel_loop3A_450 : i32 to vector<16xi32>
        %parallel_loop3A_452 = tpu.vector_load_idx %arg14[%parallel_loop3A_451, %parallel_loop3A_437, %parallel_loop3A_440] : memref<12x16x128xf32, #tpu.memory_space<vmem>>[vector<16xi32>, vector<16xi32>, vector<16xi32>], vector<16xf32>,
        %parallel_loop3A_453 = arith.constant 4 : i32
        %parallel_loop3A_454 = vector.broadcast %parallel_loop3A_453 : i32 to vector<16xi32>
        %parallel_loop3A_455 = tpu.vector_load_idx %arg14[%parallel_loop3A_454, %parallel_loop3A_437, %parallel_loop3A_440] : memref<12x16x128xf32, #tpu.memory_space<vmem>>[vector<16xi32>, vector<16xi32>, vector<16xi32>], vector<16xf32>,
        %parallel_loop3A_456 = arith.constant 5 : i32
        %parallel_loop3A_457 = vector.broadcast %parallel_loop3A_456 : i32 to vector<16xi32>
        %parallel_loop3A_458 = tpu.vector_load_idx %arg14[%parallel_loop3A_457, %parallel_loop3A_437, %parallel_loop3A_440] : memref<12x16x128xf32, #tpu.memory_space<vmem>>[vector<16xi32>, vector<16xi32>, vector<16xi32>], vector<16xf32>,
        %parallel_loop3A_459 = arith.constant 6 : i32
        %parallel_loop3A_460 = vector.broadcast %parallel_loop3A_459 : i32 to vector<16xi32>
        %parallel_loop3A_461 = tpu.vector_load_idx %arg14[%parallel_loop3A_460, %parallel_loop3A_437, %parallel_loop3A_440] : memref<12x16x128xf32, #tpu.memory_space<vmem>>[vector<16xi32>, vector<16xi32>, vector<16xi32>], vector<16xf32>,
        %parallel_loop3A_462 = arith.constant 7 : i32
        %parallel_loop3A_463 = vector.broadcast %parallel_loop3A_462 : i32 to vector<16xi32>
        %parallel_loop3A_464 = tpu.vector_load_idx %arg14[%parallel_loop3A_463, %parallel_loop3A_437, %parallel_loop3A_440] : memref<12x16x128xf32, #tpu.memory_space<vmem>>[vector<16xi32>, vector<16xi32>, vector<16xi32>], vector<16xf32>,
        %parallel_loop3A_465 = arith.constant 8 : i32
        %parallel_loop3A_466 = vector.broadcast %parallel_loop3A_465 : i32 to vector<16xi32>
        %parallel_loop3A_467 = tpu.vector_load_idx %arg14[%parallel_loop3A_466, %parallel_loop3A_437, %parallel_loop3A_440] : memref<12x16x128xf32, #tpu.memory_space<vmem>>[vector<16xi32>, vector<16xi32>, vector<16xi32>], vector<16xf32>,
        %parallel_loop3A_468 = arith.constant 9 : i32
        %parallel_loop3A_469 = vector.broadcast %parallel_loop3A_468 : i32 to vector<16xi32>
        %parallel_loop3A_470 = tpu.vector_load_idx %arg14[%parallel_loop3A_469, %parallel_loop3A_437, %parallel_loop3A_440] : memref<12x16x128xf32, #tpu.memory_space<vmem>>[vector<16xi32>, vector<16xi32>, vector<16xi32>], vector<16xf32>,
        %parallel_loop3A_471 = arith.constant 10 : i32
        %parallel_loop3A_472 = vector.broadcast %parallel_loop3A_471 : i32 to vector<16xi32>
        %parallel_loop3A_473 = tpu.vector_load_idx %arg14[%parallel_loop3A_472, %parallel_loop3A_437, %parallel_loop3A_440] : memref<12x16x128xf32, #tpu.memory_space<vmem>>[vector<16xi32>, vector<16xi32>, vector<16xi32>], vector<16xf32>,
        %parallel_loop3A_474 = arith.constant 11 : i32
        %parallel_loop3A_475 = vector.broadcast %parallel_loop3A_474 : i32 to vector<16xi32>
        %parallel_loop3A_476 = tpu.vector_load_idx %arg14[%parallel_loop3A_475, %parallel_loop3A_437, %parallel_loop3A_440] : memref<12x16x128xf32, #tpu.memory_space<vmem>>[vector<16xi32>, vector<16xi32>, vector<16xi32>], vector<16xf32>,
        %parallel_loop3A_477 = arith.maximumf %parallel_loop3A_443, %parallel_loop3A_446 : vector<16xf32>
        %parallel_loop3A_478 = arith.maximumf %parallel_loop3A_449, %parallel_loop3A_452 : vector<16xf32>
        %parallel_loop3A_479 = arith.maximumf %parallel_loop3A_455, %parallel_loop3A_458 : vector<16xf32>
        %parallel_loop3A_480 = arith.maximumf %parallel_loop3A_461, %parallel_loop3A_464 : vector<16xf32>
        %parallel_loop3A_481 = arith.maximumf %parallel_loop3A_467, %parallel_loop3A_470 : vector<16xf32>
        %parallel_loop3A_482 = arith.maximumf %parallel_loop3A_473, %parallel_loop3A_476 : vector<16xf32>
        %parallel_loop3A_483 = arith.maximumf %parallel_loop3A_477, %parallel_loop3A_478 : vector<16xf32>
        %parallel_loop3A_484 = arith.maximumf %parallel_loop3A_479, %parallel_loop3A_480 : vector<16xf32>
        %parallel_loop3A_485 = arith.maximumf %parallel_loop3A_481, %parallel_loop3A_482 : vector<16xf32>
        %parallel_loop3A_486 = arith.maximumf %parallel_loop3A_483, %parallel_loop3A_484 : vector<16xf32>
        %parallel_loop3A_487 = arith.maximumf %parallel_loop3A_486, %parallel_loop3A_485 : vector<16xf32>
        %parallel_loop3A_488 = arith.subf %parallel_loop3A_443, %parallel_loop3A_487 : vector<16xf32>
        %parallel_loop3A_489 = math.exp %parallel_loop3A_488 : vector<16xf32>
        %parallel_loop3A_490 = arith.subf %parallel_loop3A_446, %parallel_loop3A_487 : vector<16xf32>
        %parallel_loop3A_491 = math.exp %parallel_loop3A_490 : vector<16xf32>
        %parallel_loop3A_492 = arith.subf %parallel_loop3A_449, %parallel_loop3A_487 : vector<16xf32>
        %parallel_loop3A_493 = math.exp %parallel_loop3A_492 : vector<16xf32>
        %parallel_loop3A_494 = arith.subf %parallel_loop3A_452, %parallel_loop3A_487 : vector<16xf32>
        %parallel_loop3A_495 = math.exp %parallel_loop3A_494 : vector<16xf32>
        %parallel_loop3A_496 = arith.subf %parallel_loop3A_455, %parallel_loop3A_487 : vector<16xf32>
        %parallel_loop3A_497 = math.exp %parallel_loop3A_496 : vector<16xf32>
        %parallel_loop3A_498 = arith.subf %parallel_loop3A_458, %parallel_loop3A_487 : vector<16xf32>
        %parallel_loop3A_499 = math.exp %parallel_loop3A_498 : vector<16xf32>
        %parallel_loop3A_500 = arith.subf %parallel_loop3A_461, %parallel_loop3A_487 : vector<16xf32>
        %parallel_loop3A_501 = math.exp %parallel_loop3A_500 : vector<16xf32>
        %parallel_loop3A_502 = arith.subf %parallel_loop3A_464, %parallel_loop3A_487 : vector<16xf32>
        %parallel_loop3A_503 = math.exp %parallel_loop3A_502 : vector<16xf32>
        %parallel_loop3A_504 = arith.subf %parallel_loop3A_467, %parallel_loop3A_487 : vector<16xf32>
        %parallel_loop3A_505 = math.exp %parallel_loop3A_504 : vector<16xf32>
        %parallel_loop3A_506 = arith.subf %parallel_loop3A_470, %parallel_loop3A_487 : vector<16xf32>
        %parallel_loop3A_507 = math.exp %parallel_loop3A_506 : vector<16xf32>
        %parallel_loop3A_508 = arith.subf %parallel_loop3A_473, %parallel_loop3A_487 : vector<16xf32>
        %parallel_loop3A_509 = math.exp %parallel_loop3A_508 : vector<16xf32>
        %parallel_loop3A_510 = arith.subf %parallel_loop3A_476, %parallel_loop3A_487 : vector<16xf32>
        %parallel_loop3A_511 = math.exp %parallel_loop3A_510 : vector<16xf32>
        %parallel_loop3A_512 = arith.addf %parallel_loop3A_489, %parallel_loop3A_491 : vector<16xf32>
        %parallel_loop3A_513 = arith.addf %parallel_loop3A_493, %parallel_loop3A_495 : vector<16xf32>
        %parallel_loop3A_514 = arith.addf %parallel_loop3A_497, %parallel_loop3A_499 : vector<16xf32>
        %parallel_loop3A_515 = arith.addf %parallel_loop3A_501, %parallel_loop3A_503 : vector<16xf32>
        %parallel_loop3A_516 = arith.addf %parallel_loop3A_505, %parallel_loop3A_507 : vector<16xf32>
        %parallel_loop3A_517 = arith.addf %parallel_loop3A_509, %parallel_loop3A_511 : vector<16xf32>
        %parallel_loop3A_518 = arith.addf %parallel_loop3A_512, %parallel_loop3A_513 : vector<16xf32>
        %parallel_loop3A_519 = arith.addf %parallel_loop3A_514, %parallel_loop3A_515 : vector<16xf32>
        %parallel_loop3A_520 = arith.addf %parallel_loop3A_516, %parallel_loop3A_517 : vector<16xf32>
        %parallel_loop3A_521 = arith.addf %parallel_loop3A_518, %parallel_loop3A_519 : vector<16xf32>
        %parallel_loop3A_522 = arith.addf %parallel_loop3A_521, %parallel_loop3A_520 : vector<16xf32>
        %parallel_loop3A_523 = tpu.bitcast %parallel_loop3A_522 : vector<16xf32> -> vector<16xi32>
        %parallel_loop3A_524 = arith.constant 23 : i32
        %parallel_loop3A_525 = vector.broadcast %parallel_loop3A_524 : i32 to vector<16xi32>
        %parallel_loop3A_526 = arith.shrsi %parallel_loop3A_523, %parallel_loop3A_525 : vector<16xi32>
        %parallel_loop3A_527 = arith.constant 127 : i32
        %parallel_loop3A_528 = vector.broadcast %parallel_loop3A_527 : i32 to vector<16xi32>
        %parallel_loop3A_529 = arith.subi %parallel_loop3A_526, %parallel_loop3A_528 : vector<16xi32>
        %parallel_loop3A_530 = arith.constant 8388607 : i32
        %parallel_loop3A_531 = vector.broadcast %parallel_loop3A_530 : i32 to vector<16xi32>
        %parallel_loop3A_532 = arith.andi %parallel_loop3A_523, %parallel_loop3A_531 : vector<16xi32>
        %parallel_loop3A_533 = arith.constant 1065353216 : i32
        %parallel_loop3A_534 = vector.broadcast %parallel_loop3A_533 : i32 to vector<16xi32>
        %parallel_loop3A_535 = arith.ori %parallel_loop3A_532, %parallel_loop3A_534 : vector<16xi32>
        %parallel_loop3A_536 = tpu.bitcast %parallel_loop3A_535 : vector<16xi32> -> vector<16xf32>
        %parallel_loop3A_537 = arith.constant 1.41421354 : f32
        %parallel_loop3A_538 = vector.broadcast %parallel_loop3A_537 : f32 to vector<16xf32>
        %parallel_loop3A_539 = arith.cmpf ogt, %parallel_loop3A_536, %parallel_loop3A_538 : vector<16xf32>
        %parallel_loop3A_540 = arith.constant 5.000000e-01 : f32
        %parallel_loop3A_541 = vector.broadcast %parallel_loop3A_540 : f32 to vector<16xf32>
        %parallel_loop3A_542 = arith.mulf %parallel_loop3A_536, %parallel_loop3A_541 : vector<16xf32>
        %parallel_loop3A_543 = arith.select %parallel_loop3A_539, %parallel_loop3A_542, %parallel_loop3A_536 : vector<16xi1>, vector<16xf32>
        %parallel_loop3A_544 = arith.constant 1 : i32
        %parallel_loop3A_545 = arith.constant 0 : i32
        %parallel_loop3A_546 = vector.broadcast %parallel_loop3A_544 : i32 to vector<16xi32>
        %parallel_loop3A_547 = vector.broadcast %parallel_loop3A_545 : i32 to vector<16xi32>
        %parallel_loop3A_548 = arith.select %parallel_loop3A_539, %parallel_loop3A_546, %parallel_loop3A_547 : vector<16xi1>, vector<16xi32>
        %parallel_loop3A_549 = arith.addi %parallel_loop3A_529, %parallel_loop3A_548 : vector<16xi32>
        %parallel_loop3A_550 = arith.constant 1.000000e+00 : f32
        %parallel_loop3A_551 = vector.broadcast %parallel_loop3A_550 : f32 to vector<16xf32>
        %parallel_loop3A_552 = arith.subf %parallel_loop3A_543, %parallel_loop3A_551 : vector<16xf32>
        %parallel_loop3A_553 = arith.constant 1.000000e+00 : f32
        %parallel_loop3A_554 = vector.broadcast %parallel_loop3A_553 : f32 to vector<16xf32>
        %parallel_loop3A_555 = arith.addf %parallel_loop3A_543, %parallel_loop3A_554 : vector<16xf32>
        %parallel_loop3A_556 = arith.divf %parallel_loop3A_552, %parallel_loop3A_555 : vector<16xf32>
        %parallel_loop3A_557 = arith.mulf %parallel_loop3A_556, %parallel_loop3A_556 : vector<16xf32>
        %parallel_loop3A_558 = arith.constant 2.000000e+00 : f32
        %parallel_loop3A_559 = vector.broadcast %parallel_loop3A_558 : f32 to vector<16xf32>
        %parallel_loop3A_560 = arith.mulf %parallel_loop3A_559, %parallel_loop3A_556 : vector<16xf32>
        %parallel_loop3A_561 = arith.constant 0.142857149 : f32
        %parallel_loop3A_562 = vector.broadcast %parallel_loop3A_561 : f32 to vector<16xf32>
        %parallel_loop3A_563 = arith.mulf %parallel_loop3A_557, %parallel_loop3A_562 : vector<16xf32>
        %parallel_loop3A_564 = arith.constant 2.000000e-01 : f32
        %parallel_loop3A_565 = vector.broadcast %parallel_loop3A_564 : f32 to vector<16xf32>
        %parallel_loop3A_566 = arith.addf %parallel_loop3A_565, %parallel_loop3A_563 : vector<16xf32>
        %parallel_loop3A_567 = arith.mulf %parallel_loop3A_557, %parallel_loop3A_566 : vector<16xf32>
        %parallel_loop3A_568 = arith.constant 0.333333343 : f32
        %parallel_loop3A_569 = vector.broadcast %parallel_loop3A_568 : f32 to vector<16xf32>
        %parallel_loop3A_570 = arith.addf %parallel_loop3A_569, %parallel_loop3A_567 : vector<16xf32>
        %parallel_loop3A_571 = arith.mulf %parallel_loop3A_557, %parallel_loop3A_570 : vector<16xf32>
        %parallel_loop3A_572 = arith.constant 1.000000e+00 : f32
        %parallel_loop3A_573 = vector.broadcast %parallel_loop3A_572 : f32 to vector<16xf32>
        %parallel_loop3A_574 = arith.addf %parallel_loop3A_573, %parallel_loop3A_571 : vector<16xf32>
        %parallel_loop3A_575 = arith.mulf %parallel_loop3A_560, %parallel_loop3A_574 : vector<16xf32>
        %parallel_loop3A_576 = arith.sitofp %parallel_loop3A_549 : vector<16xi32> to vector<16xf32>
        %parallel_loop3A_577 = arith.constant 0.693147182 : f32
        %parallel_loop3A_578 = vector.broadcast %parallel_loop3A_577 : f32 to vector<16xf32>
        %parallel_loop3A_579 = arith.mulf %parallel_loop3A_576, %parallel_loop3A_578 : vector<16xf32>
        %parallel_loop3A_580 = arith.addf %parallel_loop3A_579, %parallel_loop3A_575 : vector<16xf32>
        %parallel_loop3A_581 = tpu.vector_load_idx %arg17[%parallel_loop3A_437, %parallel_loop3A_440] : memref<16x128xi32, #tpu.memory_space<vmem>>[vector<16xi32>, vector<16xi32>], vector<16xi32>,
        %parallel_loop3A_582 = arith.constant 255 : i32
        %parallel_loop3A_583 = vector.broadcast %parallel_loop3A_582 : i32 to vector<16xi32>
        %parallel_loop3A_584 = arith.cmpi ne, %parallel_loop3A_581, %parallel_loop3A_583 : vector<16xi32>
        %parallel_loop3A_585 = arith.constant 0 : i32
        %parallel_loop3A_586 = vector.broadcast %parallel_loop3A_585 : i32 to vector<16xi32>
        %parallel_loop3A_587 = arith.select %parallel_loop3A_584, %parallel_loop3A_581, %parallel_loop3A_586 : vector<16xi1>, vector<16xi32>
        %parallel_loop3A_588 = tpu.vector_load_idx %arg14[%parallel_loop3A_587, %parallel_loop3A_437, %parallel_loop3A_440] : memref<12x16x128xf32, #tpu.memory_space<vmem>>[vector<16xi32>, vector<16xi32>, vector<16xi32>], vector<16xf32>,
        %parallel_loop3A_589 = tpu.vector_load_idx %arg20[%parallel_loop3A_587] : memref<12xf32, #tpu.memory_space<vmem>>[vector<16xi32>], vector<16xf32>,
        %parallel_loop3A_590 = arith.constant 1.000000e+00 : f32
        %parallel_loop3A_591 = arith.constant 0.000000e+00 : f32
        %parallel_loop3A_592 = vector.broadcast %parallel_loop3A_590 : f32 to vector<16xf32>
        %parallel_loop3A_593 = vector.broadcast %parallel_loop3A_591 : f32 to vector<16xf32>
        %parallel_loop3A_594 = arith.select %parallel_loop3A_584, %parallel_loop3A_592, %parallel_loop3A_593 : vector<16xi1>, vector<16xf32>
        %parallel_loop3A_595 = arith.mulf %parallel_loop3A_589, %parallel_loop3A_594 : vector<16xf32>
        %parallel_loop3A_596 = arith.addf %parallel_loop3A_580, %parallel_loop3A_487 : vector<16xf32>
        %parallel_loop3A_597 = arith.subf %parallel_loop3A_596, %parallel_loop3A_588 : vector<16xf32>
        %parallel_loop3A_598 = arith.mulf %parallel_loop3A_597, %parallel_loop3A_595 : vector<16xf32>
        %parallel_loop3A_599 = arith.constant 0.000000e+00 : f32
        %parallel_loop3A_600 = vector.broadcast %parallel_loop3A_599 : f32 to vector<16xf32>
        %parallel_loop3A_601 = arith.select %parallel_loop3A_434, %parallel_loop3A_598, %parallel_loop3A_600 : vector<16xi1>, vector<16xf32>
        %parallel_loop3A_602 = arith.addf %parallel_loop3A_427, %parallel_loop3A_601 : vector<16xf32>
        scf.yield %parallel_loop3A_602 : vector<16xf32>
      } {sc.loop_unroll_factor = 2 : i64, sc.parallel_access}
      %add3A_425 = arith.addi %add3A_331, %parallel_loop3A_391 : i32
      scf.yield %parallel_loop3A_424, %add3A_425 : vector<16xf32>, i32
    }
    %scan3A_112 = arith.constant 8 : i32
    %swap3A = arith.constant 0 : index
    %swap3A_113 = tpu.vector_load %arg21[%swap3A] {strides = array<i32>} : memref<16xf32, #tpu.memory_space<vmem>>, vector<16xf32>,
    tpu.vector_store %arg21[%swap3A], %scan3A_111#0 {strides = array<i32>} : memref<16xf32, #tpu.memory_space<vmem>>, vector<16xf32>,
    %eq3A = arith.constant 0 : i32
    %eq3A_114 = vector.broadcast %eq3A : i32 to vector<16xi32>
    %eq3A_115 = arith.cmpi eq, %iota3A, %eq3A_114 : vector<16xi32>
    %broadcast_in_dim3A_116 = vector.broadcast %scan3A_111#1 : i32 to vector<16xi32>
    %jit3A_117 = arith.constant 0 : i32
    %broadcast_in_dim3A_118 = vector.broadcast %jit3A_117 : i32 to vector<16xi32>
    %select_n3A_119 = arith.select %eq3A_115, %broadcast_in_dim3A_116, %broadcast_in_dim3A_118 : vector<16xi1>, vector<16xi32>
    %swap3A_120 = arith.constant 0 : index
    %swap3A_121 = tpu.vector_load %arg22[%swap3A_120] {strides = array<i32>} : memref<16xi32, #tpu.memory_space<vmem>>, vector<16xi32>,
    tpu.vector_store %arg22[%swap3A_120], %select_n3A_119 {strides = array<i32>} : memref<16xi32, #tpu.memory_space<vmem>>, vector<16xi32>,
    %jit3A_122 = arith.constant 4 : i32
    %div3A_123 = arith.divsi %add3A, %jit3A_122 : i32
    %sign3A_124 = arith.constant 0 : i32
    %sign3A_125 = arith.cmpi sgt, %add3A, %sign3A_124 : i32
    %sign3A_126 = arith.extui %sign3A_125 : i1 to i32
    %sign3A_127 = arith.constant 0 : i32
    %sign3A_128 = arith.cmpi slt, %add3A, %sign3A_127 : i32
    %sign3A_129 = arith.extui %sign3A_128 : i1 to i32
    %sign3A_130 = arith.subi %sign3A_126, %sign3A_129 : i32
    %sign3A_131 = arith.constant 0 : i32
    %sign3A_132 = arith.cmpi sgt, %jit3A_122, %sign3A_131 : i32
    %sign3A_133 = arith.extui %sign3A_132 : i1 to i32
    %sign3A_134 = arith.constant 0 : i32
    %sign3A_135 = arith.cmpi slt, %jit3A_122, %sign3A_134 : i32
    %sign3A_136 = arith.extui %sign3A_135 : i1 to i32
    %sign3A_137 = arith.subi %sign3A_133, %sign3A_136 : i32
    %ne3A_138 = arith.cmpi ne, %sign3A_130, %sign3A_137 : i32
    %rem3A_139 = arith.remsi %add3A, %jit3A_122 : i32
    %ne3A_140 = arith.constant 0 : i32
    %ne3A_141 = arith.cmpi ne, %rem3A_139, %ne3A_140 : i32
    %and3A_142 = arith.andi %ne3A_138, %ne3A_141 : i1
    %sub3A_143 = arith.constant 1 : i32
    %sub3A_144 = arith.subi %div3A_123, %sub3A_143 : i32
    %select_n3A_145 = arith.select %and3A_142, %sub3A_144, %div3A_123 : i32
    %mul3A_146 = arith.constant 4 : i32
    %mul3A_147 = arith.muli %select_n3A_145, %mul3A_146 : i32
    %sub3A_148 = arith.subi %add3A, %mul3A_147 : i32
    %mul3A_149 = arith.constant 16 : i32
    %mul3A_150 = arith.muli %sub3A_148, %mul3A_149 : i32
    "tpu.region"() ({
      %run_scoped3A = tpu.sem_alloc : memref<!tpu.dma_semaphore, #tpu.memory_space<semaphore_mem>>
      %dma_start3A_151 = tpu.memref_slice %arg7[%select_n3A_145, %mul3A_150] : memref<8x128xf32, #tpu.memory_space<hbm>> -> memref<1x16xf32, #tpu.memory_space<hbm>>
      %dma_start3A_152 = tpu.memref_squeeze %dma_start3A_151 : memref<1x16xf32, #tpu.memory_space<hbm>> -> memref<16xf32, #tpu.memory_space<hbm>>
      %dma_start3A_153 = tpu.memref_slice %arg7[%select_n3A_145, %mul3A_150] : memref<8x128xf32, #tpu.memory_space<hbm>> -> memref<1x16xf32, #tpu.memory_space<hbm>>
      %dma_start3A_154 = tpu.memref_squeeze %dma_start3A_153 : memref<1x16xf32, #tpu.memory_space<hbm>> -> memref<16xf32, #tpu.memory_space<hbm>>
      tpu.enqueue_dma source(%arg21 : memref<16xf32, #tpu.memory_space<vmem>>) target(%dma_start3A_154 : memref<16xf32, #tpu.memory_space<hbm>>) target_semaphore(%run_scoped3A : memref<!tpu.dma_semaphore, #tpu.memory_space<semaphore_mem>>)
      %dma_wait3A = tpu.memref_slice %arg7[%select_n3A_145, %mul3A_150] : memref<8x128xf32, #tpu.memory_space<hbm>> -> memref<1x16xf32, #tpu.memory_space<hbm>>
      %dma_wait3A_155 = tpu.memref_squeeze %dma_wait3A : memref<1x16xf32, #tpu.memory_space<hbm>> -> memref<16xf32, #tpu.memory_space<hbm>>
      %dma_wait3A_156 = tpu.memref_slice %arg7[%select_n3A_145, %mul3A_150] : memref<8x128xf32, #tpu.memory_space<hbm>> -> memref<1x16xf32, #tpu.memory_space<hbm>>
      %dma_wait3A_157 = tpu.memref_squeeze %dma_wait3A_156 : memref<1x16xf32, #tpu.memory_space<hbm>> -> memref<16xf32, #tpu.memory_space<hbm>>
      tpu.wait_dma2 semaphore(%run_scoped3A : memref<!tpu.dma_semaphore, #tpu.memory_space<semaphore_mem>>) src(%arg21 : memref<16xf32, #tpu.memory_space<vmem>>) dst(%dma_wait3A_157 : memref<16xf32, #tpu.memory_space<hbm>>)
      tpu.yield
    }) : () -> ()
    "tpu.region"() ({
      %run_scoped3A = tpu.sem_alloc : memref<!tpu.dma_semaphore, #tpu.memory_space<semaphore_mem>>
      %dma_start3A_151 = tpu.memref_slice %arg8[%select_n3A_145, %mul3A_150] : memref<8x128xi32, #tpu.memory_space<hbm>> -> memref<1x16xi32, #tpu.memory_space<hbm>>
      %dma_start3A_152 = tpu.memref_squeeze %dma_start3A_151 : memref<1x16xi32, #tpu.memory_space<hbm>> -> memref<16xi32, #tpu.memory_space<hbm>>
      %dma_start3A_153 = tpu.memref_slice %arg8[%select_n3A_145, %mul3A_150] : memref<8x128xi32, #tpu.memory_space<hbm>> -> memref<1x16xi32, #tpu.memory_space<hbm>>
      %dma_start3A_154 = tpu.memref_squeeze %dma_start3A_153 : memref<1x16xi32, #tpu.memory_space<hbm>> -> memref<16xi32, #tpu.memory_space<hbm>>
      tpu.enqueue_dma source(%arg22 : memref<16xi32, #tpu.memory_space<vmem>>) target(%dma_start3A_154 : memref<16xi32, #tpu.memory_space<hbm>>) target_semaphore(%run_scoped3A : memref<!tpu.dma_semaphore, #tpu.memory_space<semaphore_mem>>)
      %dma_wait3A = tpu.memref_slice %arg8[%select_n3A_145, %mul3A_150] : memref<8x128xi32, #tpu.memory_space<hbm>> -> memref<1x16xi32, #tpu.memory_space<hbm>>
      %dma_wait3A_155 = tpu.memref_squeeze %dma_wait3A : memref<1x16xi32, #tpu.memory_space<hbm>> -> memref<16xi32, #tpu.memory_space<hbm>>
      %dma_wait3A_156 = tpu.memref_slice %arg8[%select_n3A_145, %mul3A_150] : memref<8x128xi32, #tpu.memory_space<hbm>> -> memref<1x16xi32, #tpu.memory_space<hbm>>
      %dma_wait3A_157 = tpu.memref_squeeze %dma_wait3A_156 : memref<1x16xi32, #tpu.memory_space<hbm>> -> memref<16xi32, #tpu.memory_space<hbm>>
      tpu.wait_dma2 semaphore(%run_scoped3A : memref<!tpu.dma_semaphore, #tpu.memory_space<semaphore_mem>>) src(%arg22 : memref<16xi32, #tpu.memory_space<vmem>>) dst(%dma_wait3A_157 : memref<16xi32, #tpu.memory_space<hbm>>)
      tpu.yield
    }) : () -> ()
    return
  }
}

module attributes {stable_mosaic.version = 14 : i64} {
  func.func @_tc_reduce_body(%arg0: memref<8x128xf32, #tpu.memory_space<vmem>>, %arg1: memref<8x128xi32, #tpu.memory_space<vmem>>, %arg2: memref<f32, #tpu.memory_space<smem>>, %arg3: memref<i32, #tpu.memory_space<smem>>) attributes {dimension_semantics = [], scalar_prefetch = 0 : i64, scratch_operands = 0 : i64, tpu.core_type = #tpu.core_type<tc>} {
    %get3A = arith.constant 0 : index
    %get3A_0 = arith.constant 0 : index
    %get3A_1 = vector.load %arg0[%get3A, %get3A_0] : memref<8x128xf32, #tpu.memory_space<vmem>>, vector<8x64xf32>
    %reduce_sum3A = vector.shape_cast %get3A_1 : vector<8x64xf32> to vector<1x8x64xf32>
    %reduce_sum3A_2 = arith.constant dense<0.000000e+00> : vector<1xf32>
    %reduce_sum3A_3 = vector.multi_reduction <add>, %reduce_sum3A, %reduce_sum3A_2 [1, 2] : vector<1x8x64xf32> to vector<1xf32>
    %reduce_sum3A_4 = vector.shape_cast %reduce_sum3A_3 : vector<1xf32> to vector<1x1x1xf32>
    %reduce_sum3A_5 = vector.extract %reduce_sum3A_4[0, 0, 0] : f32 from vector<1x1x1xf32>
    %get3A_6 = arith.constant 0 : index
    %get3A_7 = arith.constant 0 : index
    %get3A_8 = vector.load %arg1[%get3A_6, %get3A_7] : memref<8x128xi32, #tpu.memory_space<vmem>>, vector<8x64xi32>
    %reduce_sum3A_9 = vector.shape_cast %get3A_8 : vector<8x64xi32> to vector<1x8x64xi32>
    %reduce_sum3A_10 = arith.constant dense<0> : vector<1xi32>
    %reduce_sum3A_11 = vector.multi_reduction <add>, %reduce_sum3A_9, %reduce_sum3A_10 [1, 2] : vector<1x8x64xi32> to vector<1xi32>
    %reduce_sum3A_12 = vector.shape_cast %reduce_sum3A_11 : vector<1xi32> to vector<1x1x1xi32>
    %reduce_sum3A_13 = vector.extract %reduce_sum3A_12[0, 0, 0] : i32 from vector<1x1x1xi32>
    %convert_element_type3A = arith.sitofp %reduce_sum3A_13 : i32 to f32
    %max3A = arith.constant 1.000000e+00 : f32
    %max3A_14 = arith.maximumf %convert_element_type3A, %max3A : f32
    %gt3A = arith.constant 0 : i32
    %gt3A_15 = arith.cmpi sgt, %reduce_sum3A_13, %gt3A : i32
    %div3A = arith.divf %reduce_sum3A_5, %max3A_14 : f32
    %jit3A = arith.constant 0.000000e+00 : f32
    %select_n3A = arith.select %gt3A_15, %div3A, %jit3A : f32
    %swap3A = memref.load %arg2[] : memref<f32, #tpu.memory_space<smem>>
    memref.store %select_n3A, %arg2[] : memref<f32, #tpu.memory_space<smem>>
    %gt3A_16 = arith.constant 0 : i32
    %gt3A_17 = arith.cmpi sgt, %reduce_sum3A_13, %gt3A_16 : i32
    %swap3A_18 = memref.load %arg3[] : memref<i32, #tpu.memory_space<smem>>
    %swap3A_19 = arith.constant 0 : i32
    %swap3A_20 = arith.cmpi ne, %swap3A_18, %swap3A_19 : i32
    %swap3A_21 = arith.extui %gt3A_17 : i1 to i32
    memref.store %swap3A_21, %arg3[] : memref<i32, #tpu.memory_space<smem>>
    return
  }
}

</mosaic_0001>

<sc_bundles>
// kernel: kernel.4.cloned.1.call-start
scs
__scs_entry_jumppad:
0x0: {  	(pc) =	sbr.rel $0x88, $3  }
0x1: {  	(tag) =	ssettag $0x0;
	lr =	simm.s32 $0x1  }
0x2: {  	[smem:$0x3F9C] =	sst lr;
	_ =	strace $0xD0000000  }
0x3: {  	_ = 	snop  }
0x4: {  	_ = 	snop  }
0x5: {  	_ = 	snop  }
0x6: {  	_ = 	snop  }
0x7: {  	_ = 	snop  }
__scs_overlays_trampoline_lowered:
0x8: {  	[smem:$0x3FAB] =	sst s0  }
0x9: {  	[smem:$0x3FAC] =	sst s1  }
0xa: {  	[smem:$0x3FAD] =	sst s2  }
0xb: {  	[smem:$0x3FAE] =	sst s3  }
0xc: {  	[smem:$0x3FAF] =	sst s4  }
0xd: {  	[smem:$0x3FB0] =	sst s5  }
0xe: {  	[smem:$0x3FB1] =	sst s6  }
0xf: {  	[smem:$0x3FB2] =	sst s7  }
0x10: {  	[smem:$0x3FB3] =	sst s8  }
0x11: {  	[smem:$0x3FB4] =	sst s9;
	s0 =	simm.s32 @!p0 $0x0  }
0x12: {  	s1 =	sld [smem:$0x3F9A];
	s0 =	simm.s32 @p0 $0x1  }
0x13: {  	[smem:$0x3FB5] =	sst s0;
	s0 =	simm.s32 @!p1 $0x0  }
0x14: {  	s2 =	sld [smem:$0x3F99];
	s0 =	simm.s32 @p1 $0x1  }
0x15: {  	[smem:$0x3FB6] =	sst s0;
	s0 =	simm.s32 @!p2 $0x0  }
0x16: {  	s3 =	sld [smem:$0x3FDB];
	s0 =	simm.s32 @p2 $0x1  }
0x17: {  	s4 =	simm.s32 $0x1BF5;
	[smem:$0x3FB8] =	sst s0  }
0x18: {  	s0 =	sld [smem:$0x3F9B];
	_ =	swait.ge [sflag:s4], $0x0  }
0x19: {  	s7 =	sld [smem:$0x3F9C]  }
0x1a: {  	s8 =	sadd.s32 $0xFFFFE003, lr  }
0x1b: {  	s9 =	sadd.s32 $0xFFFFFEF7, lr;
	s5 =	simm.s32 $0xFFFFFFFF;
	p2 =	slt.u32 s8, $0xFFFFF086  }
0x1c: {  	p1 =	slt.u32 s9, $0xF7A;
	s5 =	simm.s32 @!p2 $0x0  }
0x1d: {  	s5 =	simm.s32 @p1 $0x1;
	p0 =	seq.s32 s7, s2  }
0x1e: {  	s7 =	smul.u32 @!p0 $0xF7A, s2;
	p2 =	seq.s32 @!p0 s5, $0x0  }
0x1f: {  	s9 =	smul.u32 $0xF7A, s1;
	s8 =	simm.s32 @!p0 $0x1BF5;
	p2 =	por !p2, p0  }
0x20: {  	[sflag:s8] =	ssyncset.s32 @!p0 $0xFFFFF086;
	s6 =	sadd.s32 @!p0 s3, s7;
	s7 =	simm.s32 @!p0 $0x108  }
0x21: {  	s3 =	sadd.s32 s3, s9;
	s6 =	sadd.s32 @!p0 $0x88, s6;
	s7 =	simm.s32 @p2 $0x1082  }
0x22: {  	[simem:s7], [sflag:s8] =	dma.local @!p0 [hbm:s6], $0xF7A  }
0x23: {  	s9 =	sor.u32 $0xD0000000, s2;
	s6 =	simm.s32 $0x108;
	_ =	swait.ge @!p0 [sflag:s8], $0x0  }
0x24: {  	s3 =	sadd.s32 $0x88, s3;
	s6 =	simm.s32 @!p1 $0x1082;
	[sflag:s4] =	ssyncset.s32 $0xFFFFF086  }
0x25: {  	[simem:s6], [sflag:s4] =	dma.local [hbm:s3], $0xF7A  }
0x26: {  	[smem:$0x3F9C] =	sst s1;
	(tag) =	ssettag s2;
	_ =	strace s9  }
0x27: {  	s1 =	sld [smem:$0x3FAC]  }
0x28: {  	s2 =	sld [smem:$0x3FAD]  }
0x29: {  	s4 =	sld [smem:$0x3FAF]  }
0x2a: {  	p0 =	seq.s32 s5, $0x0;
	s5 =	sld [smem:$0x3FB0]  }
0x2b: {  	s6 =	sld [smem:$0x3FB1]  }
0x2c: {  	s7 =	sld [smem:$0x3FB2]  }
0x2d: {  	s3 =	simm.s32 $0x108;
	s8 =	sld [smem:$0x3FB3]  }
0x2e: {  	s3 =	simm.s32 @!p0 $0x1082;
	s9 =	sld [smem:$0x3FB4]  }
0x2f: {  	lr =	sadd.s32 s0, s3;
	s0 =	sld [smem:$0x3FAB]  }
0x30: {  	s3 =	sld [smem:$0x3FAE]  }
0x31: {  	[smem:$0x3FB7] =	sst s10  }
0x32: {  	s10 =	sld [smem:$0x3FB5];
	_ =	sdelay $0x3  }
0x33: {  	p0 =	seq.s32 s10, $0x1;
	s10 =	sld [smem:$0x3FB7];
	_ =	sdelay $0x3  }
0x34: {  	[smem:$0x3FB7] =	sst s10  }
0x35: {  	s10 =	sld [smem:$0x3FB6];
	_ =	sdelay $0x3  }
0x36: {  	p1 =	seq.s32 s10, $0x1;
	s10 =	sld [smem:$0x3FB7];
	_ =	sdelay $0x3  }
0x37: {  	[smem:$0x3FB7] =	sst s10  }
0x38: {  	s10 =	sld [smem:$0x3FB8]  }
0x39: {  	_ = 	snop;
	(pc) =	sbr.ind lr, $3  }
0x3a: {  	_ = 	snop  }
0x3b: {  	_ = 	snop  }
0x3c: {  	p2 =	seq.s32 s10, $0x1;
	s10 =	sld [smem:$0x3FB7]  }
0x3d: {  	_ =	shalt  }
0x3e: {  	_ =	shalt  }
0x3f: {  	_ =	shalt  }
0x40: {  	_ =	shalt  }
0x41: {  	_ =	shalt  }
0x42: {  	_ =	shalt  }
0x43: {  	_ =	shalt  }
0x44: {  	_ =	shalt  }
0x45: {  	_ =	shalt  }
0x46: {  	_ =	shalt  }
0x47: {  	_ =	shalt  }
0x48: {  	_ =	shalt  }
0x49: {  	_ =	shalt  }
0x4a: {  	_ =	shalt  }
0x4b: {  	_ =	shalt  }
0x4c: {  	_ =	shalt  }
0x4d: {  	_ =	shalt  }
0x4e: {  	_ =	shalt  }
0x4f: {  	_ =	shalt  }
0x50: {  	_ =	shalt  }
0x51: {  	_ =	shalt  }
0x52: {  	_ =	shalt  }
0x53: {  	_ =	shalt  }
0x54: {  	_ =	shalt  }
0x55: {  	_ =	shalt  }
0x56: {  	_ =	shalt  }
0x57: {  	_ =	shalt  }
0x58: {  	_ =	shalt  }
0x59: {  	_ =	shalt  }
0x5a: {  	_ =	shalt  }
0x5b: {  	_ =	shalt  }
0x5c: {  	_ =	shalt  }
0x5d: {  	_ =	shalt  }
0x5e: {  	_ =	shalt  }
0x5f: {  	_ =	shalt  }
0x60: {  	_ =	shalt  }
0x61: {  	_ =	shalt  }
0x62: {  	_ =	shalt  }
0x63: {  	_ =	shalt  }
0x64: {  	_ =	shalt  }
0x65: {  	_ =	shalt  }
0x66: {  	_ =	shalt  }
0x67: {  	_ =	shalt  }
0x68: {  	_ =	shalt  }
0x69: {  	_ =	shalt  }
0x6a: {  	_ =	shalt  }
0x6b: {  	_ =	shalt  }
0x6c: {  	_ =	shalt  }
0x6d: {  	_ =	shalt  }
0x6e: {  	_ =	shalt  }
0x6f: {  	_ =	shalt  }
0x70: {  	_ =	shalt  }
0x71: {  	_ =	shalt  }
0x72: {  	_ =	shalt  }
0x73: {  	_ =	shalt  }
0x74: {  	_ =	shalt  }
0x75: {  	_ =	shalt  }
0x76: {  	_ =	shalt  }
0x77: {  	_ =	shalt  }
0x78: {  	_ =	shalt  }
0x79: {  	_ =	shalt  }
0x7a: {  	_ =	shalt  }
0x7b: {  	_ =	shalt  }
0x7c: {  	_ =	shalt  }
0x7d: {  	_ =	shalt  }
0x7e: {  	_ =	shalt  }
0x7f: {  	_ =	shalt  }
0x80: {  	_ =	shalt  }
0x81: {  	_ =	shalt  }
0x82: {  	_ =	shalt  }
0x83: {  	_ =	shalt  }
0x84: {  	_ =	shalt  }
0x85: {  	_ =	shalt  }
0x86: {  	_ =	shalt  }
0x87: {  	_ =	shalt  }
.Lfunc_end0:
.L_simem_size_0:
called_computation_lowered:
.L_overlay_start_0:
0x88: {  	s2 =	sld [smem:$0x3FD9]  }
0x89: {  	s3 =	sld [smem:$0x3FFE];
	_ =	sdelay $0x1  }
0x8a: {  	s1 =	srdreg.scid  }
0x8b: {  	s0 =	sand.u32 $0x1, s1  }
0x8c: {  	s17 =	sshll.u32 s0, $0xA;
	s2 =	sadd.s32 s3, s2  }
0x8d: {  	s2 =	sadd.s32 s2, s17  }
0x8e: {  	[smem:$0x3FC3] =	sst s2  }
0x8f: {  	_ = 	snop  }
0x90: {  	s2 =	sld [smem:$0x3FC9]  }
0x91: {  	s18 =	sld [smem:$0x3FC8]  }
0x92: {  	s4 =	sld [smem:$0x3FC6]  }
0x93: {  	s5 =	sld [smem:$0x3FC5];
	(tm) =	ssettm $0x1  }
0x94: {  	s6 =	sld [smem:$0x3FFB];
	_ =	sdelay $0x3  }
0x95: {  	_ =	strace s6  }
0x96: {  	s6 =	sld [smem:$0x3FFC];
	_ =	sdelay $0x3  }
0x97: {  	_ =	strace s6  }
0x98: {  	s6 =	sld [smem:$0x3FFD];
	_ =	sdelay $0x3  }
0x99: {  	_ =	strace s6  }
0x9a: {  	_ =	strace $0x8FFFFFFF  }
0x9b: {  	s19 =	sld [smem:$0x3FDB];
	_ =	sdelay $0x1  }
0x9c: {  	s7 =	simm.s32 $_scs_section_size  }
0x9d: {  	s8 =	simm.s32 $_size__tile_overlayer_lowered;
	s9 =	simm.s32 $_tile_overlayer_lowered  }
0x9e: {  	s22 =	simm.s32 $0x1BFF;
	s21 =	sshll.u32 s9, $0x1;
	s6 =	sadd.s32 s7, s19  }
0x9f: {  	s10 =	simm.s32 $0x0;
	s20 =	sshll.u32 s8, $0x1;
	s8 =	sadd.s32 s21, s6  }
0xa0: {  	[timem:s10], [sflag:s22] =	dma.local [hbm:s8], s20  }
0xa1: {  	_ =	swait.ge [sflag:s22], s20  }
0xa2: {  	s7 =	ssub.s32 $0x0, s20;
	[sflag:s22] =	ssyncset.done $0x0  }
0xa3: {  	[sflag:s22] =	ssyncadd.s32 s7;
	_ =	sdelay $0x1  }
0xa4: {  	s23 =	simm.s32 $0x1B8B  }
0xa5: {  	_ =	swait.ge [sflag:s23], $0x1  }
0xa6: {  	[sflag:s23] =	ssyncset.done $0x0  }
0xa7: {  	s25 =	simm.s32 $0x1B8E;
	s24 =	sld [smem:$0x3FFE];
	[sflag:s23] =	ssyncadd.s32 $0xFFFFFFFF  }
0xa8: {  	s26 =	simm.s32 $execute0_lowered;
	[smem:$0x3FD2] =	sst s25  }
0xa9: {  	s8 =	sshll.u32 s26, $0x1;
	_ =	strace $0x80000046;
	[dreg:$0x1] =	wrdreg $0xFFFFFFFF  }
0xaa: {  	s28 =	simm.s32 $_size_execute0_lowered;
	s6 =	sadd.s32 s6, s8;
	[dreg:$0x0] =	wrdreg $0x0  }
0xab: {  	s8 =	sshll.u32 s28, $0x1;
	[dreg:$0x2] =	wrdreg s6  }
0xac: {  	[dreg:$0x3] =	wrdreg s8  }
0xad: {  	[dreg:$0x4] =	wrdreg $0xC0  }
0xae: {  	_ =	task [dreg:s10], $0x5FFFF  }
0xaf: {  	[dreg:$0x1] =	wrdreg $0xFFFFFFFF  }
0xb0: {  	[dreg:$0x0] =	wrdreg $0x60  }
0xb1: {  	[dreg:$0x2] =	wrdreg s2  }
0xb2: {  	[dreg:$0x3] =	wrdreg s18  }
0xb3: {  	[dreg:$0x4] =	wrdreg s24  }
0xb4: {  	[dreg:$0x5] =	wrdreg s4  }
0xb5: {  	[dreg:$0x6] =	wrdreg s5  }
0xb6: {  	[dreg:$0x7] =	wrdreg $0x9  }
0xb7: {  	_ =	task.clear_ibuf [dreg:s10], $0x8FFFF;
	_ =	strace $0x90000046  }
0xb8: {  	s29 =	simm.s32 $0x9;
	_ =	strace $0x80000048  }
0xb9: {  	_ =	swait.ge [sflag:s29], $0x1  }
0xba: {  	[sflag:s29] =	ssyncadd.s32 $0xFFFFFFFF  }
0xbb: {  	_ =	strace $0x90000048  }
0xbc: {  	_ =	sfence  }
0xbd: {  	s30 =	sld [smem:$0x0];
	_ =	sdelay $0x2  }
0xbe: {  	s31 =	sshll.u32 s1, $0xD;
	s1 =	sshrl.u32 s1, $0x2  }
0xbf: {  	s3 =	sand.u32 $0x4000, s31;
	s1 =	sadd.s32 s1, s30  }
0xc0: {  	s0 =	sor.u32 s3, s0;
	s1 =	sshll.u32 s1, $0x11  }
0xc1: {  	s0 =	sor.u32 s1, s0  }
0xc2: {  	s0 =	sadd.s32 $0x8F2B, s0  }
0xc3: {  	[sflag:s0] =	ssyncadd.remote.s32 $0x1  }
0xc4: {  	_ =	sfence.sel $0xFFFF  }
0xc5: {  	[dreg:$0x0] =	wrdreg $0xFFFFFFFF;
	(pc) =	sbr.abs _section_cstart, $3  }
0xc6: {  	[dreg:$0x1] =	wrdreg $0xFFFFFFFF  }
0xc7: {  	_ =	task.clear_ibuf [dreg:s10], $0x2FFFF;
	_ =	strace $0x9FFFFFFF  }
0xc8: {  	(tm) =	ssettm $0x7FFFFFFF  }
0xc9: {  	_ =	shalt  }
tec
execute0_lowered:
.L_overlay_start_1:
0x0: {  	(tag) =	ssettag $0x1  }
0x1: {  	s31 =	rddreg [dreg:$0x0]  }
0x2: {  	s1 =	rddreg [dreg:$0x1]  }
0x3: {  	s0 =	rddreg [dreg:$0x2]  }
0x4: {  	s4 =	rddreg [dreg:$0x3]  }
0x5: {  	s3 =	srdreg.scid;
	s2 =	stileid.u32;
	s6 =	simm.s32 $0x0  }
0x6: {  	s29 =	simm.s32 $0x8000;
	s3 =	sand.u32 $0x1, s3;
	s5 =	sshll.u32 s2, $0x1  }
0x7: {  	[smem:$0x7FF] =	sst s6;
	s7 =	sshll.u32 s2, $0x2;
	s14 =	sadd.s32 $0xE00, s0  }
0x8: {  	s11 =	sshrl.u32 s2, $0x3;
	s5 =	sor.u32 s3, s5;
	_ =	strace $0x80000047  }
0x9: {  	s9 =	sand.u32 $0x38, s7;
	s12 =	sshll.u32 s11, $0x13;
	s16 =	smul.u32 $0x600000, s11  }
0xa: {  	s3 =	ssub.s32 $0x2, s3;
	s18 =	sshll.u32 s11, $0x14;
	[dreg:$0x6] =	wrdreg s14  }
0xb: {  	s8 =	sshll.u32 s5, $0x1;
	s15 =	sshll.u32 s5, $0xF;
	[dreg:$0x9] =	wrdreg s18  }
0xc: {  	s17 =	sshrl.u32 s3, $0x1;
	s5 =	sshll.u32 s5, $0xC;
	[dreg:$0x7] =	wrdreg s15  }
0xd: {  	s10 =	sadd.s32 s8, s9;
	s2 =	ssub.s32 s15, s12;
	[dreg:$0x8] =	wrdreg s16  }
0xe: {  	s3 =	ssub.s32 s3, s17;
	s1 =	sadd.s32 s1, s5;
	s26 =	sadd.s32 s14, s5  }
0xf: {  	s5 =	simm.s32 $0x1;
	s0 =	sadd.s32 s10, s0;
	s13 =	sadd.s32 s16, s2  }
0x10: {  	s11 =	smov.u32 s2;
	s20 =	sadd.s32 s18, s2;
	[dreg:$0xd] =	wrdreg s1  }
0x11: {  	[dreg:$0xe] =	wrdreg s26;
	s30 =	smax.u32 s3, $0x1;
	s2 =	simm.s32 $0x3  }
0x12: {  	s26 =	simm.s32 $0x7000;
	s3 =	simm.s32 $0x0;
	s19 =	sshrl.u32 s13, $0x3  }
0x13: {  	s22 =	sshrl.u32 s20, $0x3;
	s28 =	sadd.s32 $0x20E00, s0;
	[dreg:$0x11] =	wrdreg s30  }
.Ltmp0:
0x14: {  	s0 =	sadd.s32 $0x21000, s0;
	[dreg:$0xf] =	wrdreg s28;
	(pc) =	sbr.rel .LBB2_1-.Ltmp0, $4  }
0x15: {  	s13 =	sadd.s32 $0x80000, s20;
	s21 =	sadd.s32 s31, s19;
	[dreg:$0x10] =	wrdreg s0  }
0x16: {  	s23 =	sadd.s32 s4, s22;
	s24 =	sshrl.u32 s13, $0x3;
	[dreg:$0xa] =	wrdreg s21  }
0x17: {  	v0 =	vlaneseq.u32;
	s20 =	simm.s32 $0x10810;
	[dreg:$0xb] =	wrdreg s23;
	s25 =	sadd.s32 s4, s24  }
0x18: {  	v1 =	vimm.s32 $0x0;
	v2 =	vimm.f32 $1.000000000e+00;
	vm0 =	vcmask $0x300;
	s0 =	simm.s32 $0xF000;
	s24 =	simm.s32 $0x2;
	[dreg:$0xc] =	wrdreg s25  }
.LBB2_23:
0x19: {  	v4 =	vmov s12  }
0x1a: {  	[tilespmem:$0x10820] =	vst v3;
	v3 =	vnsel vm0, $0x0, v4  }
0x1b: {  	s1 =	rddreg [dreg:$0xf];
	s2 =	simm.s32 $0x10820;
	[tilespmem:$0x10830] =	vst v3  }
0x1c: {  	[hbm4b:s1+s6] =	stream.linear.scatter [tilespmem:s2], [sflag:$0x3], $0x10, $0x38;
	[tilespmem:$0x10840] =	vst v63  }
0x1d: {  	s2 =	simm.s32 $0x3  }
0x1e: {  	_ =	swait.ge [sflag:s2], $0x10  }
0x1f: {  	[sflag:s2] =	ssyncset.done $0x0  }
0x20: {  	s3 =	simm.s32 $0x10830;
	s25 =	rddreg [dreg:$0x10];
	[sflag:s2] =	ssyncadd.s32 $0xFFFFFFF0  }
0x21: {  	[hbm4b:s25+s6] =	stream.linear.scatter [tilespmem:s3], [sflag:$0x3], $0x10, $0x38;
	[tilespmem:$0x10840] =	vst v63  }
0x22: {  	_ =	swait.ge [sflag:s2], $0x10  }
0x23: {  	s28 =	rddreg [dreg:$0x12]  }
0x24: {  	s30 =	rddreg [dreg:$0x11];
	s3 =	sadd.s32 $0x1, s28  }
0x25: {  	p0 =	sne.s32 s3, s30  }
.Ltmp1:
0x26: {  	_ = 	snop;
	(pc) =	sbr.rel @!p0 .LBB2_24-.Ltmp1, $3  }
0x27: {  	_ =	sdelay $0x1  }
0x28: {  	[sflag:s2] =	ssyncset.done $0x0  }
0x29: {  	[sflag:s2] =	ssyncadd.s32 $0xFFFFFFF0  }
.LBB2_1:
0x2a: {  	[dreg:$0x12] =	wrdreg s3  }
0x2b: {  	s1 =	rddreg [dreg:$0x4]  }
0x2c: {  	[tilespmem:s20], [sflag:$0x3] =	stream.linear.gather [hbm4b:s1+s6], $0x10, $0x38;
	[tilespmem:$0x10840] =	vst v63  }
0x2d: {  	_ =	swait.ge [sflag:s2], $0x10  }
0x2e: {  	s16 =	simm.s32 $0x800;
	[sflag:s2] =	ssyncset.done $0x0  }
0x2f: {  	s17 =	simm.s32 $0x80000;
	s15 =	rddreg [dreg:$0xa];
	[sflag:s2] =	ssyncadd.s32 $0xFFFFFFF0  }
0x30: {  	[tilespmem:s6], [sflag:$0x1] =	stream.strided.gather [hbm4b:s15+s16], $0x6000, s17, s16, $0x38;
	[tilespmem:$0x10840] =	vst v63  }
0x31: {  	s19 =	simm.s32 $0x6000;
	s18 =	rddreg [dreg:$0xb]  }
0x32: {  	[tilespmem:s19], [sflag:$0x1] =	stream.linear.gather [hbm4b:s18+s6], $0x800, $0x38;
	[tilespmem:$0x10840] =	vst v63  }
0x33: {  	s22 =	simm.s32 $0x6800;
	s21 =	rddreg [dreg:$0xc]  }
0x34: {  	[tilespmem:s22], [sflag:$0x1] =	stream.linear.gather [hbm4b:s21+s6], $0x800, $0x38;
	[tilespmem:$0x10840] =	vst v63  }
.Ltmp2:
0x35: {  	_ = 	snop;
	(pc) =	sbr.rel .LBB2_2-.Ltmp2, $4  }
0x36: {  	s30 =	simm.s32 $0x7800;
	s23 =	rddreg [dreg:$0xd]  }
0x37: {  	[tilespmem:s26], [sflag:$0x1] =	stream.linear.gather [hbm4b:s23+s6], $0x800, $0x38;
	[tilespmem:$0x10840] =	vst v63  }
0x38: {  	s12 =	simm.s32 $0x0;
	s28 =	simm.s32 $0x0;
	s25 =	rddreg [dreg:$0xe]  }
0x39: {  	v3 =	vimm.f32 $0.0e+00;
	[tilespmem:s30], [sflag:$0x1] =	stream.linear.gather [hbm4b:s25+s6], $0x800, $0x38;
	[tilespmem:$0x10840] =	vst v63  }
.LBB2_22:
0x3a: {  	s28 =	sadd.s32 $0x1, s28  }
0x3b: {  	p0 =	sne.s32 s28, $0x8  }
.Ltmp3:
0x3c: {  	_ = 	snop;
	(pc) =	sbr.rel @!p0 .LBB2_23-.Ltmp3, $2  }
0x3d: {  	_ =	sdelay $0x2  }
0x3e: {  	s12 =	sadd.s32 s13, s12  }
.LBB2_2:
0x3f: {  	s1 =	sshll.u32 s28, $0xC  }
0x40: {  	s15 =	sor.u32 $0x800, s1  }
0x41: {  	s25 =	rddreg [dreg:$0x8];
	s14 =	sor.u32 s11, s15  }
0x42: {  	s13 =	smov.u32 s11;
	s16 =	sadd.s32 s25, s14  }
0x43: {  	s30 =	simm.s32 $0x800;
	s2 =	simm.s32 $0x80000;
	s16 =	sshrl.u32 s16, $0x3  }
0x44: {  	s11 =	smov.u32 s31;
	s16 =	sadd.s32 s31, s16;
	s31 =	rddreg [dreg:$0x9]  }
0x45: {  	[tilespmem:s29], [sflag:$0x2] =	stream.strided.gather [hbm4b:s16+s30], $0x6000, s2, s30, $0x38;
	[tilespmem:$0x10840] =	vst v63  }
0x46: {  	s4 =	simm.s32 $0xE000;
	s8 =	rddreg [dreg:$0x7];
	s14 =	sadd.s32 s31, s14  }
0x47: {  	s7 =	simm.s32 $0xE800;
	s2 =	rddreg [dreg:$0x3];
	s14 =	sshrl.u32 s14, $0x3  }
0x48: {  	s15 =	sor.u32 s8, s15;
	s3 =	sadd.s32 s2, s14;
	s14 =	simm.s32 $0x0  }
0x49: {  	[tilespmem:s4], [sflag:$0x2] =	stream.linear.gather [hbm4b:s3+s14], $0x800, $0x38;
	[tilespmem:$0x10840] =	vst v63  }
0x4a: {  	s9 =	rddreg [dreg:$0x1];
	s15 =	sshrl.u32 s15, $0x3;
	s16 =	sadd.s32 $0x10000, s3  }
0x4b: {  	[tilespmem:s7], [sflag:$0x2] =	stream.linear.gather [hbm4b:s16+s14], $0x800, $0x38;
	[tilespmem:$0x10840] =	vst v63  }
0x4c: {  	s17 =	rddreg [dreg:$0x6];
	s10 =	sadd.s32 s9, s15  }
0x4d: {  	[tilespmem:s0], [sflag:$0x2] =	stream.linear.gather [hbm4b:s10+s14], $0x800, $0x38;
	[tilespmem:$0x10840] =	vst v63  }
0x4e: {  	s18 =	simm.s32 $0xF800;
	[dreg:$0x13] =	wrdreg s1;
	s15 =	sadd.s32 s17, s15  }
0x4f: {  	[tilespmem:s18], [sflag:$0x2] =	stream.linear.gather [hbm4b:s15+s14], $0x800, $0x38;
	[tilespmem:$0x10840] =	vst v63  }
0x50: {  	_ =	swait.ge [sflag:s5], $0x6000  }
0x51: {  	[sflag:s5] =	ssyncset.done $0x0  }
0x52: {  	[sflag:s5] =	ssyncadd.s32 $0xFFFFA000  }
0x53: {  	_ =	swait.ge [sflag:s5], $0x800  }
0x54: {  	[sflag:s5] =	ssyncset.done $0x0  }
0x55: {  	[sflag:s5] =	ssyncadd.s32 $0xFFFFF800  }
0x56: {  	_ =	swait.ge [sflag:s5], $0x800  }
0x57: {  	[sflag:s5] =	ssyncset.done $0x0  }
0x58: {  	[sflag:s5] =	ssyncadd.s32 $0xFFFFF800  }
0x59: {  	_ =	swait.ge [sflag:s5], $0x800  }
0x5a: {  	[sflag:s5] =	ssyncset.done $0x0  }
0x5b: {  	[sflag:s5] =	ssyncadd.s32 $0xFFFFF800  }
0x5c: {  	_ =	swait.ge [sflag:s5], $0x800  }
0x5d: {  	[sflag:s5] =	ssyncset.done $0x0  }
0x5e: {  	s19 =	simm.s32 $0x6020;
	[sflag:s5] =	ssyncadd.s32 $0xFFFFF800  }
0x5f: {  	s21 =	simm.s32 $0x6820;
	v4 =	vld [tilespmem:s19+$0x10]  }
0x60: {  	v5 =	vld [tilespmem:s21+$0x10]  }
0x61: {  	v6 =	vld [tilespmem:s19+$0x0]  }
0x62: {  	s17 =	simm.s32 $0x7820;
	v7 =	vld [tilespmem:s21+$0x0]  }
0x63: {  	v8 =	vld [tilespmem:s17+$0x10]  }
0x64: {  	v9 =	vld [tilespmem:s19+$0xFFFFFFF0]  }
0x65: {  	v10 =	vld [tilespmem:s21+$0xFFFFFFF0]  }
0x66: {  	v11 =	vld [tilespmem:s17+$0x0]  }
0x67: {  	v12 =	vld [tilespmem:s19+$0xFFFFFFE0]  }
0x68: {  	v14 =	vld [tilespmem:s17+$0xFFFFFFE0]  }
0x69: {  	v13 =	vld [tilespmem:s21+$0xFFFFFFE0]  }
0x6a: {  	s22 =	simm.s32 $0x6060;
	v15 =	vld [tilespmem:s17+$0xFFFFFFF0]  }
0x6b: {  	v16 =	vld [tilespmem:s22+$0x10]  }
0x6c: {  	s23 =	simm.s32 $0x6860;
	v21 =	vld [tilespmem:s22+$0xFFFFFFF0]  }
0x6d: {  	vm1 =	vgt.f32 v7, v6;
	v6 =	vand.u32 $0x1, v14;
	v14 =	vld [tilespmem:s23+$0xFFFFFFF0]  }
0x6e: {  	vm5 =	vgt.f32 v10, v9;
	v9 =	vld [tilespmem:s22+$0xFFFFFFE0]  }
0x6f: {  	s25 =	simm.s32 $0x7860;
	vm2 =	vgt.f32 v5, v4;
	vm3 =	vgt.f32 v13, v12;
	v10 =	vld [tilespmem:s23+$0xFFFFFFE0];
	vm4 =	veq.s32 v6, $0x1  }
0x70: {  	v4 =	vand.u32 $0x1, v15;
	v7 =	vand.u32 $0x1, v8;
	v8 =	vld [tilespmem:s25+$0xFFFFFFE0];
	vm3 =	vmand vm3, vm4  }
0x71: {  	v5 =	vand.u32 $0x1, v11;
	v11 =	vld [tilespmem:s25+$0xFFFFFFF0];
	vm4 =	veq.s32 v4, $0x1;
	v4 =	vsel vm3, $0x1, v1  }
0x72: {  	v6 =	vld [tilespmem:s25+$0x0];
	vm4 =	vmand vm5, vm4;
	vm5 =	veq.s32 v5, $0x1;
	(xrf0) =	vadd.scan.msk.s32 $0xffff, v4  }
0x73: {  	v20 =	vld [tilespmem:s25+$0x10];
	v4 =	vsel vm4, $0x1, v1;
	vm6 =	vmand vm1, vm5;
	vm1 =	veq.s32 v7, $0x1  }
0x74: {  	v17 =	vld [tilespmem:s23+$0x10];
	v5 =	vsel vm6, $0x1, v1;
	vm2 =	vmand vm2, vm1;
	(xrf0) =	vadd.scan.msk.s32 $0xffff, v4  }
0x75: {  	v18 =	vld [tilespmem:s22+$0x0];
	vm1 =	vmmov vm3;
	vm3 =	vmmov vm4;
	v12 =	vsel vm2, $0x1, v1;
	(xrf0) =	vadd.scan.msk.s32 $0xffff, v5  }
0x76: {  	s30 =	simm.s32 $0x60A0;
	v19 =	vld [tilespmem:s23+$0x0];
	vm8 =	vgt.f32 v14, v21;
	vm4 =	vgt.f32 v10, v9;
	v10 =	vand.u32 $0x1, v11;
	(xrf0) =	vadd.scan.msk.s32 $0xffff, v12  }
0x77: {  	s16 =	simm.s32 $0x68A0;
	v7 =	vld [tilespmem:s30+$0x10];
	v14 =	vand.u32 $0x1, v8;
	vm13 =	veq.s32 v10, $0x1;
	v12 =	vand.u32 $0x1, v6  }
0x78: {  	s18 =	simm.s32 $0x78A0;
	v13 =	vand.u32 $0x1, v20;
	v4 =	vld [tilespmem:s16+$0x10];
	vm9 =	veq.s32 v14, $0x1;
	vm8 =	vmand vm8, vm13;
	v15, _, _ =	vpop (xrf0)  }
0x79: {  	v8 =	vld [tilespmem:s18+$0x10];
	vm4 =	vmand vm4, vm9;
	(v2sf) =	vpush v15, $0xF;
	v15 =	vsel vm8, $0x1, v1  }
0x7a: {  	v9 =	vld [tilespmem:s30+$0xFFFFFFF0];
	v14 =	vsel vm4, $0x1, v1;
	vm14 =	veq.s32 v12, $0x1;
	v12, _, _ =	vpop (xrf0)  }
0x7b: {  	vm15 =	veq.s32 v13, $0x1;
	v11 =	vld [tilespmem:s18+$0x0];
	(xrf0) =	vadd.scan.msk.s32 $0xffff, v14;
	(v2sf) =	vpush v12, $0xF;
	v13, _, _ =	vpop (xrf0)  }
0x7c: {  	v5 =	vld [tilespmem:s30+$0x0];
	(xrf0) =	vadd.scan.msk.s32 $0xffff, v15;
	(v2sf) =	vpush v13, $0xF;
	v15, _, _ =	vpop (xrf0)  }
0x7d: {  	vm5 =	vgt.f32 v19, v18;
	v10 =	vld [tilespmem:s16+$0xFFFFFFF0];
	(v2sf) =	vpush v15, $0xF  }
0x7e: {  	vm7 =	vmmov vm6;
	vm6 =	vgt.f32 v17, v16;
	v6 =	vld [tilespmem:s16+$0x0];
	vm5 =	vmand vm5, vm14  }
0x7f: {  	vm6 =	vmand vm6, vm15;
	v14 =	vsel vm5, $0x1, v1;
	v12 =	vld [tilespmem:s30+$0xFFFFFFE0]  }
0x80: {  	s31 =	simm.s32 $0x0;
	v16 =	vsel vm6, $0x1, v1;
	v13 =	vld [tilespmem:s16+$0xFFFFFFE0];
	(xrf0) =	vadd.scan.msk.s32 $0xffff, v14  }
0x81: {  	s15 =	simm.s32 $0x30;
	s19 =	simm.s32 $0x8;
	vm2 =	vmmov vm2;
	vm3 =	vmmov vm3;
	v14 =	vld [tilespmem:s18+$0xFFFFFFE0];
	(xrf0) =	vadd.scan.msk.s32 $0xffff, v16;
	v16 =	vor.u32 s31, v0  }
0x82: {  	s21 =	simm.s32 $0x60E0;
	s17 =	simm.s32 $0x30;
	s25 =	simm.s32 $0x20;
	vm7 =	vmmov vm7;
	vm4 =	vmmov vm4;
	v15 =	vld [tilespmem:s18+$0xFFFFFFF0];
	[tilespmem:s14+$0x10000] =	vst.msk vm1, v16;
	vm1 =	vmmov vm8  }
.LBB2_3:
0x83: {  	v17 =	vor.u32 s25, v0;
	v18 =	vor.u32 s15, v0  }
0x84: {  	v16 =	vld [tilespmem:s21+$0x10];
	s16 =	sadd.s32 $0x40, s16;
	vm8 =	vmmov vm5;
	vm9 =	vmmov vm2;
	vm2 =	vmmov vm6  }
0x85: {  	vm5 =	vgt.f32 v6, v5;
	vm6 =	vgt.f32 v4, v7;
	v19 =	vand.u32 $0x1, v8;
	v4 =	vld [tilespmem:s16+$0x10];
	v6, _, _ =	vpop (xrf0)  }
0x86: {  	vm11 =	vgt.f32 v10, v9;
	v11 =	vand.u32 $0x1, v11;
	v5 =	vld [tilespmem:s21+$0x0];
	(v2sf) =	vpush v6, $0xF;
	v7, _, _ =	vpop (xrf0)  }
0x87: {  	s18 =	sadd.s32 $0x40, s18;
	vm10 =	vgt.f32 v13, v12;
	v6 =	vld [tilespmem:s16+$0x0];
	v9 =	vand.u32 $0x1, v14;
	(v2sf) =	vpush v7, $0xF;
	v7, _, _ =	vpop (xrf0)  }
0x88: {  	v8 =	vld [tilespmem:s18+$0x10];
	vm12 =	veq.s32 v9, $0x1;
	v10 =	vand.u32 $0x1, v15;
	(v2sf) =	vpush v7, $0xF;
	v7, _, _ =	vpop (xrf0)  }
0x89: {  	s15 =	sadd.s32 $0x40, s15;
	s19 =	sadd.s32 $0x4, s19;
	v9 =	vld [tilespmem:s21+$0xFFFFFFF0];
	vm10 =	vmand vm10, vm12;
	vm12 =	veq.s32 v10, $0x1;
	(v2sf) =	vpush v7, $0xF;
	s25 =	spop (v2sf);
	v7 =	vmovc v16  }
0x8a: {  	p0 =	slt.u32 s19, $0x7C;
	v10 =	vld [tilespmem:s16+$0xFFFFFFF0];
	v12 =	vsel vm10, $0x1, v1;
	vm11 =	vmand vm11, vm12;
	vm12 =	veq.s32 v11, $0x1;
	s25 =	sadd.s32 s14, s25;
	s14 =	spop (v2sf)  }
.Ltmp4:
0x8b: {  	v11 =	vld [tilespmem:s18+$0x0];
	v13 =	vsel vm11, $0x1, v1;
	vm5 =	vmand vm5, vm12;
	vm12 =	veq.s32 v19, $0x1;
	(xrf0) =	vadd.scan.msk.s32 $0xffff, v12;
	s14 =	sadd.s32 s25, s14;
	s30 =	spop (v2sf);
	(pc) =	sbr.rel @p0 .LBB2_3-.Ltmp4, $4  }
0x8c: {  	s17 =	sadd.s32 $0xFFFFFFE0, s17;
	v12 =	vld [tilespmem:s21+$0xFFFFFFE0];
	v14 =	vsel vm5, $0x1, v1;
	vm6 =	vmand vm6, vm12;
	(xrf0) =	vadd.scan.msk.s32 $0xffff, v13;
	[tilespmem:s14+$0x10000] =	vst.msk vm7, v17;
	s14 =	sadd.s32 s14, s30;
	s30 =	spop (v2sf)  }
0x8d: {  	s31 =	sadd.s32 $0xFFFFFFD0, s15;
	v16 =	vor.u32 s17, v0;
	s17 =	smov.u32 s15;
	v13 =	vld [tilespmem:s16+$0xFFFFFFE0];
	v15 =	vsel vm6, $0x1, v1;
	(xrf0) =	vadd.scan.msk.s32 $0xffff, v14;
	[tilespmem:s14+$0x10000] =	vst.msk vm9, v18;
	s14 =	sadd.s32 s14, s30  }
0x8e: {  	v17 =	vor.u32 s31, v0;
	v14 =	vld [tilespmem:s18+$0xFFFFFFE0];
	(xrf0) =	vadd.scan.msk.s32 $0xffff, v15;
	[tilespmem:s25+$0x10000] =	vst.msk vm3, v16;
	vm3 =	vmmov vm1  }
0x8f: {  	s21 =	sadd.s32 $0x40, s21;
	vm7 =	vmmov vm8;
	s25 =	sadd.s32 $0xFFFFFFF0, s15;
	vm1 =	vmmov vm11;
	v15 =	vld [tilespmem:s18+$0xFFFFFFF0];
	[tilespmem:s14+$0x10000] =	vst.msk vm4, v17;
	vm4 =	vmmov vm10  }
0x90: {  	_ =	sdelay $0x1  }
0x91: {  	vm10 =	vgt.f32 v6, v5;
	vm12 =	vgt.f32 v4, v7;
	v4 =	vand.u32 $0x1, v8  }
0x92: {  	vm9 =	vgt.f32 v10, v9;
	v61 =	vand.u32 $0x1, v11;
	v5 =	vand.u32 $0x1, v14  }
0x93: {  	vm8 =	vgt.f32 v13, v12;
	vm11 =	veq.s32 v5, $0x1;
	v5 =	vand.u32 $0x1, v15  }
0x94: {  	vm14 =	veq.s32 v61, $0x1;
	vm8 =	vmand vm8, vm11;
	vm13 =	veq.s32 v5, $0x1  }
0x95: {  	vm11 =	vmand vm10, vm14;
	v5 =	vsel vm8, $0x1, v1;
	vm9 =	vmand vm9, vm13  }
0x96: {  	vm15 =	veq.s32 v4, $0x1;
	v4 =	vsel vm11, $0x1, v1;
	v62 =	vsel vm9, $0x1, v1;
	(xrf0) =	vadd.scan.msk.s32 $0xffff, v5  }
0x97: {  	vm10 =	vmand vm12, vm15;
	(xrf0) =	vadd.scan.msk.s32 $0xffff, v62  }
0x98: {  	v63 =	vsel vm10, $0x1, v1;
	v5, _, _ =	vpop (xrf0);
	(xrf0) =	vadd.scan.msk.s32 $0xffff, v4  }
0x99: {  	(v2sf) =	vpush v5, $0xF;
	v4, _, _ =	vpop (xrf0);
	(xrf0) =	vadd.scan.msk.s32 $0xffff, v63  }
0x9a: {  	v5, _, _ =	vpop (xrf0);
	(v2sf) =	vpush v4, $0xF  }
0x9b: {  	v4, _, _ =	vpop (xrf0);
	(v2sf) =	vpush v5, $0xF  }
0x9c: {  	(v2sf) =	vpush v4, $0xF;
	v4, _, _ =	vpop (xrf0)  }
0x9d: {  	(v2sf) =	vpush v4, $0xF;
	v4, _, _ =	vpop (xrf0)  }
0x9e: {  	(v2sf) =	vpush v4, $0xF;
	v4, _, _ =	vpop (xrf0)  }
0x9f: {  	(v2sf) =	vpush v4, $0xF;
	v4, _, _ =	vpop (xrf0)  }
0xa0: {  	(v2sf) =	vpush v4, $0xF;
	_ =	sdelay $0x3  }
0xa1: {  	s16 =	spop (v2sf)  }
0xa2: {  	s18 =	spop (v2sf);
	s3 =	sadd.s32 s14, s16  }
0xa3: {  	s1 =	spop (v2sf);
	s22 =	sadd.s32 s3, s18  }
0xa4: {  	s2 =	spop (v2sf);
	s23 =	sadd.s32 s22, s1  }
0xa5: {  	s1 =	sadd.s32 s23, s2;
	s4 =	spop (v2sf)  }
0xa6: {  	s2 =	sadd.s32 s1, s4;
	s7 =	spop (v2sf)  }
0xa7: {  	s4 =	sadd.s32 s2, s7;
	s8 =	spop (v2sf)  }
0xa8: {  	s7 =	sadd.s32 s4, s8;
	s9 =	spop (v2sf)  }
0xa9: {  	s18 =	sadd.s32 s7, s9;
	s19 =	spop (v2sf)  }
0xaa: {  	s16 =	sadd.s32 s18, s19;
	s21 =	spop (v2sf)  }
0xab: {  	s8 =	sadd.s32 s16, s21;
	s30 =	spop (v2sf)  }
0xac: {  	s9 =	sadd.s32 s8, s30;
	s31 =	spop (v2sf)  }
0xad: {  	v4 =	vor.u32 s25, v0;
	s25 =	sadd.s32 $0x40, s15;
	s14 =	sadd.s32 s9, s31  }
0xae: {  	vm2 =	vmmov vm2;
	s10 =	sadd.s32 $0xFFFFFFE0, s17;
	v5 =	vor.u32 s15, v0;
	[tilespmem:s22+$0x10000] =	vst.msk vm7, v4;
	s17 =	sadd.s32 $0xFFFFFFD0, s25;
	s22 =	sadd.s32 $0xF, s14  }
0xaf: {  	[tilespmem:s23+$0x10000] =	vst.msk vm2, v5;
	vm2 =	vmmov vm5;
	v4 =	vor.u32 s10, v0;
	s15 =	sadd.s32 $0xFFFFFFF0, s25;
	s23 =	sadd.s32 $0x40, s25;
	s10 =	sand.u32 $0xF, s22  }
0xb0: {  	vm2 =	vmmov vm2;
	v5 =	vor.u32 s17, v0;
	[tilespmem:s3+$0x10000] =	vst.msk vm3, v4;
	v4 =	vor.u32 s15, v0;
	s17 =	sshra.s32 s22, $0x1F;
	p1 =	slt.s32 s22, $0x1;
	p0 =	sne.s32 s10, $0x0  }
0xb1: {  	vm3 =	vmmov vm6;
	[tilespmem:s4+$0x10000] =	vst.msk vm2, v4;
	s4 =	simm.s32 $0x1;
	s3 =	sshrl.u32 s17, $0x1C;
	p0 =	por !p1, !p0  }
0xb2: {  	[tilespmem:s1+$0x10000] =	vst.msk vm4, v5;
	v5 =	vor.u32 s25, v0;
	vm2 =	vmmov vm3;
	s10 =	sadd.s32 $0xFFFFFFE0, s25;
	s3 =	sadd.s32 s3, s22;
	p0 =	por !p0, !p0  }
0xb3: {  	vm1 =	vmmov vm1;
	s15 =	sadd.s32 $0xFFFFFFF0, s23;
	vm3 =	vmmov vm11;
	[tilespmem:s7+$0x10000] =	vst.msk vm2, v5;
	v4 =	vor.u32 s10, v0;
	s3 =	sshra.s32 s3, $0x4;
	s4 =	simm.s32 @!p0 $0x0  }
0xb4: {  	vm2 =	vmmov vm3;
	[tilespmem:s2+$0x10000] =	vst.msk vm1, v4;
	v4 =	vor.u32 s15, v0;
	vm1 =	vmmov vm10;
	s15 =	ssub.s32 s3, s4  }
0xb5: {  	vm3 =	vmmov vm9;
	v5 =	vor.u32 s23, v0;
	s17 =	sadd.s32 $0xFFFFFFE0, s23;
	vm1 =	vmmov vm1;
	[tilespmem:s8+$0x10000] =	vst.msk vm2, v4;
	s22 =	sshrl.u32 s15, $0x1F  }
0xb6: {  	v4 =	vor.u32 s17, v0;
	[tilespmem:s9+$0x10000] =	vst.msk vm1, v5;
	vm1 =	vmmov vm3;
	s2 =	sadd.s32 s22, s15  }
0xb7: {  	[tilespmem:s16+$0x10000] =	vst.msk vm1, v4;
	s16 =	sand.u32 $0xFFFFFFFE, s2  }
0xb8: {  	p0 =	slt.s32 s16, $0x1  }
.Ltmp5:
0xb9: {  	_ = 	snop;
	(pc) =	sbr.rel @p0 .LBB2_5-.Ltmp5, $4  }
0xba: {  	s25 =	sadd.s32 $0xFFFFFFD0, s23  }
0xbb: {  	v5 =	vor.u32 s25, v0;
	vm1 =	vmmov vm8  }
0xbc: {  	[tilespmem:s18+$0x10000] =	vst.msk vm1, v5  }
0xbd: {  	[tilespmem:s14+$0x10000] =	vst v1  }
0xbe: {  	s17 =	simm.s32 $0x10010  }
0xbf: {  	v26 =	vld [tilespmem:s17+$0x0];
	_ =	sdelay $0x3  }
0xc0: {  	v25 =	vld [tilespmem:s17+$0xFFFFFFF0]  }
0xc1: {  	v22 =	vand.u32 $0xFFFFFF80, v26;
	v17 =	vand.u32 $0x78, v26  }
0xc2: {  	v14 =	vand.u32 $0x7, v26;
	v4 =	vor.u32 v17, v22  }
0xc3: {  	v4 =	vor.u32 v14, v4  }
0xc4: {  	v5 =	vadd.s32 $0x4000, v4  }
0xc5: {  	v6 =	vadd.s32 $0x4800, v4  }
0xc6: {  	v7 =	vadd.s32 $0x5000, v4  }
0xc7: {  	v8 =	vld.idx.msk [tilespmem:v26+s6+$0x0], $0xffff;
	v9 =	vadd.s32 $0x5800, v4  }
0xc8: {  	v10 =	vld.idx.msk [tilespmem:v25+s6+$0x0], $0xffff;
	v11 =	vadd.s32 $0x800, v4  }
0xc9: {  	v12 =	vadd.s32 $0x1000, v4;
	v5 =	vld.idx.msk [tilespmem:v5+s6+$0x0], $0xffff  }
0xca: {  	v24 =	vand.u32 $0xFFFFFF80, v25;
	v23 =	vand.u32 $0x78, v25;
	v13 =	vadd.s32 $0x1800, v4;
	v6 =	vld.idx.msk [tilespmem:v6+s6+$0x0], $0xffff  }
0xcb: {  	v21 =	vand.u32 $0x7, v25;
	v18 =	vor.u32 v23, v24;
	v15 =	vadd.s32 $0x2000, v4;
	v7 =	vld.idx.msk [tilespmem:v7+s6+$0x0], $0xffff  }
0xcc: {  	v18 =	vor.u32 v21, v18;
	v16 =	vadd.s32 $0x2800, v4;
	v9 =	vld.idx.msk [tilespmem:v9+s6+$0x0], $0xffff  }
0xcd: {  	v19 =	vadd.s32 $0x4000, v18;
	v27 =	vld.idx.msk [tilespmem:v11+s6+$0x0], $0xffff  }
0xce: {  	v20 =	vadd.s32 $0x800, v18;
	v12 =	vld.idx.msk [tilespmem:v12+s6+$0x0], $0xffff  }
0xcf: {  	v11 =	vadd.s32 $0x3000, v4;
	v28 =	vld.idx.msk [tilespmem:v13+s6+$0x0], $0xffff  }
0xd0: {  	v4 =	vadd.s32 $0x3800, v4;
	v29 =	vld.idx.msk [tilespmem:v15+s6+$0x0], $0xffff  }
0xd1: {  	v13 =	vadd.s32 $0x4800, v18;
	v30 =	vld.idx.msk [tilespmem:v16+s6+$0x0], $0xffff  }
0xd2: {  	v15 =	vadd.s32 $0x5000, v18;
	v32 =	vld.idx.msk [tilespmem:v19+s6+$0x0], $0xffff  }
0xd3: {  	v16 =	vadd.s32 $0x5800, v18;
	v36 =	vld.idx.msk [tilespmem:v20+s6+$0x0], $0xffff  }
0xd4: {  	v19 =	vadd.s32 $0x1800, v18;
	v31 =	vld.idx.msk [tilespmem:v11+s6+$0x0], $0xffff  }
0xd5: {  	v11 =	vld.idx.msk [tilespmem:v4+s6+$0x0], $0xffff;
	v4 =	vadd.s32 $0x1000, v18  }
0xd6: {  	v33 =	vld.idx.msk [tilespmem:v13+s6+$0x0], $0xffff;
	v13 =	vadd.s32 $0x2000, v18  }
0xd7: {  	v34 =	vld.idx.msk [tilespmem:v15+s6+$0x0], $0xffff;
	v15 =	vadd.s32 $0x2800, v18  }
0xd8: {  	v20 =	vadd.s32 $0x3000, v18;
	v35 =	vld.idx.msk [tilespmem:v16+s6+$0x0], $0xffff  }
0xd9: {  	v37 =	vadd.s32 $0x3800, v18;
	v38 =	vld.idx.msk [tilespmem:v19+s6+$0x0], $0xffff  }
0xda: {  	v4 =	vld.idx.msk [tilespmem:v4+s6+$0x0], $0xffff  }
0xdb: {  	v18 =	vld.idx.msk [tilespmem:v13+s6+$0x0], $0xffff  }
0xdc: {  	v16 =	vld.idx.msk [tilespmem:v15+s6+$0x0], $0xffff  }
0xdd: {  	v19 =	vmax.f32 v5, v6;
	v53 =	vmax.f32 v8, v27;
	v15 =	vld.idx.msk [tilespmem:v20+s6+$0x0], $0xffff  }
0xde: {  	v39 =	vmax.f32 v12, v28;
	v40 =	vmax.f32 v29, v30;
	v13 =	vld.idx.msk [tilespmem:v37+s6+$0x0], $0xffff;
	v42 =	vmax.f32 v31, v11  }
0xdf: {  	v20 =	vmax.f32 v7, v9;
	v37 =	vmax.f32 v53, v39;
	v54 =	vmax.f32 v40, v42  }
0xe0: {  	v19 =	vmax.f32 v19, v20;
	v20 =	vmax.f32 v37, v54  }
0xe1: {  	v41 =	vmax.f32 v32, v33;
	v43 =	vmax.f32 v34, v35;
	v19 =	vmax.f32 v20, v19  }
0xe2: {  	v55 =	vmax.f32 v10, v36;
	v58 =	vmax.f32 v41, v43;
	v5 =	vsub.f32 v5, v19  }
0xe3: {  	v56 =	vmax.f32 v4, v38;
	v57 =	vmax.f32 v18, v16;
	v20 =	vmax.f32 v15, v13  }
0xe4: {  	v6 =	vsub.f32 v6, v19;
	v37 =	vmax.f32 v55, v56;
	v20 =	vmax.f32 v57, v20  }
0xe5: {  	v7 =	vsub.f32 v7, v19;
	v5 =	vmul.f32 $1.442695020e+00, v5;
	v20 =	vmax.f32 v37, v20  }
0xe6: {  	v9 =	vsub.f32 v9, v19;
	v6 =	vmul.f32 $1.442695020e+00, v6;
	v20 =	vmax.f32 v20, v58  }
0xe7: {  	v7 =	vmul.f32 $1.442695020e+00, v7;
	(erf) = vpow2.f32 v5;
	v32 =	vsub.f32 v32, v20  }
0xe8: {  	v9 =	vmul.f32 $1.442695020e+00, v9;
	v5 =	vsub.f32 v33, v20;
	(erf) = vpow2.f32 v6  }
0xe9: {  	v59 =	vsub.f32 v34, v20;
	(erf) = vpow2.f32 v7;
	v32 =	vmul.f32 $1.442695020e+00, v32  }
0xea: {  	v60 =	vsub.f32 v35, v20;
	v5 =	vmul.f32 $1.442695020e+00, v5;
	(erf) = vpow2.f32 v9  }
0xeb: {  	v8 =	vsub.f32 v8, v19;
	v6 =	vmul.f32 $1.442695020e+00, v59;
	(erf) = vpow2.f32 v32  }
0xec: {  	v9 =	vsub.f32 v27, v19;
	v7 =	vmul.f32 $1.442695020e+00, v60;
	(erf) = vpow2.f32 v5  }
0xed: {  	v8 =	vmul.f32 $1.442695020e+00, v8;
	v5 =	vsub.f32 v12, v19;
	(erf) = vpow2.f32 v6  }
0xee: {  	v61 =	vsub.f32 v28, v19;
	v9 =	vmul.f32 $1.442695020e+00, v9;
	(erf) = vpow2.f32 v7  }
0xef: {  	v62 =	vsub.f32 v29, v19;
	v5 =	vmul.f32 $1.442695020e+00, v5;
	(erf) = vpow2.f32 v8  }
0xf0: {  	p1 =	sgt.s32 s16, $0x2;
	v6 =	vmul.f32 $1.442695020e+00, v61;
	v8 =	vsub.f32 v30, v19;
	v27 =	vpop (erf);
	(erf) = vpow2.f32 v9  }
.Ltmp6:
0xf1: {  	v7 =	vmul.f32 $1.442695020e+00, v62;
	v9 =	vsub.f32 v31, v19;
	v28 =	vpop (erf);
	(erf) = vpow2.f32 v5;
	(pc) =	sbr.rel @!p1 .LBB2_14-.Ltmp6, $4  }
0xf2: {  	s1 =	sadd.s32 s21, s19;
	v63 =	vsub.f32 v36, v20;
	v8 =	vmul.f32 $1.442695020e+00, v8;
	v29 =	vpop (erf);
	(erf) = vpow2.f32 v6  }
0xf3: {  	s1 =	sadd.s32 s30, s1;
	v5 =	vsub.f32 v10, v20;
	v9 =	vmul.f32 $1.442695020e+00, v9;
	v30 =	vpop (erf);
	(erf) = vpow2.f32 v7  }
0xf4: {  	p0 =	por $0x0, $0x0;
	s1 =	sadd.s32 s31, s1;
	v35 =	vsub.f32 v4, v20;
	v34 =	vmul.f32 $1.442695020e+00, v63;
	v31 =	vpop (erf);
	(erf) = vpow2.f32 v8  }
0xf5: {  	s17 =	simm.s32 $0x10030;
	s31 =	smov.u32 s11;
	s18 =	sadd.s32 s18, s1;
	v36 =	vsub.f32 v38, v20;
	v33 =	vmul.f32 $1.442695020e+00, v5;
	v32 =	vpop (erf);
	(erf) = vpow2.f32 v9  }
0xf6: {  	_ = 	snop  }
0xf7: {  	v4 =	vmul.f32 $1.442695020e+00, v35;
	v5 =	vsub.f32 v18, v20;
	v18 =	vpop (erf);
	(erf) = vpow2.f32 v33  }
0xf8: {  	v8 =	vsub.f32 v16, v20;
	v7 =	vmul.f32 $1.442695020e+00, v36;
	v16 =	vpop (erf);
	(erf) = vpow2.f32 v34  }
0xf9: {  	v9 =	vsub.f32 v15, v20;
	v5 =	vmul.f32 $1.442695020e+00, v5;
	v15 =	vpop (erf);
	(erf) = vpow2.f32 v4  }
0xfa: {  	v6 =	vld [tilespmem:s17+$0x0];
	v4 =	vmul.f32 $1.442695020e+00, v8;
	v8 =	vsub.f32 v13, v20;
	v13 =	vpop (erf);
	(erf) = vpow2.f32 v7  }
0xfb: {  	v7 =	vmul.f32 $1.442695020e+00, v9;
	v9 =	vsub.f32 v11, v19;
	v11 =	vpop (erf);
	(erf) = vpow2.f32 v5  }
0xfc: {  	v5 =	vmul.f32 $1.442695020e+00, v8;
	v62 =	vpop (erf);
	(erf) = vpow2.f32 v4  }
0xfd: {  	v12 =	vld [tilespmem:s17+$0xFFFFFFF0];
	v63 =	vpop (erf);
	(erf) = vpow2.f32 v7  }
0xfe: {  	v27 =	vadd.f32 v28, v27;
	v8 =	vmul.f32 $1.442695020e+00, v9;
	v52 =	vpop (erf);
	(erf) = vpow2.f32 v5  }
0xff: {  	v42 =	vld.idx.msk [tilespmem:v26+s26+$0x0], $0xffff;
	v28 =	vadd.f32 v30, v29;
	v4 =	vand.u32 $0x78, v6;
	v7 =	vand.u32 $0xFFFFFF80, v6;
	v53 =	vpop (erf)  }
0x100: {  	v5 =	vand.u32 $0x7, v6;
	v9 =	vor.u32 v4, v7;
	(erf) = vpow2.f32 v8;
	v38 =	vpop (erf)  }
0x101: {  	v31 =	vadd.f32 v32, v31;
	v16 =	vadd.f32 v16, v18;
	v37 =	vor.u32 v5, v9;
	v40 =	vpop (erf)  }
0x102: {  	v61 =	vadd.f32 v28, v27;
	v13 =	vadd.f32 v13, v15;
	v39 =	vadd.s32 $0x4000, v37;
	v43 =	vpop (erf)  }
0x103: {  	v16 =	vadd.f32 v16, v31;
	v10 =	vand.u32 $0x78, v12;
	v41 =	vadd.s32 $0x4800, v37;
	v47 =	vpop (erf)  }
0x104: {  	v45 =	vld.idx.msk [tilespmem:v25+s26+$0x0], $0xffff;
	vm5 =	veq.s32 v42, $0xFF;
	v9 =	vand.u32 $0xFFFFFF80, v12;
	v44 =	vadd.s32 $0x5000, v37;
	v29 =	vpop (erf)  }
0x105: {  	v25 =	vld.idx.msk [tilespmem:v12+s6+$0x0], $0xffff;
	v8 =	vand.u32 $0x7, v12;
	v26 =	vor.u32 v10, v9;
	v48 =	vadd.s32 $0x5800, v37;
	v18 =	vpop (erf)  }
0x106: {  	v11 =	vadd.f32 v62, v11;
	v30 =	vadd.s32 $0x800, v37;
	v46 =	vor.u32 v8, v26;
	v26 =	vld.idx.msk [tilespmem:v6+s6+$0x0], $0xffff;
	v15 =	vpop (erf)  }
0x107: {  	v54 =	vadd.s32 $0x1000, v37;
	v38 =	vadd.f32 v40, v38;
	v55 =	vadd.f32 v47, v43;
	v39 =	vld.idx.msk [tilespmem:v39+s6+$0x0], $0xffff;
	v56 =	vpop (erf)  }
0x108: {  	v49 =	vadd.s32 $0x1800, v37;
	v41 =	vld.idx.msk [tilespmem:v41+s6+$0x0], $0xffff;
	v18 =	vadd.f32 v18, v29;
	v15 =	vadd.f32 v56, v15  }
0x109: {  	v35 =	vadd.f32 v52, v63;
	v58 =	vadd.s32 $0x2800, v37;
	v44 =	vld.idx.msk [tilespmem:v44+s6+$0x0], $0xffff;
	v38 =	vadd.f32 v55, v38;
	v29 =	vpop (erf)  }
0x10a: {  	v59 =	vadd.s32 $0x3000, v37;
	v48 =	vld.idx.msk [tilespmem:v48+s6+$0x0], $0xffff;
	v29 =	vadd.f32 v29, v53;
	v15 =	vadd.f32 v15, v18  }
0x10b: {  	vm6 =	veq.s32 v45, $0xFF;
	v11 =	vadd.f32 v11, v13;
	v13 =	vadd.s32 $0x4000, v46;
	v33 =	vld.idx.msk [tilespmem:v30+s6+$0x0], $0xffff  }
0x10c: {  	v60 =	vadd.s32 $0x4800, v46;
	v34 =	vld.idx.msk [tilespmem:v54+s6+$0x0], $0xffff;
	v31 =	vadd.f32 v29, v35;
	v15 =	vadd.f32 v15, v38  }
0x10d: {  	v45 =	vsel vm6, $0x0, v45;
	v63 =	vmov s18;
	v62 =	vadd.s32 $0x5000, v46;
	v30 =	vld.idx.msk [tilespmem:v49+s6+$0x0], $0xffff  }
0x10e: {  	v27 =	vld.idx.msk [tilespmem:v58+s6+$0x0], $0xffff;
	v18 =	vadd.s32 $0x3800, v37;
	v38 =	vadd.f32 v15, v16;
	v15 =	vadd.f32 v31, v11  }
0x10f: {  	vm1 =	vgt.s32 v63, v0;
	v57 =	vadd.s32 $0x2000, v37;
	v50 =	vadd.s32 $0x2000, v46;
	v28 =	vld.idx.msk [tilespmem:v59+s6+$0x0], $0xffff  }
0x110: {  	v47 =	vld.idx.msk [tilespmem:v13+s6+$0x0], $0xffff;
	v16 =	vadd.s32 $0x5800, v46;
	v56 =	vand.u32 $0x7FFFFF, v38;
	v43 =	vadd.f32 v15, v61  }
0x111: {  	v51 =	vadd.s32 $0x2800, v46;
	v13 =	vadd.s32 $0x1800, v46;
	v49 =	vld.idx.msk [tilespmem:v60+s6+$0x0], $0xffff;
	v15 =	vor.u32 $0x3F800000, v56  }
0x112: {  	v37 =	vld.idx.msk [tilespmem:v62+s6+$0x0], $0xffff;
	v31 =	vadd.s32 $0x800, v46;
	v58 =	vmul.f32 $5.000000000e-01, v15;
	v35 =	vand.u32 $0x7FFFFF, v43  }
0x113: {  	v11 =	vld.idx.msk [tilespmem:v18+s6+$0x0], $0xffff;
	v18 =	vadd.s32 $0x1000, v46;
	vm3 =	vgt.f32 v15, $1.414213540e+00;
	v52 =	vor.u32 $0x3F800000, v35  }
0x114: {  	v54 =	vadd.s32 $0x3000, v46;
	v29 =	vld.idx.msk [tilespmem:v57+s6+$0x0], $0xffff;
	v55 =	vsel vm3, v58, v15;
	v15 =	vmul.f32 $5.000000000e-01, v52  }
0x115: {  	v46 =	vadd.s32 $0x3800, v46;
	v53 =	vld.idx.msk [tilespmem:v16+s6+$0x0], $0xffff;
	vm4 =	vgt.f32 v52, $1.414213540e+00;
	v16 =	vadd.f32 $1.000000000e+00, v55  }
0x116: {  	v40 =	vsel vm5, $0x0, v42;
	v59 =	vshll.u32 v45, $0xB;
	v32 =	vld.idx.msk [tilespmem:v13+s6+$0x0], $0xffff;
	v36 =	vsel vm4, v15, v52  }
0x117: {  	v24 =	vadd.s32 v24, v59;
	v35 =	vld.idx.msk [tilespmem:v31+s6+$0x0], $0xffff;
	v13 =	vadd.f32 $1.000000000e+00, v36;
	(erf) = vrcp.f32 v16  }
0x118: {  	v42 =	vsel vm5, $0x0, v2;
	v60 =	vshll.u32 v40, $0xB;
	v23 =	vor.u32 v23, v24;
	v31 =	vld.idx.msk [tilespmem:v18+s6+$0x0], $0xffff  }
0x119: {  	s1 =	sadd.s32 $0xFFFFFFF0, s18;
	v24 =	vsel vm6, $0x0, v2;
	v22 =	vadd.s32 v22, v60;
	v15 =	vld.idx.msk [tilespmem:v54+s6+$0x0], $0xffff;
	(erf) = vrcp.f32 v13  }
0x11a: {  	v21 =	vor.u32 v21, v23;
	v17 =	vor.u32 v17, v22;
	v57 =	vmov s1;
	v13 =	vld.idx.msk [tilespmem:v46+s6+$0x0], $0xffff  }
0x11b: {  	v22 =	vmax.f32 v39, v41;
	vm2 =	vgt.s32 v57, v0;
	v38 =	vshra.s32 v38, $0x17;
	v18 =	vld.idx.msk [tilespmem:v50+s6+$0x0], $0xffff  }
0x11c: {  	v43 =	vshra.s32 v43, $0x17;
	v50 =	vor.u32 v14, v17;
	v14 =	vmax.f32 v26, v33;
	v16 =	vld.idx.msk [tilespmem:v51+s6+$0x0], $0xffff  }
0x11d: {  	v17 =	vmax.f32 v34, v30;
	v56 =	vmax.f32 v28, v11;
	v55 =	vadd.f32 $-1.000000000e+00, v55  }
0x11e: {  	v14 =	vmax.f32 v14, v17;
	v52 =	vmax.f32 v47, v49;
	v51 =	vmax.f32 v29, v27  }
0x11f: {  	v17 =	vadd.f32 $-1.000000000e+00, v36;
	v54 =	vmax.f32 v37, v53;
	v60 =	vmax.f32 v15, v13  }
0x120: {  	v57 =	vmax.f32 v25, v35;
	v51 =	vmax.f32 v51, v56;
	v46 =	vmax.f32 v44, v48;
	v61 =	vpop (erf)  }
0x121: {  	v22 =	vmax.f32 v22, v46;
	v59 =	vmax.f32 v18, v16;
	v46 =	vmul.f32 v61, v55  }
0x122: {  	v58 =	vmax.f32 v31, v32;
	v14 =	vmax.f32 v14, v51;
	v63 =	vmax.f32 v59, v60;
	v60 =	vpop (erf)  }
0x123: {  	v14 =	vmax.f32 v14, v22;
	v51 =	vmul.f32 v46, v46;
	v56 =	vmul.f32 v60, v17  }
0x124: {  	v62 =	vmax.f32 v57, v58;
	v22 =	vsub.f32 v39, v14;
	v26 =	vsub.f32 v26, v14  }
0x125: {  	v36 =	vmax.f32 v62, v63;
	v61 =	vmul.f32 $1.428571490e-01, v51;
	v62 =	vmul.f32 v56, v56  }
0x126: {  	v22 =	vmul.f32 $1.442695020e+00, v22;
	v63 =	vsub.f32 v41, v14;
	v41 =	vsub.f32 v44, v14  }
0x127: {  	v34 =	vsub.f32 v34, v14;
	v39 =	vadd.f32 $2.000000030e-01, v61;
	v55 =	vmul.f32 $1.428571490e-01, v62  }
0x128: {  	v44 =	vsub.f32 v48, v14;
	(erf) = vpow2.f32 v22;
	v41 =	vmul.f32 $1.442695020e+00, v41  }
0x129: {  	v17 =	vmax.f32 v52, v54;
	v58 =	vmul.f32 v39, v51;
	v59 =	vadd.f32 $2.000000030e-01, v55  }
0x12a: {  	v44 =	vmul.f32 $1.442695020e+00, v44;
	v60 =	vsel vm4, $0x1, v1;
	v17 =	vmax.f32 v36, v17  }
0x12b: {  	v57 =	vsub.f32 v37, v17;
	v37 =	vadd.f32 $3.333333430e-01, v58;
	v39 =	vmul.f32 v59, v62  }
0x12c: {  	v46 =	vadd.f32 v46, v46;
	v43 =	vadd.s32 v60, v43;
	v61 =	vsel vm3, $0x1, v1  }
0x12d: {  	v38 =	vadd.s32 v61, v38;
	v37 =	vmul.f32 v37, v51;
	v39 =	vadd.f32 $3.333333430e-01, v39  }
0x12e: {  	v36 =	vmul.f32 $1.442695020e+00, v63;
	v43 =	vadd.s32 $0xFFFFFF81, v43;
	v38 =	vadd.s32 $0xFFFFFF81, v38  }
0x12f: {  	v38 =	vcvt.s32.f32 v38;
	v37 =	vadd.f32 $1.000000000e+00, v37;
	v39 =	vmul.f32 v39, v62  }
0x130: {  	v60 =	vmul.f32 $1.442695020e+00, v34;
	v63 =	vadd.f32 v56, v56;
	v43 =	vcvt.s32.f32 v43  }
0x131: {  	v45 =	vld.idx.msk [tilespmem:v45+s20+$0x0], $0xffff;
	v38 =	vmul.f32 $6.931471820e-01, v38;
	v37 =	vmul.f32 v37, v46;
	v39 =	vadd.f32 $1.000000000e+00, v39  }
0x132: {  	v21 =	vld.idx.msk [tilespmem:v21+s6+$0x0], $0xffff;
	v47 =	vsub.f32 v47, v17;
	v49 =	vsub.f32 v49, v17;
	(erf) = vpow2.f32 v36  }
0x133: {  	v40 =	vld.idx.msk [tilespmem:v40+s20+$0x0], $0xffff;
	v52 =	vmul.f32 $6.931471820e-01, v43;
	v37 =	vadd.f32 v37, v38;
	v51 =	vmul.f32 v39, v63  }
0x134: {  	v54 =	vmul.f32 $1.442695020e+00, v47;
	v23 =	vmul.f32 $1.442695020e+00, v57;
	v62 =	vsub.f32 v53, v17;
	v53 =	vld.idx.msk [tilespmem:v50+s6+$0x0], $0xffff  }
0x135: {  	(erf) = vpow2.f32 v41;
	v20 =	vadd.f32 v37, v20;
	v56 =	vadd.f32 v51, v52  }
0x136: {  	v33 =	vsub.f32 v33, v14;
	v57 =	vmul.f32 v24, v45;
	(erf) = vpow2.f32 v44  }
0x137: {  	v55 =	vmul.f32 $1.442695020e+00, v49;
	v20 =	vsub.f32 v20, v21;
	v19 =	vadd.f32 v56, v19  }
0x138: {  	v29 =	vsub.f32 v29, v14;
	v24 =	vmul.f32 v42, v40;
	(erf) = vpow2.f32 v54  }
0x139: {  	(erf) = vpow2.f32 v55;
	v20 =	vmul.f32 v20, v57;
	v19 =	vsub.f32 v19, v53  }
0x13a: {  	v58 =	vsub.f32 v30, v14;
	(erf) = vpow2.f32 v23;
	v59 =	vmul.f32 $1.442695020e+00, v62  }
0x13b: {  	v20 =	vnsel vm1, $0x0, v20;
	v19 =	vmul.f32 v19, v24;
	v24 =	vmul.f32 $1.442695020e+00, v26  }
0x13c: {  	(erf) = vpow2.f32 v59;
	v3 =	vadd.f32 v20, v3;
	v20 =	vmul.f32 $1.442695020e+00, v33  }
0x13d: {  	v61 =	vsub.f32 v27, v14;
	v19 =	vnsel vm2, $0x0, v19;
	(erf) = vpow2.f32 v24  }
0x13e: {  	p1 =	sgt.s32 s16, $0x4;
	v27 =	vpop (erf);
	v3 =	vadd.f32 v19, v3;
	v19 =	vmul.f32 $1.442695020e+00, v58;
	(erf) = vpow2.f32 v20  }
.Ltmp7:
0x13f: {  	v62 =	vsub.f32 v28, v14;
	v28 =	vpop (erf);
	v20 =	vmul.f32 $1.442695020e+00, v29;
	(erf) = vpow2.f32 v60;
	(pc) =	sbr.rel @!p1 .LBB2_16-.Ltmp7, $4  }
0x140: {  	v63 =	vsub.f32 v25, v17;
	v21 =	vmul.f32 $1.442695020e+00, v61;
	v29 =	vpop (erf);
	(erf) = vpow2.f32 v19  }
0x141: {  	v23 =	vmul.f32 $1.442695020e+00, v62;
	v30 =	vpop (erf);
	v19 =	vsub.f32 v35, v17;
	(erf) = vpow2.f32 v20  }
0x142: {  	s19 =	simm.s32 $0x4;
	s21 =	simm.s32 $0x10050;
	v33 =	vmul.f32 $1.442695020e+00, v63;
	v35 =	vsub.f32 v31, v17;
	v31 =	vpop (erf);
	(erf) = vpow2.f32 v21  }
0x143: {  	p0 =	por $0x1, $0x1;
	s17 =	smov.u32 s18;
	s11 =	smov.u32 s13;
	v36 =	vsub.f32 v32, v17;
	v32 =	vpop (erf);
	v34 =	vmul.f32 $1.442695020e+00, v19;
	(erf) = vpow2.f32 v23  }
.LBB2_17:
0x144: {  	v19 =	vld [tilespmem:s21+$0x0];
	v35 =	vmul.f32 $1.442695020e+00, v35;
	v18 =	vsub.f32 v18, v17;
	(erf) = vpow2.f32 v33;
	v21 =	vpop (erf)  }
0x145: {  	v16 =	vsub.f32 v16, v17;
	v22 =	vmul.f32 $1.442695020e+00, v36;
	(erf) = vpow2.f32 v34;
	v23 =	vpop (erf)  }
0x146: {  	v15 =	vsub.f32 v15, v17;
	v25 =	vmul.f32 $1.442695020e+00, v18;
	(erf) = vpow2.f32 v35;
	v20 =	vpop (erf)  }
0x147: {  	v13 =	vsub.f32 v13, v17;
	v26 =	vmul.f32 $1.442695020e+00, v16;
	(erf) = vpow2.f32 v22;
	v24 =	vpop (erf)  }
0x148: {  	v11 =	vsub.f32 v11, v14;
	v22 =	vmul.f32 $1.442695020e+00, v15;
	(erf) = vpow2.f32 v25;
	v18 =	vpop (erf)  }
0x149: {  	v33 =	vmul.f32 $1.442695020e+00, v13;
	v25 =	vld [tilespmem:s21+$0xFFFFFFF0];
	v35 =	vand.u32 $0xFFFFFF80, v19;
	(erf) = vpow2.f32 v26;
	v16 =	vpop (erf)  }
0x14a: {  	v11 =	vmul.f32 $1.442695020e+00, v11;
	v36 =	vand.u32 $0x78, v19;
	(erf) = vpow2.f32 v22;
	v15 =	vpop (erf)  }
0x14b: {  	v34 =	vand.u32 $0x7, v19;
	v22 =	vor.u32 v36, v35;
	(erf) = vpow2.f32 v33;
	v13 =	vpop (erf)  }
0x14c: {  	v26 =	vor.u32 v34, v22;
	v40 =	vpop (erf);
	(erf) = vpow2.f32 v11  }
0x14d: {  	v11 =	vadd.s32 $0x4000, v26;
	v38 =	vpop (erf)  }
0x14e: {  	v41 =	vadd.s32 $0x4800, v26;
	v39 =	vand.u32 $0xFFFFFF80, v25;
	v37 =	vand.u32 $0x78, v25;
	v43 =	vld.idx.msk [tilespmem:v6+s26+$0x0], $0xffff;
	v42 =	vpop (erf)  }
0x14f: {  	v44 =	vadd.s32 $0x5000, v26;
	v33 =	vand.u32 $0x7, v25;
	v49 =	vor.u32 v37, v39;
	v45 =	vld.idx.msk [tilespmem:v12+s26+$0x0], $0xffff;
	v12 =	vpop (erf)  }
0x150: {  	v47 =	vadd.s32 $0x5800, v26;
	v6 =	vmov v19;
	v46 =	vor.u32 v33, v49;
	v22 =	vld.idx.msk [tilespmem:v19+s6+$0x0], $0xffff;
	v48 =	vpop (erf)  }
0x151: {  	v50 =	vadd.f32 v28, v27;
	v30 =	vadd.f32 v30, v29;
	v49 =	vadd.s32 $0x800, v26;
	v19 =	vld.idx.msk [tilespmem:v25+s6+$0x0], $0xffff;
	v27 =	vpop (erf)  }
0x152: {  	v21 =	vadd.f32 v23, v21;
	v51 =	vadd.s32 $0x1000, v26;
	v29 =	vld.idx.msk [tilespmem:v11+s6+$0x0], $0xffff;
	v11 =	vadd.f32 v32, v31;
	v23 =	vpop (erf)  }
0x153: {  	v20 =	vadd.f32 v24, v20;
	v16 =	vadd.f32 v16, v18;
	v52 =	vadd.s32 $0x1800, v26;
	v31 =	vld.idx.msk [tilespmem:v41+s6+$0x0], $0xffff;
	v18 =	vpop (erf)  }
0x154: {  	v24 =	vadd.s32 $0x2000, v26;
	v41 =	vadd.f32 v42, v38;
	v42 =	vadd.f32 v48, v12;
	v32 =	vld.idx.msk [tilespmem:v44+s6+$0x0], $0xffff;
	v12 =	vpop (erf)  }
0x155: {  	v23 =	vadd.f32 v23, v27;
	v44 =	vadd.s32 $0x2800, v26;
	v38 =	vld.idx.msk [tilespmem:v47+s6+$0x0], $0xffff;
	v18 =	vadd.f32 v12, v18;
	v12 =	vpop (erf)  }
0x156: {  	v13 =	vadd.f32 v13, v15;
	v47 =	vadd.s32 $0x3000, v26;
	v28 =	vld.idx.msk [tilespmem:v49+s6+$0x0], $0xffff;
	v15 =	vadd.f32 v12, v40;
	v12 =	vmovc v25  }
0x157: {  	v25 =	vadd.s32 $0x3800, v26;
	v40 =	vadd.f32 v42, v41;
	v27 =	vld.idx.msk [tilespmem:v51+s6+$0x0], $0xffff;
	v18 =	vadd.f32 v18, v23  }
0x158: {  	v16 =	vadd.f32 v16, v20;
	v11 =	vadd.f32 v21, v11;
	v42 =	vadd.s32 $0x4000, v46;
	v26 =	vld.idx.msk [tilespmem:v52+s6+$0x0], $0xffff  }
0x159: {  	v48 =	vadd.s32 $0x4800, v46;
	v13 =	vadd.f32 v15, v13;
	v23 =	vld.idx.msk [tilespmem:v24+s6+$0x0], $0xffff;
	v18 =	vadd.f32 v18, v40  }
0x15a: {  	v15 =	vadd.s32 $0x5000, v46;
	v24 =	vadd.f32 v30, v50;
	v21 =	vld.idx.msk [tilespmem:v44+s6+$0x0], $0xffff  }
0x15b: {  	s17 =	sadd.s32 $0xFFFFFFE0, s17;
	v30 =	vadd.s32 $0x5800, v46;
	v13 =	vadd.f32 v13, v16;
	v20 =	vld.idx.msk [tilespmem:v47+s6+$0x0], $0xffff;
	v41 =	vadd.f32 v18, v11  }
0x15c: {  	v16 =	vadd.s32 $0x800, v46;
	v18 =	vmov s17;
	v11 =	vld.idx.msk [tilespmem:v25+s6+$0x0], $0xffff  }
0x15d: {  	s1 =	sadd.s32 $0xFFFFFFF0, s17;
	v25 =	vadd.s32 $0x1000, v46;
	v47 =	vadd.f32 v13, v24;
	v44 =	vld.idx.msk [tilespmem:v42+s6+$0x0], $0xffff;
	v40 =	vand.u32 $0x7FFFFF, v41  }
0x15e: {  	v13 =	vadd.s32 $0x1800, v46;
	v48 =	vld.idx.msk [tilespmem:v48+s6+$0x0], $0xffff;
	v24 =	vor.u32 $0x3F800000, v40;
	v40 =	vmov s1  }
0x15f: {  	v49 =	vadd.s32 $0x2000, v46;
	v51 =	vand.u32 $0x7FFFFF, v47;
	v50 =	vld.idx.msk [tilespmem:v15+s6+$0x0], $0xffff;
	v15 =	vmul.f32 $5.000000000e-01, v24  }
0x160: {  	v52 =	vadd.s32 $0x2800, v46;
	vm3 =	vgt.f32 v24, $1.414213540e+00;
	v51 =	vor.u32 $0x3F800000, v51;
	v42 =	vld.idx.msk [tilespmem:v30+s6+$0x0], $0xffff  }
0x161: {  	v53 =	vadd.s32 $0x3000, v46;
	v30 =	vld.idx.msk [tilespmem:v16+s6+$0x0], $0xffff;
	v54 =	vsel vm3, v15, v24;
	v15 =	vmul.f32 $5.000000000e-01, v51  }
0x162: {  	v46 =	vadd.s32 $0x3800, v46;
	vm4 =	vgt.f32 v51, $1.414213540e+00;
	v24 =	vld.idx.msk [tilespmem:v25+s6+$0x0], $0xffff;
	v16 =	vadd.f32 $1.000000000e+00, v54  }
0x163: {  	vm5 =	veq.s32 v43, $0xFF;
	vm1 =	vgt.s32 v18, v0;
	v25 =	vld.idx.msk [tilespmem:v13+s6+$0x0], $0xffff;
	v51 =	vsel vm4, v15, v51  }
0x164: {  	vm6 =	veq.s32 v45, $0xFF;
	v18 =	vld.idx.msk [tilespmem:v49+s6+$0x0], $0xffff;
	v13 =	vadd.f32 $1.000000000e+00, v51;
	(erf) = vrcp.f32 v16  }
0x165: {  	v43 =	vsel vm5, $0x0, v43;
	v45 =	vsel vm6, $0x0, v45;
	vm2 =	vgt.s32 v40, v0;
	v16 =	vld.idx.msk [tilespmem:v52+s6+$0x0], $0xffff  }
0x166: {  	v40 =	vshll.u32 v45, $0xB;
	v49 =	vshll.u32 v43, $0xB;
	v15 =	vld.idx.msk [tilespmem:v53+s6+$0x0], $0xffff;
	(erf) = vrcp.f32 v13  }
0x167: {  	v52 =	vadd.s32 v9, v40;
	v40 =	vsel vm5, $0x0, v2;
	v13 =	vld.idx.msk [tilespmem:v46+s6+$0x0], $0xffff;
	v46 =	vadd.s32 v7, v49;
	v7 =	vmovc v35  }
0x168: {  	v9 =	vmovc v39;
	v35 =	vor.u32 v10, v52;
	v49 =	vsel vm6, $0x0, v2;
	v55 =	vor.u32 v4, v46;
	v4 =	vmovc v36  }
0x169: {  	v39 =	vmax.f32 v32, v38;
	v36 =	vmax.f32 v29, v31;
	v46 =	vor.u32 v5, v55;
	v5 =	vmovc v34  }
0x16a: {  	v53 =	vmax.f32 v23, v21;
	v52 =	vmax.f32 v27, v26;
	v10 =	vmovc v37;
	v34 =	vmax.f32 v22, v28  }
0x16b: {  	v56 =	vmax.f32 v20, v11;
	v37 =	vmax.f32 v44, v48;
	v55 =	vmax.f32 v50, v42  }
0x16c: {  	v54 =	vadd.f32 $-1.000000000e+00, v54;
	v57 =	vmax.f32 v19, v30;
	v58 =	vmax.f32 v24, v25  }
0x16d: {  	v36 =	vmax.f32 v36, v39;
	v59 =	vmax.f32 v18, v16;
	v60 =	vmax.f32 v15, v13;
	v39 =	vpop (erf)  }
0x16e: {  	v51 =	vadd.f32 $-1.000000000e+00, v51;
	v34 =	vmax.f32 v34, v52;
	v39 =	vmul.f32 v39, v54  }
0x16f: {  	v53 =	vmax.f32 v53, v56;
	v52 =	vmax.f32 v57, v58;
	v54 =	vmax.f32 v59, v60;
	v56 =	vpop (erf)  }
0x170: {  	v34 =	vmax.f32 v34, v53;
	v53 =	vmul.f32 v39, v39;
	v51 =	vmul.f32 v56, v51  }
0x171: {  	v37 =	vmax.f32 v37, v55;
	v34 =	vmax.f32 v34, v36;
	v52 =	vmax.f32 v52, v54  }
0x172: {  	v29 =	vsub.f32 v29, v34;
	v36 =	vmul.f32 $1.428571490e-01, v53;
	v54 =	vmul.f32 v51, v51  }
0x173: {  	v31 =	vsub.f32 v31, v34;
	v32 =	vsub.f32 v32, v34;
	v37 =	vmax.f32 v52, v37  }
0x174: {  	v38 =	vsub.f32 v38, v34;
	v36 =	vadd.f32 $2.000000030e-01, v36;
	v52 =	vmul.f32 $1.428571490e-01, v54  }
0x175: {  	v35 =	vor.u32 v8, v35;
	v8 =	vmovc v33;
	v44 =	vsub.f32 v44, v37;
	v48 =	vsub.f32 v48, v37  }
0x176: {  	v33 =	vsub.f32 v50, v37;
	v36 =	vmul.f32 v36, v53;
	v50 =	vadd.f32 $2.000000030e-01, v52  }
0x177: {  	v41 =	vshra.s32 v41, $0x17;
	v47 =	vshra.s32 v47, $0x17;
	v52 =	vsel vm4, $0x1, v1  }
0x178: {  	v55 =	vsel vm3, $0x1, v1;
	v36 =	vadd.f32 $3.333333430e-01, v36;
	v50 =	vmul.f32 v50, v54  }
0x179: {  	v41 =	vadd.s32 v55, v41;
	v29 =	vmul.f32 $1.442695020e+00, v29;
	v47 =	vadd.s32 v52, v47  }
0x17a: {  	v41 =	vadd.s32 $0xFFFFFF81, v41;
	v36 =	vmul.f32 v36, v53;
	v50 =	vadd.f32 $3.333333430e-01, v50  }
0x17b: {  	v41 =	vcvt.s32.f32 v41;
	v31 =	vmul.f32 $1.442695020e+00, v31;
	v47 =	vadd.s32 $0xFFFFFF81, v47  }
0x17c: {  	v39 =	vadd.f32 v39, v39;
	v36 =	vadd.f32 $1.000000000e+00, v36;
	v50 =	vmul.f32 v50, v54  }
0x17d: {  	v41 =	vmul.f32 $6.931471820e-01, v41;
	v42 =	vsub.f32 v42, v37;
	v47 =	vcvt.s32.f32 v47;
	v45 =	vld.idx.msk [tilespmem:v45+s20+$0x0], $0xffff  }
0x17e: {  	s19 =	sadd.s32 $0x2, s19;
	v36 =	vmul.f32 v36, v39;
	v35 =	vld.idx.msk [tilespmem:v35+s6+$0x0], $0xffff;
	v39 =	vadd.f32 v51, v51;
	v50 =	vadd.f32 $1.000000000e+00, v50  }
0x17f: {  	p1 =	slt.s32 s19, s16;
	v22 =	vsub.f32 v22, v34;
	v32 =	vmul.f32 $1.442695020e+00, v32;
	v38 =	vmul.f32 $1.442695020e+00, v38;
	v43 =	vld.idx.msk [tilespmem:v43+s20+$0x0], $0xffff  }
0x180: {  	v36 =	vadd.f32 v36, v41;
	v39 =	vmul.f32 v50, v39;
	v41 =	vmul.f32 $6.931471820e-01, v47;
	v46 =	vld.idx.msk [tilespmem:v46+s6+$0x0], $0xffff  }
0x181: {  	v28 =	vsub.f32 v28, v34;
	v44 =	vmul.f32 $1.442695020e+00, v44;
	v47 =	vmul.f32 $1.442695020e+00, v48  }
0x182: {  	v33 =	vmul.f32 $1.442695020e+00, v33;
	v36 =	vadd.f32 v36, v17;
	v39 =	vadd.f32 v39, v41;
	v17 =	vmovc v37  }
0x183: {  	v27 =	vsub.f32 v27, v34;
	(erf) = vpow2.f32 v29;
	v29 =	vmul.f32 v49, v45  }
0x184: {  	(erf) = vpow2.f32 v31;
	v31 =	vsub.f32 v36, v35;
	v35 =	vadd.f32 v39, v14;
	v14 =	vmovc v34  }
0x185: {  	v26 =	vsub.f32 v26, v14;
	(erf) = vpow2.f32 v32;
	v32 =	vmul.f32 v40, v43  }
0x186: {  	(erf) = vpow2.f32 v38;
	v29 =	vmul.f32 v31, v29;
	v31 =	vsub.f32 v35, v46  }
0x187: {  	v34 =	vmul.f32 $1.442695020e+00, v42;
	v23 =	vsub.f32 v23, v14;
	(erf) = vpow2.f32 v44  }
0x188: {  	(erf) = vpow2.f32 v47;
	v29 =	vnsel vm1, $0x0, v29;
	v31 =	vmul.f32 v31, v32  }
0x189: {  	v22 =	vmul.f32 $1.442695020e+00, v22;
	(erf) = vpow2.f32 v33;
	v3 =	vadd.f32 v29, v3  }
0x18a: {  	v32 =	vmul.f32 $1.442695020e+00, v28;
	(erf) = vpow2.f32 v34;
	v29 =	vnsel vm2, $0x0, v31  }
0x18b: {  	v31 =	vmul.f32 $1.442695020e+00, v27;
	(erf) = vpow2.f32 v22;
	v3 =	vadd.f32 v29, v3  }
0x18c: {  	v21 =	vsub.f32 v21, v14;
	v22 =	vmul.f32 $1.442695020e+00, v26;
	(erf) = vpow2.f32 v32;
	v27 =	vpop (erf)  }
.Ltmp8:
0x18d: {  	v20 =	vsub.f32 v20, v14;
	v23 =	vmul.f32 $1.442695020e+00, v23;
	(erf) = vpow2.f32 v31;
	v28 =	vpop (erf);
	(pc) =	sbr.rel @p1 .LBB2_17-.Ltmp8, $4  }
0x18e: {  	v19 =	vsub.f32 v19, v17;
	v21 =	vmul.f32 $1.442695020e+00, v21;
	(erf) = vpow2.f32 v22;
	v29 =	vpop (erf)  }
0x18f: {  	v20 =	vmul.f32 $1.442695020e+00, v20;
	v22 =	vsub.f32 v30, v17;
	(erf) = vpow2.f32 v23;
	v30 =	vpop (erf)  }
0x190: {  	v35 =	vsub.f32 v24, v17;
	v33 =	vmul.f32 $1.442695020e+00, v19;
	v31 =	vpop (erf);
	(erf) = vpow2.f32 v21  }
0x191: {  	s21 =	sadd.s32 $0x20, s21;
	v36 =	vsub.f32 v25, v17;
	v34 =	vmul.f32 $1.442695020e+00, v22;
	v32 =	vpop (erf);
	(erf) = vpow2.f32 v20  }
0x192: {  	v20 =	vmovc v17;
	v19 =	vmovc v14;
	v26 =	vmov v6;
	v25 =	vmov v12;
	v24 =	vmov v9  }
0x193: {  	v22 =	vmovc v7;
	v23 =	vmovc v10;
	v17 =	vmov v4;
	v14 =	vmov v5;
	v21 =	vmov v8;
	s2 =	rddreg [dreg:$0x13]  }
.LBB2_19:
0x194: {  	v4 =	vmul.f32 $1.442695020e+00, v35;
	v5 =	vsub.f32 v18, v20;
	_ =	sdelay $0x1  }
0x195: {  	(erf) = vpow2.f32 v33;
	v6 =	vpop (erf);
	v5 =	vmul.f32 $1.442695020e+00, v5  }
0x196: {  	v7 =	vmul.f32 $1.442695020e+00, v36;
	v8 =	vsub.f32 v16, v20;
	(erf) = vpow2.f32 v34;
	v9 =	vpop (erf)  }
0x197: {  	v10 =	vsub.f32 v15, v20;
	(erf) = vpow2.f32 v4;
	v4 =	vpop (erf)  }
0x198: {  	v12 =	vsub.f32 v13, v20;
	v8 =	vmul.f32 $1.442695020e+00, v8;
	(erf) = vpow2.f32 v7;
	v52 =	vpop (erf)  }
0x199: {  	v10 =	vmul.f32 $1.442695020e+00, v10;
	(erf) = vpow2.f32 v5;
	v5 =	vpop (erf)  }
0x19a: {  	v11 =	vsub.f32 v11, v19;
	v12 =	vmul.f32 $1.442695020e+00, v12;
	(erf) = vpow2.f32 v8;
	v53 =	vpop (erf)  }
0x19b: {  	(erf) = vpow2.f32 v10;
	v54 =	vpop (erf)  }
0x19c: {  	v11 =	vmul.f32 $1.442695020e+00, v11;
	(erf) = vpow2.f32 v12;
	v55 =	vpop (erf)  }
0x19d: {  	v56 =	vpop (erf)  }
0x19e: {  	(erf) = vpow2.f32 v11;
	v57 =	vpop (erf)  }
0x19f: {  	v58 =	vpop (erf)  }
0x1a0: {  	v59 =	vpop (erf)  }
0x1a1: {  	v60 =	vpop (erf)  }
0x1a2: {  	v27 =	vadd.f32 v28, v27;
	v61 =	vadd.f32 v30, v29;
	v62 =	vpop (erf)  }
0x1a3: {  	v63 =	vadd.f32 v32, v31;
	v6 =	vadd.f32 v9, v6;
	v31 =	vpop (erf)  }
0x1a4: {  	v4 =	vadd.f32 v52, v4;
	v5 =	vadd.f32 v53, v5;
	v32 =	vpop (erf)  }
0x1a5: {  	v33 =	vadd.f32 v58, v57;
	v34 =	vadd.f32 v60, v59;
	v35 =	vpop (erf)  }
0x1a6: {  	v9 =	vadd.f32 v31, v62;
	v7 =	vadd.f32 v35, v32  }
0x1a7: {  	v10 =	vadd.f32 v55, v54;
	v8 =	vadd.f32 v34, v33;
	v36 =	vpop (erf)  }
0x1a8: {  	v37 =	vadd.f32 v36, v56;
	v7 =	vadd.f32 v7, v9  }
0x1a9: {  	v6 =	vadd.f32 v6, v63;
	v4 =	vadd.f32 v5, v4  }
0x1aa: {  	v38 =	vadd.f32 v37, v10;
	v5 =	vadd.f32 v7, v8  }
0x1ab: {  	v39 =	vadd.f32 v61, v27  }
0x1ac: {  	v4 =	vadd.f32 v38, v4;
	v5 =	vadd.f32 v5, v6;
	_ =	sdelay $0x1  }
0x1ad: {  	v4 =	vadd.f32 v4, v39;
	v6 =	vand.u32 $0x7FFFFF, v5  }
0x1ae: {  	v6 =	vor.u32 $0x3F800000, v6  }
0x1af: {  	v8 =	vand.u32 $0x7FFFFF, v4;
	v40 =	vmul.f32 $5.000000000e-01, v6  }
0x1b0: {  	vm3 =	vgt.f32 v6, $1.414213540e+00;
	v8 =	vor.u32 $0x3F800000, v8  }
0x1b1: {  	v41 =	vmul.f32 $5.000000000e-01, v8;
	v6 =	vsel vm3, v40, v6  }
0x1b2: {  	vm4 =	vgt.f32 v8, $1.414213540e+00;
	v42 =	vadd.f32 $1.000000000e+00, v6  }
0x1b3: {  	v7 =	vsel vm4, v41, v8  }
0x1b4: {  	v8 =	vadd.f32 $1.000000000e+00, v7;
	(erf) = vrcp.f32 v42;
	_ =	sdelay $0x1  }
0x1b5: {  	(erf) = vrcp.f32 v8;
	_ =	sdelay $0x4  }
0x1b6: {  	v44 =	vld.idx.msk [tilespmem:v26+s26+$0x0], $0xffff  }
0x1b7: {  	v6 =	vadd.f32 $-1.000000000e+00, v6  }
0x1b8: {  	v45 =	vpop (erf)  }
0x1b9: {  	v43 =	vld.idx.msk [tilespmem:v25+s26+$0x0], $0xffff;
	v7 =	vadd.f32 $-1.000000000e+00, v7;
	v6 =	vmul.f32 v45, v6  }
0x1ba: {  	v46 =	vpop (erf)  }
0x1bb: {  	vm1 =	veq.s32 v44, $0xFF;
	v7 =	vmul.f32 v46, v7;
	v47 =	vmul.f32 v6, v6  }
0x1bc: {  	v9 =	vsel vm1, $0x0, v44  }
0x1bd: {  	v51 =	vshll.u32 v9, $0xB;
	v49 =	vmul.f32 v7, v7;
	v48 =	vmul.f32 $1.428571490e-01, v47  }
0x1be: {  	vm2 =	veq.s32 v43, $0xFF;
	v15 =	vadd.s32 v22, v51  }
0x1bf: {  	v15 =	vor.u32 v17, v15;
	v52 =	vmul.f32 $1.428571490e-01, v49;
	v10 =	vadd.f32 $2.000000030e-01, v48  }
0x1c0: {  	v5 =	vshra.s32 v5, $0x17;
	v4 =	vshra.s32 v4, $0x17;
	v54 =	vsel vm3, $0x1, v1  }
0x1c1: {  	v8 =	vsel vm2, $0x0, v43;
	v16 =	vadd.f32 $2.000000030e-01, v52;
	v10 =	vmul.f32 v10, v47  }
0x1c2: {  	v53 =	vsel vm4, $0x1, v1;
	v5 =	vadd.s32 v54, v5;
	v50 =	vshll.u32 v8, $0xB  }
0x1c3: {  	v13 =	vadd.s32 v24, v50;
	v16 =	vmul.f32 v16, v49;
	v10 =	vadd.f32 $3.333333430e-01, v10  }
0x1c4: {  	v4 =	vadd.s32 v53, v4;
	v5 =	vadd.s32 $0xFFFFFF81, v5;
	v13 =	vor.u32 v23, v13  }
0x1c5: {  	v13 =	vor.u32 v21, v13;
	v55 =	vadd.f32 $3.333333430e-01, v16;
	v10 =	vmul.f32 v10, v47  }
0x1c6: {  	v14 =	vor.u32 v14, v15;
	v5 =	vcvt.s32.f32 v5;
	v4 =	vadd.s32 $0xFFFFFF81, v4  }
0x1c7: {  	v6 =	vadd.f32 v6, v6;
	v11 =	vmul.f32 v55, v49;
	v10 =	vadd.f32 $1.000000000e+00, v10  }
0x1c8: {  	v4 =	vcvt.s32.f32 v4;
	v5 =	vmul.f32 $6.931471820e-01, v5  }
0x1c9: {  	v8 =	vld.idx.msk [tilespmem:v8+s20+$0x0], $0xffff;
	v7 =	vadd.f32 v7, v7;
	v56 =	vadd.f32 $1.000000000e+00, v11;
	v6 =	vmul.f32 v10, v6  }
0x1ca: {  	v57 =	vld.idx.msk [tilespmem:v13+s6+$0x0], $0xffff  }
0x1cb: {  	v9 =	vld.idx.msk [tilespmem:v9+s20+$0x0], $0xffff;
	v4 =	vmul.f32 $6.931471820e-01, v4;
	v58 =	vmul.f32 v56, v7;
	v5 =	vadd.f32 v6, v5  }
0x1cc: {  	v59 =	vld.idx.msk [tilespmem:v14+s6+$0x0], $0xffff  }
0x1cd: {  	v4 =	vadd.f32 v58, v4;
	v5 =	vadd.f32 v5, v20  }
0x1ce: {  	s1 =	sadd.s32 @p0 $0xFFFFFFE0, s17;
	v60 =	vsel vm2, $0x0, v2  }
0x1cf: {  	s18 =	smov.u32 @p0 s1;
	v6 =	vmul.f32 v60, v8;
	v4 =	vadd.f32 v4, v19;
	v5 =	vsub.f32 v5, v57  }
0x1d0: {  	v61 =	vmov s18;
	v62 =	vsel vm1, $0x0, v2  }
0x1d1: {  	v9 =	vmul.f32 v62, v9;
	v4 =	vsub.f32 v4, v59;
	v5 =	vmul.f32 v5, v6  }
.Ltmp9:
0x1d2: {  	s1 =	sadd.s32 $0xFFFFFFF0, s18;
	vm1 =	vgt.s32 v61, v0;
	(pc) =	sbr.rel .LBB2_6-.Ltmp9, $4  }
0x1d3: {  	v63 =	vmov s1;
	v4 =	vmul.f32 v4, v9;
	v5 =	vnsel vm1, $0x0, v5  }
0x1d4: {  	vm1 =	vgt.s32 v63, v0;
	v3 =	vadd.f32 v5, v3  }
0x1d5: {  	v4 =	vnsel vm1, $0x0, v4  }
0x1d6: {  	v3 =	vadd.f32 v4, v3  }
.LBB2_5:
0x1d7: {  	s31 =	smov.u32 s11;
	s11 =	smov.u32 s13;
	s2 =	rddreg [dreg:$0x13]  }
.LBB2_6:
0x1d8: {  	s1 =	ssub.s32 s15, s16  }
0x1d9: {  	p0 =	slt.s32 s1, $0x1  }
.Ltmp10:
0x1da: {  	_ = 	snop;
	(pc) =	sbr.rel @p0 .LBB2_8-.Ltmp10, $1  }
0x1db: {  	_ =	sdelay $0x3  }
0x1dc: {  	s15 =	sshll.u32 s16, $0x4  }
0x1dd: {  	v4 =	vld [tilespmem:s15+$0x10000];
	_ =	sdelay $0x4  }
0x1de: {  	v5 =	vand.u32 $0xFFFFFF80, v4;
	v6 =	vand.u32 $0x78, v4  }
0x1df: {  	v7 =	vand.u32 $0x7, v4;
	v8 =	vor.u32 v6, v5  }
0x1e0: {  	v8 =	vor.u32 v7, v8  }
0x1e1: {  	v9 =	vadd.s32 $0x800, v8  }
0x1e2: {  	v10 =	vadd.s32 $0x1000, v8  }
0x1e3: {  	v11 =	vadd.s32 $0x1800, v8  }
0x1e4: {  	v12 =	vadd.s32 $0x2000, v8  }
0x1e5: {  	v13 =	vld.idx.msk [tilespmem:v4+s6+$0x0], $0xffff;
	v14 =	vadd.s32 $0x2800, v8  }
0x1e6: {  	v15 =	vadd.s32 $0x3000, v8;
	v9 =	vld.idx.msk [tilespmem:v9+s6+$0x0], $0xffff  }
0x1e7: {  	v16 =	vadd.s32 $0x3800, v8;
	v10 =	vld.idx.msk [tilespmem:v10+s6+$0x0], $0xffff  }
0x1e8: {  	v17 =	vadd.s32 $0x4000, v8;
	v11 =	vld.idx.msk [tilespmem:v11+s6+$0x0], $0xffff  }
0x1e9: {  	v18 =	vadd.s32 $0x4800, v8;
	v12 =	vld.idx.msk [tilespmem:v12+s6+$0x0], $0xffff  }
0x1ea: {  	v19 =	vadd.s32 $0x5000, v8;
	v14 =	vld.idx.msk [tilespmem:v14+s6+$0x0], $0xffff  }
0x1eb: {  	v8 =	vadd.s32 $0x5800, v8;
	v15 =	vld.idx.msk [tilespmem:v15+s6+$0x0], $0xffff  }
0x1ec: {  	v16 =	vld.idx.msk [tilespmem:v16+s6+$0x0], $0xffff  }
0x1ed: {  	v17 =	vld.idx.msk [tilespmem:v17+s6+$0x0], $0xffff  }
0x1ee: {  	v18 =	vld.idx.msk [tilespmem:v18+s6+$0x0], $0xffff  }
0x1ef: {  	v19 =	vld.idx.msk [tilespmem:v19+s6+$0x0], $0xffff  }
0x1f0: {  	v8 =	vld.idx.msk [tilespmem:v8+s6+$0x0], $0xffff;
	_ =	sdelay $0x2  }
0x1f1: {  	v20 =	vmax.f32 v13, v9;
	v21 =	vmax.f32 v10, v11  }
0x1f2: {  	v63 =	vmax.f32 v12, v14;
	v22 =	vmax.f32 v15, v16;
	v24 =	vmax.f32 v17, v18  }
0x1f3: {  	v23 =	vmax.f32 v19, v8;
	v20 =	vmax.f32 v20, v21;
	v21 =	vmax.f32 v63, v22  }
0x1f4: {  	v25 =	vmax.f32 v24, v23;
	v20 =	vmax.f32 v20, v21  }
0x1f5: {  	v20 =	vmax.f32 v20, v25  }
0x1f6: {  	v17 =	vsub.f32 v17, v20  }
0x1f7: {  	v18 =	vsub.f32 v18, v20  }
0x1f8: {  	v19 =	vsub.f32 v19, v20;
	v17 =	vmul.f32 $1.442695020e+00, v17  }
0x1f9: {  	v8 =	vsub.f32 v8, v20;
	v18 =	vmul.f32 $1.442695020e+00, v18  }
0x1fa: {  	v13 =	vsub.f32 v13, v20;
	v26 =	vmul.f32 $1.442695020e+00, v19;
	(erf) = vpow2.f32 v17  }
0x1fb: {  	v9 =	vsub.f32 v9, v20;
	v8 =	vmul.f32 $1.442695020e+00, v8;
	(erf) = vpow2.f32 v18  }
0x1fc: {  	v10 =	vsub.f32 v10, v20;
	v13 =	vmul.f32 $1.442695020e+00, v13;
	(erf) = vpow2.f32 v26  }
0x1fd: {  	v28 =	vsub.f32 v11, v20;
	v27 =	vmul.f32 $1.442695020e+00, v9;
	(erf) = vpow2.f32 v8  }
0x1fe: {  	v29 =	vsub.f32 v12, v20;
	v10 =	vmul.f32 $1.442695020e+00, v10;
	(erf) = vpow2.f32 v13  }
0x1ff: {  	v31 =	vsub.f32 v14, v20;
	v30 =	vmul.f32 $1.442695020e+00, v28;
	(erf) = vpow2.f32 v27  }
0x200: {  	v33 =	vsub.f32 v15, v20;
	v32 =	vmul.f32 $1.442695020e+00, v29;
	(erf) = vpow2.f32 v10  }
0x201: {  	v35 =	vsub.f32 v16, v20;
	v34 =	vmul.f32 $1.442695020e+00, v31;
	(erf) = vpow2.f32 v30  }
0x202: {  	v36 =	vmul.f32 $1.442695020e+00, v33;
	(erf) = vpow2.f32 v32  }
0x203: {  	v38 =	vmul.f32 $1.442695020e+00, v35;
	v37 =	vpop (erf);
	(erf) = vpow2.f32 v34  }
0x204: {  	v39 =	vpop (erf);
	(erf) = vpow2.f32 v36  }
0x205: {  	v40 =	vpop (erf);
	(erf) = vpow2.f32 v38  }
0x206: {  	v41 =	vpop (erf)  }
0x207: {  	v42 =	vpop (erf)  }
0x208: {  	v43 =	vpop (erf)  }
0x209: {  	v44 =	vpop (erf)  }
0x20a: {  	v45 =	vpop (erf)  }
0x20b: {  	v46 =	vpop (erf)  }
0x20c: {  	v47 =	vpop (erf)  }
0x20d: {  	v48 =	vpop (erf)  }
0x20e: {  	v12 =	vadd.f32 v43, v42;
	v49 =	vadd.f32 v45, v44;
	v50 =	vpop (erf)  }
0x20f: {  	v51 =	vadd.f32 v47, v46;
	v14 =	vadd.f32 v50, v48  }
0x210: {  	v9 =	vadd.f32 v39, v37;
	v8 =	vadd.f32 v41, v40  }
0x211: {  	v52 =	vadd.f32 v49, v12;
	v53 =	vadd.f32 v14, v51;
	_ =	sdelay $0x1  }
0x212: {  	v8 =	vadd.f32 v8, v9;
	v54 =	vadd.f32 v53, v52;
	_ =	sdelay $0x1  }
0x213: {  	v8 =	vadd.f32 v54, v8;
	_ =	sdelay $0x1  }
0x214: {  	v9 =	vand.u32 $0x7FFFFF, v8  }
0x215: {  	v9 =	vor.u32 $0x3F800000, v9  }
0x216: {  	v55 =	vmul.f32 $5.000000000e-01, v9  }
0x217: {  	vm1 =	vgt.f32 v9, $1.414213540e+00  }
0x218: {  	v9 =	vsel vm1, v55, v9  }
0x219: {  	v10 =	vadd.f32 $1.000000000e+00, v9;
	_ =	sdelay $0x1  }
0x21a: {  	(erf) = vrcp.f32 v10;
	_ =	sdelay $0x7  }
0x21b: {  	v9 =	vadd.f32 $-1.000000000e+00, v9  }
0x21c: {  	v10 =	vpop (erf)  }
0x21d: {  	v9 =	vmul.f32 v10, v9;
	_ =	sdelay $0x1  }
0x21e: {  	v4 =	vld.idx.msk [tilespmem:v4+s26+$0x0], $0xffff;
	v10 =	vmul.f32 v9, v9;
	_ =	sdelay $0x1  }
0x21f: {  	v56 =	vmul.f32 $1.428571490e-01, v10;
	_ =	sdelay $0x1  }
0x220: {  	v11 =	vadd.f32 $2.000000030e-01, v56  }
0x221: {  	vm2 =	veq.s32 v4, $0xFF  }
0x222: {  	v4 =	vsel vm2, $0x0, v4;
	v11 =	vmul.f32 v11, v10  }
0x223: {  	v57 =	vshll.u32 v4, $0xB  }
0x224: {  	v5 =	vadd.s32 v5, v57;
	v58 =	vadd.f32 $3.333333430e-01, v11  }
0x225: {  	v5 =	vor.u32 v6, v5;
	v59 =	vshra.s32 v8, $0x17;
	v60 =	vsel vm1, $0x1, v1  }
0x226: {  	v5 =	vor.u32 v7, v5;
	v7 =	vadd.s32 v60, v59;
	v6 =	vmul.f32 v58, v10  }
0x227: {  	v7 =	vadd.s32 $0xFFFFFF81, v7  }
0x228: {  	v7 =	vcvt.s32.f32 v7;
	v61 =	vadd.f32 v9, v9;
	v6 =	vadd.f32 $1.000000000e+00, v6;
	_ =	sdelay $0x1  }
0x229: {  	v4 =	vld.idx.msk [tilespmem:v4+s20+$0x0], $0xffff;
	v7 =	vmul.f32 $6.931471820e-01, v7;
	v6 =	vmul.f32 v6, v61  }
0x22a: {  	v5 =	vld.idx.msk [tilespmem:v5+s6+$0x0], $0xffff  }
0x22b: {  	v6 =	vadd.f32 v6, v7;
	_ =	sdelay $0x1  }
0x22c: {  	v6 =	vadd.f32 v6, v20  }
0x22d: {  	v62 =	vsel vm2, $0x0, v2  }
0x22e: {  	v4 =	vmul.f32 v62, v4;
	v5 =	vsub.f32 v6, v5  }
0x22f: {  	s1 =	ssub.s32 s14, s15  }
0x230: {  	v63 =	vmov s1;
	v4 =	vmul.f32 v5, v4  }
0x231: {  	vm1 =	vgt.s32 v63, v0  }
0x232: {  	v4 =	vnsel vm1, $0x0, v4  }
0x233: {  	v3 =	vadd.f32 v4, v3  }
.LBB2_8:
0x234: {  	p0 =	seq.s32 s28, $0x7  }
0x235: {  	s1 =	sadd.s32 @!p0 $0x1000, s2  }
0x236: {  	s3 =	rddreg [dreg:$0x8];
	s2 =	sadd.s32 @!p0 s11, s1  }
0x237: {  	s3 =	sadd.s32 @!p0 s3, s2  }
0x238: {  	s4 =	simm.s32 @!p0 $0x800;
	s3 =	sshrl.u32 @!p0 s3, $0x3  }
0x239: {  	s7 =	simm.s32 @!p0 $0x80000;
	s8 =	simm.s32 @!p0 $0x0;
	s3 =	sadd.s32 @!p0 s31, s3  }
0x23a: {  	[tilespmem:s8], [sflag:$0x1] =	stream.strided.gather @!p0 [hbm4b:s3+s4], $0x6000, s7, s4, $0x38;
	[tilespmem:$0x10840] =	vst v63  }
0x23b: {  	s3 =	rddreg [dreg:$0x9]  }
0x23c: {  	s2 =	sadd.s32 @!p0 s3, s2  }
0x23d: {  	s3 =	rddreg [dreg:$0x3];
	s2 =	sshrl.u32 @!p0 s2, $0x3  }
0x23e: {  	s2 =	sadd.s32 @!p0 s3, s2;
	s3 =	simm.s32 @!p0 $0x6000  }
0x23f: {  	[tilespmem:s3], [sflag:$0x1] =	stream.linear.gather @!p0 [hbm4b:s2+s8], $0x800, $0x38;
	[tilespmem:$0x10840] =	vst v63  }
0x240: {  	s2 =	sadd.s32 @!p0 $0x10000, s2;
	s3 =	simm.s32 @!p0 $0x6800  }
0x241: {  	[tilespmem:s3], [sflag:$0x1] =	stream.linear.gather @!p0 [hbm4b:s2+s8], $0x800, $0x38;
	[tilespmem:$0x10840] =	vst v63  }
0x242: {  	s2 =	rddreg [dreg:$0x7]  }
0x243: {  	s1 =	sadd.s32 @!p0 s2, s1  }
0x244: {  	s2 =	rddreg [dreg:$0x1];
	s1 =	sshrl.u32 @!p0 s1, $0x3  }
0x245: {  	s3 =	simm.s32 @!p0 $0x7000;
	s2 =	sadd.s32 @!p0 s2, s1  }
0x246: {  	[tilespmem:s3], [sflag:$0x1] =	stream.linear.gather @!p0 [hbm4b:s2+s8], $0x800, $0x38;
	[tilespmem:$0x10840] =	vst v63  }
0x247: {  	s2 =	rddreg [dreg:$0x6]  }
0x248: {  	s1 =	sadd.s32 @!p0 s2, s1;
	s2 =	simm.s32 @!p0 $0x7800  }
0x249: {  	[tilespmem:s2], [sflag:$0x1] =	stream.linear.gather @!p0 [hbm4b:s1+s8], $0x800, $0x38;
	[tilespmem:$0x10840] =	vst v63  }
0x24a: {  	_ =	swait.ge [sflag:s24], $0x6000  }
0x24b: {  	[sflag:s24] =	ssyncset.done $0x0  }
0x24c: {  	[sflag:s24] =	ssyncadd.s32 $0xFFFFA000  }
0x24d: {  	_ =	swait.ge [sflag:s24], $0x800  }
0x24e: {  	[sflag:s24] =	ssyncset.done $0x0  }
0x24f: {  	[sflag:s24] =	ssyncadd.s32 $0xFFFFF800  }
0x250: {  	_ =	swait.ge [sflag:s24], $0x800  }
0x251: {  	[sflag:s24] =	ssyncset.done $0x0  }
0x252: {  	[sflag:s24] =	ssyncadd.s32 $0xFFFFF800  }
0x253: {  	_ =	swait.ge [sflag:s24], $0x800  }
0x254: {  	[sflag:s24] =	ssyncset.done $0x0  }
0x255: {  	[sflag:s24] =	ssyncadd.s32 $0xFFFFF800  }
0x256: {  	_ =	swait.ge [sflag:s24], $0x800  }
0x257: {  	[sflag:s24] =	ssyncset.done $0x0  }
0x258: {  	s17 =	simm.s32 $0xE020;
	[sflag:s24] =	ssyncadd.s32 $0xFFFFF800  }
0x259: {  	s18 =	simm.s32 $0xE820;
	v4 =	vld [tilespmem:s17+$0x10]  }
0x25a: {  	v5 =	vld [tilespmem:s18+$0x10]  }
0x25b: {  	v6 =	vld [tilespmem:s17+$0x0]  }
0x25c: {  	s19 =	simm.s32 $0xF820;
	v7 =	vld [tilespmem:s18+$0x0]  }
0x25d: {  	v8 =	vld [tilespmem:s19+$0x10]  }
0x25e: {  	v9 =	vld [tilespmem:s17+$0xFFFFFFF0]  }
0x25f: {  	v10 =	vld [tilespmem:s18+$0xFFFFFFF0]  }
0x260: {  	v11 =	vld [tilespmem:s19+$0x0]  }
0x261: {  	v12 =	vld [tilespmem:s17+$0xFFFFFFE0]  }
0x262: {  	v14 =	vld [tilespmem:s19+$0xFFFFFFE0]  }
0x263: {  	v13 =	vld [tilespmem:s18+$0xFFFFFFE0]  }
0x264: {  	s21 =	simm.s32 $0xE060;
	v15 =	vld [tilespmem:s19+$0xFFFFFFF0]  }
0x265: {  	v16 =	vld [tilespmem:s21+$0x10]  }
0x266: {  	s22 =	simm.s32 $0xE860;
	v21 =	vld [tilespmem:s21+$0xFFFFFFF0]  }
0x267: {  	vm1 =	vgt.f32 v7, v6;
	v6 =	vand.u32 $0x1, v14;
	v14 =	vld [tilespmem:s22+$0xFFFFFFF0]  }
0x268: {  	vm5 =	vgt.f32 v10, v9;
	v9 =	vld [tilespmem:s21+$0xFFFFFFE0]  }
0x269: {  	s23 =	simm.s32 $0xF860;
	vm2 =	vgt.f32 v5, v4;
	vm3 =	vgt.f32 v13, v12;
	v10 =	vld [tilespmem:s22+$0xFFFFFFE0];
	vm4 =	veq.s32 v6, $0x1  }
0x26a: {  	v4 =	vand.u32 $0x1, v15;
	v7 =	vand.u32 $0x1, v8;
	v8 =	vld [tilespmem:s23+$0xFFFFFFE0];
	vm3 =	vmand vm3, vm4  }
0x26b: {  	v5 =	vand.u32 $0x1, v11;
	v11 =	vld [tilespmem:s23+$0xFFFFFFF0];
	vm4 =	veq.s32 v4, $0x1;
	v4 =	vsel vm3, $0x1, v1  }
0x26c: {  	v6 =	vld [tilespmem:s23+$0x0];
	vm4 =	vmand vm5, vm4;
	vm5 =	veq.s32 v5, $0x1;
	(xrf0) =	vadd.scan.msk.s32 $0xffff, v4  }
0x26d: {  	v20 =	vld [tilespmem:s23+$0x10];
	v4 =	vsel vm4, $0x1, v1;
	vm6 =	vmand vm1, vm5;
	vm1 =	veq.s32 v7, $0x1  }
0x26e: {  	v17 =	vld [tilespmem:s22+$0x10];
	v5 =	vsel vm6, $0x1, v1;
	vm2 =	vmand vm2, vm1;
	(xrf0) =	vadd.scan.msk.s32 $0xffff, v4  }
0x26f: {  	v18 =	vld [tilespmem:s21+$0x0];
	vm1 =	vmmov vm3;
	vm3 =	vmmov vm4;
	v12 =	vsel vm2, $0x1, v1;
	(xrf0) =	vadd.scan.msk.s32 $0xffff, v5  }
0x270: {  	s25 =	simm.s32 $0xE0A0;
	v19 =	vld [tilespmem:s22+$0x0];
	vm8 =	vgt.f32 v14, v21;
	vm4 =	vgt.f32 v10, v9;
	v10 =	vand.u32 $0x1, v11;
	(xrf0) =	vadd.scan.msk.s32 $0xffff, v12  }
0x271: {  	s13 =	simm.s32 $0xE8A0;
	v7 =	vld [tilespmem:s25+$0x10];
	v14 =	vand.u32 $0x1, v8;
	vm13 =	veq.s32 v10, $0x1;
	v12 =	vand.u32 $0x1, v6  }
0x272: {  	s16 =	simm.s32 $0xF8A0;
	v13 =	vand.u32 $0x1, v20;
	v4 =	vld [tilespmem:s13+$0x10];
	vm9 =	veq.s32 v14, $0x1;
	vm8 =	vmand vm8, vm13;
	v15, _, _ =	vpop (xrf0)  }
0x273: {  	v8 =	vld [tilespmem:s16+$0x10];
	vm4 =	vmand vm4, vm9;
	(v2sf) =	vpush v15, $0xF;
	v15 =	vsel vm8, $0x1, v1  }
0x274: {  	v9 =	vld [tilespmem:s25+$0xFFFFFFF0];
	v14 =	vsel vm4, $0x1, v1;
	vm14 =	veq.s32 v12, $0x1;
	v12, _, _ =	vpop (xrf0)  }
0x275: {  	vm15 =	veq.s32 v13, $0x1;
	v11 =	vld [tilespmem:s16+$0x0];
	(xrf0) =	vadd.scan.msk.s32 $0xffff, v14;
	(v2sf) =	vpush v12, $0xF;
	v13, _, _ =	vpop (xrf0)  }
0x276: {  	v5 =	vld [tilespmem:s25+$0x0];
	(xrf0) =	vadd.scan.msk.s32 $0xffff, v15;
	(v2sf) =	vpush v13, $0xF;
	v15, _, _ =	vpop (xrf0)  }
0x277: {  	vm5 =	vgt.f32 v19, v18;
	v10 =	vld [tilespmem:s13+$0xFFFFFFF0];
	(v2sf) =	vpush v15, $0xF  }
0x278: {  	vm7 =	vmmov vm6;
	vm6 =	vgt.f32 v17, v16;
	v6 =	vld [tilespmem:s13+$0x0];
	vm5 =	vmand vm5, vm14  }
0x279: {  	vm6 =	vmand vm6, vm15;
	v14 =	vsel vm5, $0x1, v1;
	v12 =	vld [tilespmem:s25+$0xFFFFFFE0]  }
0x27a: {  	s12 =	sadd.s32 s12, s14;
	s30 =	simm.s32 $0x0;
	v16 =	vsel vm6, $0x1, v1;
	v13 =	vld [tilespmem:s13+$0xFFFFFFE0];
	(xrf0) =	vadd.scan.msk.s32 $0xffff, v14  }
0x27b: {  	s14 =	simm.s32 $0x30;
	s15 =	simm.s32 $0x30;
	s17 =	simm.s32 $0x0;
	vm2 =	vmmov vm2;
	vm3 =	vmmov vm3;
	v14 =	vld [tilespmem:s16+$0xFFFFFFE0];
	(xrf0) =	vadd.scan.msk.s32 $0xffff, v16;
	v16 =	vor.u32 s30, v0  }
0x27c: {  	s18 =	simm.s32 $0x8;
	s19 =	simm.s32 $0xE0E0;
	s21 =	simm.s32 $0x20;
	vm7 =	vmmov vm7;
	vm4 =	vmmov vm4;
	v15 =	vld [tilespmem:s16+$0xFFFFFFF0];
	[tilespmem:s17+$0x10000] =	vst.msk vm1, v16;
	vm1 =	vmmov vm8  }
.LBB2_9:
0x27d: {  	v17 =	vor.u32 s21, v0;
	v18 =	vor.u32 s14, v0  }
0x27e: {  	v16 =	vld [tilespmem:s19+$0x10];
	s13 =	sadd.s32 $0x40, s13;
	vm8 =	vmmov vm5;
	vm9 =	vmmov vm2;
	vm2 =	vmmov vm6  }
0x27f: {  	vm5 =	vgt.f32 v6, v5;
	vm6 =	vgt.f32 v4, v7;
	v19 =	vand.u32 $0x1, v8;
	v4 =	vld [tilespmem:s13+$0x10];
	v6, _, _ =	vpop (xrf0)  }
0x280: {  	vm11 =	vgt.f32 v10, v9;
	v11 =	vand.u32 $0x1, v11;
	v5 =	vld [tilespmem:s19+$0x0];
	(v2sf) =	vpush v6, $0xF;
	v7, _, _ =	vpop (xrf0)  }
0x281: {  	s16 =	sadd.s32 $0x40, s16;
	vm10 =	vgt.f32 v13, v12;
	v6 =	vld [tilespmem:s13+$0x0];
	v9 =	vand.u32 $0x1, v14;
	(v2sf) =	vpush v7, $0xF;
	v7, _, _ =	vpop (xrf0)  }
0x282: {  	v8 =	vld [tilespmem:s16+$0x10];
	vm12 =	veq.s32 v9, $0x1;
	v10 =	vand.u32 $0x1, v15;
	(v2sf) =	vpush v7, $0xF;
	v7, _, _ =	vpop (xrf0)  }
0x283: {  	s14 =	sadd.s32 $0x40, s14;
	s18 =	sadd.s32 $0x4, s18;
	v9 =	vld [tilespmem:s19+$0xFFFFFFF0];
	vm10 =	vmand vm10, vm12;
	vm12 =	veq.s32 v10, $0x1;
	(v2sf) =	vpush v7, $0xF;
	s1 =	spop (v2sf);
	v7 =	vmovc v16  }
0x284: {  	p0 =	slt.u32 s18, $0x7C;
	v10 =	vld [tilespmem:s13+$0xFFFFFFF0];
	v12 =	vsel vm10, $0x1, v1;
	vm11 =	vmand vm11, vm12;
	vm12 =	veq.s32 v11, $0x1;
	s1 =	sadd.s32 s17, s1;
	s2 =	spop (v2sf)  }
.Ltmp11:
0x285: {  	v11 =	vld [tilespmem:s16+$0x0];
	v13 =	vsel vm11, $0x1, v1;
	vm5 =	vmand vm5, vm12;
	vm12 =	veq.s32 v19, $0x1;
	(xrf0) =	vadd.scan.msk.s32 $0xffff, v12;
	s2 =	sadd.s32 s1, s2;
	s3 =	spop (v2sf);
	(pc) =	sbr.rel @p0 .LBB2_9-.Ltmp11, $4  }
0x286: {  	s4 =	sadd.s32 $0xFFFFFFE0, s15;
	v12 =	vld [tilespmem:s19+$0xFFFFFFE0];
	v14 =	vsel vm5, $0x1, v1;
	vm6 =	vmand vm6, vm12;
	(xrf0) =	vadd.scan.msk.s32 $0xffff, v13;
	[tilespmem:s2+$0x10000] =	vst.msk vm7, v17;
	s2 =	sadd.s32 s2, s3;
	s3 =	spop (v2sf)  }
0x287: {  	s7 =	sadd.s32 $0xFFFFFFD0, s14;
	s15 =	smov.u32 s14;
	v16 =	vor.u32 s4, v0;
	v13 =	vld [tilespmem:s13+$0xFFFFFFE0];
	v15 =	vsel vm6, $0x1, v1;
	(xrf0) =	vadd.scan.msk.s32 $0xffff, v14;
	[tilespmem:s2+$0x10000] =	vst.msk vm9, v18;
	s17 =	sadd.s32 s2, s3  }
0x288: {  	v17 =	vor.u32 s7, v0;
	v14 =	vld [tilespmem:s16+$0xFFFFFFE0];
	(xrf0) =	vadd.scan.msk.s32 $0xffff, v15;
	[tilespmem:s1+$0x10000] =	vst.msk vm3, v16;
	vm3 =	vmmov vm1  }
0x289: {  	s21 =	sadd.s32 $0xFFFFFFF0, s14;
	s19 =	sadd.s32 $0x40, s19;
	vm7 =	vmmov vm8;
	vm1 =	vmmov vm11;
	v15 =	vld [tilespmem:s16+$0xFFFFFFF0];
	[tilespmem:s17+$0x10000] =	vst.msk vm4, v17;
	vm4 =	vmmov vm10  }
0x28a: {  	_ =	sdelay $0x1  }
0x28b: {  	vm10 =	vgt.f32 v6, v5;
	vm12 =	vgt.f32 v4, v7;
	v4 =	vand.u32 $0x1, v8  }
0x28c: {  	vm9 =	vgt.f32 v10, v9;
	v61 =	vand.u32 $0x1, v11;
	v5 =	vand.u32 $0x1, v14  }
0x28d: {  	vm8 =	vgt.f32 v13, v12;
	vm11 =	veq.s32 v5, $0x1;
	v5 =	vand.u32 $0x1, v15  }
0x28e: {  	vm14 =	veq.s32 v61, $0x1;
	vm8 =	vmand vm8, vm11;
	vm13 =	veq.s32 v5, $0x1  }
0x28f: {  	vm11 =	vmand vm10, vm14;
	v5 =	vsel vm8, $0x1, v1;
	vm9 =	vmand vm9, vm13  }
0x290: {  	vm15 =	veq.s32 v4, $0x1;
	v4 =	vsel vm11, $0x1, v1;
	v62 =	vsel vm9, $0x1, v1;
	(xrf0) =	vadd.scan.msk.s32 $0xffff, v5  }
0x291: {  	vm10 =	vmand vm12, vm15;
	(xrf0) =	vadd.scan.msk.s32 $0xffff, v62  }
0x292: {  	v63 =	vsel vm10, $0x1, v1;
	v5, _, _ =	vpop (xrf0);
	(xrf0) =	vadd.scan.msk.s32 $0xffff, v4  }
0x293: {  	(v2sf) =	vpush v5, $0xF;
	v4, _, _ =	vpop (xrf0);
	(xrf0) =	vadd.scan.msk.s32 $0xffff, v63  }
0x294: {  	v5, _, _ =	vpop (xrf0);
	(v2sf) =	vpush v4, $0xF  }
0x295: {  	v4, _, _ =	vpop (xrf0);
	(v2sf) =	vpush v5, $0xF  }
0x296: {  	(v2sf) =	vpush v4, $0xF;
	v4, _, _ =	vpop (xrf0)  }
0x297: {  	(v2sf) =	vpush v4, $0xF;
	v4, _, _ =	vpop (xrf0)  }
0x298: {  	(v2sf) =	vpush v4, $0xF;
	v4, _, _ =	vpop (xrf0)  }
0x299: {  	(v2sf) =	vpush v4, $0xF;
	v4, _, _ =	vpop (xrf0)  }
0x29a: {  	(v2sf) =	vpush v4, $0xF;
	_ =	sdelay $0x3  }
0x29b: {  	s1 =	spop (v2sf)  }
0x29c: {  	s2 =	spop (v2sf);
	s1 =	sadd.s32 s17, s1  }
0x29d: {  	s3 =	spop (v2sf);
	s2 =	sadd.s32 s1, s2  }
0x29e: {  	s4 =	spop (v2sf);
	s3 =	sadd.s32 s2, s3  }
0x29f: {  	s4 =	sadd.s32 s3, s4;
	s7 =	spop (v2sf)  }
0x2a0: {  	s7 =	sadd.s32 s4, s7;
	s8 =	spop (v2sf)  }
0x2a1: {  	s8 =	sadd.s32 s7, s8;
	s9 =	spop (v2sf)  }
0x2a2: {  	s9 =	sadd.s32 s8, s9;
	s10 =	spop (v2sf)  }
0x2a3: {  	s16 =	sadd.s32 s9, s10;
	s17 =	spop (v2sf)  }
0x2a4: {  	s30 =	sadd.s32 s16, s17;
	s18 =	spop (v2sf)  }
0x2a5: {  	s10 =	sadd.s32 s30, s18;
	s19 =	spop (v2sf)  }
0x2a6: {  	s22 =	sadd.s32 s10, s19;
	s25 =	spop (v2sf)  }
0x2a7: {  	v4 =	vor.u32 s21, v0;
	s21 =	sadd.s32 $0x40, s14;
	s13 =	sadd.s32 s22, s25  }
0x2a8: {  	vm2 =	vmmov vm2;
	s23 =	sadd.s32 $0xFFFFFFE0, s15;
	v5 =	vor.u32 s14, v0;
	[tilespmem:s2+$0x10000] =	vst.msk vm7, v4;
	s2 =	sadd.s32 $0xFFFFFFD0, s21;
	s15 =	sadd.s32 $0xF, s13  }
0x2a9: {  	[tilespmem:s3+$0x10000] =	vst.msk vm2, v5;
	v4 =	vor.u32 s23, v0;
	s3 =	sadd.s32 $0xFFFFFFF0, s21;
	s23 =	sadd.s32 $0x40, s21;
	s14 =	sand.u32 $0xF, s15  }
0x2aa: {  	v5 =	vor.u32 s2, v0;
	s2 =	sshra.s32 s15, $0x1F;
	p1 =	slt.s32 s15, $0x1;
	p0 =	sne.s32 s14, $0x0  }
0x2ab: {  	vm2 =	vmmov vm5;
	[tilespmem:s1+$0x10000] =	vst.msk vm3, v4;
	v4 =	vor.u32 s3, v0;
	s3 =	simm.s32 $0x1;
	s1 =	sshrl.u32 s2, $0x1C;
	p0 =	por !p1, !p0  }
0x2ac: {  	vm2 =	vmmov vm2;
	[tilespmem:s4+$0x10000] =	vst.msk vm4, v5;
	s4 =	sadd.s32 $0xFFFFFFE0, s21;
	s1 =	sadd.s32 s1, s15;
	p0 =	por !p0, !p0  }
0x2ad: {  	vm1 =	vmmov vm1;
	[tilespmem:s8+$0x10000] =	vst.msk vm2, v4;
	v4 =	vor.u32 s4, v0;
	s14 =	sadd.s32 $0xFFFFFFF0, s23;
	s1 =	sshra.s32 s1, $0x4;
	s3 =	simm.s32 @!p0 $0x0  }
0x2ae: {  	vm3 =	vmmov vm6;
	[tilespmem:s7+$0x10000] =	vst.msk vm1, v4;
	v4 =	vor.u32 s14, v0;
	s14 =	ssub.s32 s1, s3  }
0x2af: {  	v5 =	vor.u32 s21, v0;
	vm2 =	vmmov vm3;
	vm3 =	vmmov vm11;
	s21 =	sshrl.u32 s14, $0x1F  }
0x2b0: {  	[tilespmem:s9+$0x10000] =	vst.msk vm2, v5;
	vm2 =	vmmov vm3;
	s15 =	sadd.s32 $0xFFFFFFE0, s23;
	s2 =	sadd.s32 s21, s14  }
0x2b1: {  	[tilespmem:s10+$0x10000] =	vst.msk vm2, v4;
	v4 =	vor.u32 s15, v0;
	s15 =	sand.u32 $0xFFFFFFFE, s2  }
0x2b2: {  	vm1 =	vmmov vm10;
	p0 =	slt.s32 s15, $0x1  }
.Ltmp12:
0x2b3: {  	vm3 =	vmmov vm9;
	v5 =	vor.u32 s23, v0;
	vm1 =	vmmov vm1;
	(pc) =	sbr.rel @p0 .LBB2_20-.Ltmp12, $4  }
0x2b4: {  	[tilespmem:s22+$0x10000] =	vst.msk vm1, v5;
	vm1 =	vmmov vm3;
	s23 =	sadd.s32 $0xFFFFFFD0, s23  }
0x2b5: {  	v5 =	vor.u32 s23, v0;
	[tilespmem:s30+$0x10000] =	vst.msk vm1, v4;
	vm1 =	vmmov vm8  }
0x2b6: {  	[tilespmem:s16+$0x10000] =	vst.msk vm1, v5  }
0x2b7: {  	[tilespmem:s13+$0x10000] =	vst v1  }
0x2b8: {  	s30 =	simm.s32 $0x10010  }
0x2b9: {  	v26 =	vld [tilespmem:s30+$0x0];
	_ =	sdelay $0x3  }
0x2ba: {  	v25 =	vld [tilespmem:s30+$0xFFFFFFF0]  }
0x2bb: {  	v22 =	vand.u32 $0xFFFFFF80, v26;
	v17 =	vand.u32 $0x78, v26  }
0x2bc: {  	v14 =	vand.u32 $0x7, v26;
	v4 =	vor.u32 v17, v22  }
0x2bd: {  	v4 =	vor.u32 v14, v4  }
0x2be: {  	v5 =	vadd.s32 $0x4000, v4  }
0x2bf: {  	v6 =	vadd.s32 $0x4800, v4  }
0x2c0: {  	v7 =	vadd.s32 $0x5000, v4  }
0x2c1: {  	v8 =	vld.idx.msk [tilespmem:v26+s29+$0x0], $0xffff;
	v9 =	vadd.s32 $0x5800, v4  }
0x2c2: {  	v10 =	vld.idx.msk [tilespmem:v25+s29+$0x0], $0xffff;
	v11 =	vadd.s32 $0x800, v4  }
0x2c3: {  	v12 =	vadd.s32 $0x1000, v4;
	v5 =	vld.idx.msk [tilespmem:v5+s29+$0x0], $0xffff  }
0x2c4: {  	v24 =	vand.u32 $0xFFFFFF80, v25;
	v23 =	vand.u32 $0x78, v25;
	v13 =	vadd.s32 $0x1800, v4;
	v6 =	vld.idx.msk [tilespmem:v6+s29+$0x0], $0xffff  }
0x2c5: {  	v21 =	vand.u32 $0x7, v25;
	v18 =	vor.u32 v23, v24;
	v15 =	vadd.s32 $0x2000, v4;
	v7 =	vld.idx.msk [tilespmem:v7+s29+$0x0], $0xffff  }
0x2c6: {  	v18 =	vor.u32 v21, v18;
	v16 =	vadd.s32 $0x2800, v4;
	v9 =	vld.idx.msk [tilespmem:v9+s29+$0x0], $0xffff  }
0x2c7: {  	v19 =	vadd.s32 $0x4000, v18;
	v27 =	vld.idx.msk [tilespmem:v11+s29+$0x0], $0xffff  }
0x2c8: {  	v20 =	vadd.s32 $0x800, v18;
	v12 =	vld.idx.msk [tilespmem:v12+s29+$0x0], $0xffff  }
0x2c9: {  	v11 =	vadd.s32 $0x3000, v4;
	v28 =	vld.idx.msk [tilespmem:v13+s29+$0x0], $0xffff  }
0x2ca: {  	v4 =	vadd.s32 $0x3800, v4;
	v29 =	vld.idx.msk [tilespmem:v15+s29+$0x0], $0xffff  }
0x2cb: {  	v13 =	vadd.s32 $0x4800, v18;
	v30 =	vld.idx.msk [tilespmem:v16+s29+$0x0], $0xffff  }
0x2cc: {  	v15 =	vadd.s32 $0x5000, v18;
	v32 =	vld.idx.msk [tilespmem:v19+s29+$0x0], $0xffff  }
0x2cd: {  	v16 =	vadd.s32 $0x5800, v18;
	v36 =	vld.idx.msk [tilespmem:v20+s29+$0x0], $0xffff  }
0x2ce: {  	v19 =	vadd.s32 $0x1800, v18;
	v31 =	vld.idx.msk [tilespmem:v11+s29+$0x0], $0xffff  }
0x2cf: {  	v11 =	vld.idx.msk [tilespmem:v4+s29+$0x0], $0xffff;
	v4 =	vadd.s32 $0x1000, v18  }
0x2d0: {  	v33 =	vld.idx.msk [tilespmem:v13+s29+$0x0], $0xffff;
	v13 =	vadd.s32 $0x2000, v18  }
0x2d1: {  	v34 =	vld.idx.msk [tilespmem:v15+s29+$0x0], $0xffff;
	v15 =	vadd.s32 $0x2800, v18  }
0x2d2: {  	v20 =	vadd.s32 $0x3000, v18;
	v35 =	vld.idx.msk [tilespmem:v16+s29+$0x0], $0xffff  }
0x2d3: {  	v37 =	vadd.s32 $0x3800, v18;
	v38 =	vld.idx.msk [tilespmem:v19+s29+$0x0], $0xffff  }
0x2d4: {  	v4 =	vld.idx.msk [tilespmem:v4+s29+$0x0], $0xffff  }
0x2d5: {  	v18 =	vld.idx.msk [tilespmem:v13+s29+$0x0], $0xffff  }
0x2d6: {  	v16 =	vld.idx.msk [tilespmem:v15+s29+$0x0], $0xffff  }
0x2d7: {  	v19 =	vmax.f32 v5, v6;
	v53 =	vmax.f32 v8, v27;
	v15 =	vld.idx.msk [tilespmem:v20+s29+$0x0], $0xffff  }
0x2d8: {  	v39 =	vmax.f32 v12, v28;
	v40 =	vmax.f32 v29, v30;
	v13 =	vld.idx.msk [tilespmem:v37+s29+$0x0], $0xffff;
	v42 =	vmax.f32 v31, v11  }
0x2d9: {  	v20 =	vmax.f32 v7, v9;
	v37 =	vmax.f32 v53, v39;
	v54 =	vmax.f32 v40, v42  }
0x2da: {  	v19 =	vmax.f32 v19, v20;
	v20 =	vmax.f32 v37, v54  }
0x2db: {  	v41 =	vmax.f32 v32, v33;
	v43 =	vmax.f32 v34, v35;
	v19 =	vmax.f32 v20, v19  }
0x2dc: {  	v55 =	vmax.f32 v10, v36;
	v58 =	vmax.f32 v41, v43;
	v5 =	vsub.f32 v5, v19  }
0x2dd: {  	v56 =	vmax.f32 v4, v38;
	v57 =	vmax.f32 v18, v16;
	v20 =	vmax.f32 v15, v13  }
0x2de: {  	v6 =	vsub.f32 v6, v19;
	v37 =	vmax.f32 v55, v56;
	v20 =	vmax.f32 v57, v20  }
0x2df: {  	v7 =	vsub.f32 v7, v19;
	v5 =	vmul.f32 $1.442695020e+00, v5;
	v20 =	vmax.f32 v37, v20  }
0x2e0: {  	v9 =	vsub.f32 v9, v19;
	v6 =	vmul.f32 $1.442695020e+00, v6;
	v20 =	vmax.f32 v20, v58  }
0x2e1: {  	v7 =	vmul.f32 $1.442695020e+00, v7;
	(erf) = vpow2.f32 v5;
	v32 =	vsub.f32 v32, v20  }
0x2e2: {  	v9 =	vmul.f32 $1.442695020e+00, v9;
	v5 =	vsub.f32 v33, v20;
	(erf) = vpow2.f32 v6  }
0x2e3: {  	v59 =	vsub.f32 v34, v20;
	(erf) = vpow2.f32 v7;
	v32 =	vmul.f32 $1.442695020e+00, v32  }
0x2e4: {  	v60 =	vsub.f32 v35, v20;
	v5 =	vmul.f32 $1.442695020e+00, v5;
	(erf) = vpow2.f32 v9  }
0x2e5: {  	v8 =	vsub.f32 v8, v19;
	v6 =	vmul.f32 $1.442695020e+00, v59;
	(erf) = vpow2.f32 v32  }
0x2e6: {  	v9 =	vsub.f32 v27, v19;
	v7 =	vmul.f32 $1.442695020e+00, v60;
	(erf) = vpow2.f32 v5  }
0x2e7: {  	v8 =	vmul.f32 $1.442695020e+00, v8;
	v5 =	vsub.f32 v12, v19;
	(erf) = vpow2.f32 v6  }
0x2e8: {  	v61 =	vsub.f32 v28, v19;
	v9 =	vmul.f32 $1.442695020e+00, v9;
	(erf) = vpow2.f32 v7  }
0x2e9: {  	v62 =	vsub.f32 v29, v19;
	v5 =	vmul.f32 $1.442695020e+00, v5;
	(erf) = vpow2.f32 v8  }
0x2ea: {  	p1 =	sgt.s32 s15, $0x2;
	v6 =	vmul.f32 $1.442695020e+00, v61;
	v8 =	vsub.f32 v30, v19;
	v27 =	vpop (erf);
	(erf) = vpow2.f32 v9  }
.Ltmp13:
0x2eb: {  	v7 =	vmul.f32 $1.442695020e+00, v62;
	v9 =	vsub.f32 v31, v19;
	v28 =	vpop (erf);
	(erf) = vpow2.f32 v5;
	(pc) =	sbr.rel @!p1 .LBB2_12-.Ltmp13, $4  }
0x2ec: {  	s1 =	sadd.s32 s18, s17;
	v63 =	vsub.f32 v36, v20;
	v8 =	vmul.f32 $1.442695020e+00, v8;
	v29 =	vpop (erf);
	(erf) = vpow2.f32 v6  }
0x2ed: {  	s1 =	sadd.s32 s19, s1;
	v5 =	vsub.f32 v10, v20;
	v9 =	vmul.f32 $1.442695020e+00, v9;
	v30 =	vpop (erf);
	(erf) = vpow2.f32 v7  }
0x2ee: {  	s1 =	sadd.s32 s25, s1;
	v35 =	vsub.f32 v4, v20;
	v34 =	vmul.f32 $1.442695020e+00, v63;
	v31 =	vpop (erf);
	(erf) = vpow2.f32 v8  }
0x2ef: {  	s17 =	simm.s32 $0x10030;
	p0 =	por $0x0, $0x0;
	s16 =	sadd.s32 s16, s1;
	v36 =	vsub.f32 v38, v20;
	v33 =	vmul.f32 $1.442695020e+00, v5;
	v32 =	vpop (erf);
	(erf) = vpow2.f32 v9  }
0x2f0: {  	_ = 	snop  }
0x2f1: {  	v4 =	vmul.f32 $1.442695020e+00, v35;
	v5 =	vsub.f32 v18, v20;
	v18 =	vpop (erf);
	(erf) = vpow2.f32 v33  }
0x2f2: {  	v8 =	vsub.f32 v16, v20;
	v7 =	vmul.f32 $1.442695020e+00, v36;
	v16 =	vpop (erf);
	(erf) = vpow2.f32 v34  }
0x2f3: {  	v9 =	vsub.f32 v15, v20;
	v5 =	vmul.f32 $1.442695020e+00, v5;
	v15 =	vpop (erf);
	(erf) = vpow2.f32 v4  }
0x2f4: {  	v6 =	vld [tilespmem:s17+$0x0];
	v4 =	vmul.f32 $1.442695020e+00, v8;
	v8 =	vsub.f32 v13, v20;
	v13 =	vpop (erf);
	(erf) = vpow2.f32 v7  }
0x2f5: {  	v7 =	vmul.f32 $1.442695020e+00, v9;
	v9 =	vsub.f32 v11, v19;
	v11 =	vpop (erf);
	(erf) = vpow2.f32 v5  }
0x2f6: {  	v5 =	vmul.f32 $1.442695020e+00, v8;
	v62 =	vpop (erf);
	(erf) = vpow2.f32 v4  }
0x2f7: {  	v12 =	vld [tilespmem:s17+$0xFFFFFFF0];
	v63 =	vpop (erf);
	(erf) = vpow2.f32 v7  }
0x2f8: {  	v27 =	vadd.f32 v28, v27;
	v8 =	vmul.f32 $1.442695020e+00, v9;
	v52 =	vpop (erf);
	(erf) = vpow2.f32 v5  }
0x2f9: {  	v42 =	vld.idx.msk [tilespmem:v26+s0+$0x0], $0xffff;
	v28 =	vadd.f32 v30, v29;
	v4 =	vand.u32 $0x78, v6;
	v7 =	vand.u32 $0xFFFFFF80, v6;
	v53 =	vpop (erf)  }
0x2fa: {  	v5 =	vand.u32 $0x7, v6;
	v9 =	vor.u32 v4, v7;
	(erf) = vpow2.f32 v8;
	v38 =	vpop (erf)  }
0x2fb: {  	v31 =	vadd.f32 v32, v31;
	v16 =	vadd.f32 v16, v18;
	v37 =	vor.u32 v5, v9;
	v40 =	vpop (erf)  }
0x2fc: {  	v61 =	vadd.f32 v28, v27;
	v13 =	vadd.f32 v13, v15;
	v39 =	vadd.s32 $0x4000, v37;
	v43 =	vpop (erf)  }
0x2fd: {  	v16 =	vadd.f32 v16, v31;
	v10 =	vand.u32 $0x78, v12;
	v41 =	vadd.s32 $0x4800, v37;
	v47 =	vpop (erf)  }
0x2fe: {  	v45 =	vld.idx.msk [tilespmem:v25+s0+$0x0], $0xffff;
	vm5 =	veq.s32 v42, $0xFF;
	v9 =	vand.u32 $0xFFFFFF80, v12;
	v44 =	vadd.s32 $0x5000, v37;
	v29 =	vpop (erf)  }
0x2ff: {  	v25 =	vld.idx.msk [tilespmem:v12+s29+$0x0], $0xffff;
	v8 =	vand.u32 $0x7, v12;
	v26 =	vor.u32 v10, v9;
	v48 =	vadd.s32 $0x5800, v37;
	v18 =	vpop (erf)  }
0x300: {  	v11 =	vadd.f32 v62, v11;
	v30 =	vadd.s32 $0x800, v37;
	v46 =	vor.u32 v8, v26;
	v26 =	vld.idx.msk [tilespmem:v6+s29+$0x0], $0xffff;
	v15 =	vpop (erf)  }
0x301: {  	v54 =	vadd.s32 $0x1000, v37;
	v38 =	vadd.f32 v40, v38;
	v55 =	vadd.f32 v47, v43;
	v39 =	vld.idx.msk [tilespmem:v39+s29+$0x0], $0xffff;
	v56 =	vpop (erf)  }
0x302: {  	v49 =	vadd.s32 $0x1800, v37;
	v41 =	vld.idx.msk [tilespmem:v41+s29+$0x0], $0xffff;
	v18 =	vadd.f32 v18, v29;
	v15 =	vadd.f32 v56, v15  }
0x303: {  	v35 =	vadd.f32 v52, v63;
	v58 =	vadd.s32 $0x2800, v37;
	v44 =	vld.idx.msk [tilespmem:v44+s29+$0x0], $0xffff;
	v38 =	vadd.f32 v55, v38;
	v29 =	vpop (erf)  }
0x304: {  	v59 =	vadd.s32 $0x3000, v37;
	v48 =	vld.idx.msk [tilespmem:v48+s29+$0x0], $0xffff;
	v29 =	vadd.f32 v29, v53;
	v15 =	vadd.f32 v15, v18  }
0x305: {  	vm6 =	veq.s32 v45, $0xFF;
	v11 =	vadd.f32 v11, v13;
	v13 =	vadd.s32 $0x4000, v46;
	v33 =	vld.idx.msk [tilespmem:v30+s29+$0x0], $0xffff  }
0x306: {  	v60 =	vadd.s32 $0x4800, v46;
	v34 =	vld.idx.msk [tilespmem:v54+s29+$0x0], $0xffff;
	v31 =	vadd.f32 v29, v35;
	v15 =	vadd.f32 v15, v38  }
0x307: {  	v45 =	vsel vm6, $0x0, v45;
	v63 =	vmov s16;
	v62 =	vadd.s32 $0x5000, v46;
	v30 =	vld.idx.msk [tilespmem:v49+s29+$0x0], $0xffff  }
0x308: {  	v27 =	vld.idx.msk [tilespmem:v58+s29+$0x0], $0xffff;
	v18 =	vadd.s32 $0x3800, v37;
	v38 =	vadd.f32 v15, v16;
	v15 =	vadd.f32 v31, v11  }
0x309: {  	vm1 =	vgt.s32 v63, v0;
	v57 =	vadd.s32 $0x2000, v37;
	v50 =	vadd.s32 $0x2000, v46;
	v28 =	vld.idx.msk [tilespmem:v59+s29+$0x0], $0xffff  }
0x30a: {  	v47 =	vld.idx.msk [tilespmem:v13+s29+$0x0], $0xffff;
	v16 =	vadd.s32 $0x5800, v46;
	v56 =	vand.u32 $0x7FFFFF, v38;
	v43 =	vadd.f32 v15, v61  }
0x30b: {  	v51 =	vadd.s32 $0x2800, v46;
	v13 =	vadd.s32 $0x1800, v46;
	v49 =	vld.idx.msk [tilespmem:v60+s29+$0x0], $0xffff;
	v15 =	vor.u32 $0x3F800000, v56  }
0x30c: {  	v37 =	vld.idx.msk [tilespmem:v62+s29+$0x0], $0xffff;
	v31 =	vadd.s32 $0x800, v46;
	v58 =	vmul.f32 $5.000000000e-01, v15;
	v35 =	vand.u32 $0x7FFFFF, v43  }
0x30d: {  	v11 =	vld.idx.msk [tilespmem:v18+s29+$0x0], $0xffff;
	v18 =	vadd.s32 $0x1000, v46;
	vm3 =	vgt.f32 v15, $1.414213540e+00;
	v52 =	vor.u32 $0x3F800000, v35  }
0x30e: {  	v54 =	vadd.s32 $0x3000, v46;
	v29 =	vld.idx.msk [tilespmem:v57+s29+$0x0], $0xffff;
	v55 =	vsel vm3, v58, v15;
	v15 =	vmul.f32 $5.000000000e-01, v52  }
0x30f: {  	v46 =	vadd.s32 $0x3800, v46;
	v53 =	vld.idx.msk [tilespmem:v16+s29+$0x0], $0xffff;
	vm4 =	vgt.f32 v52, $1.414213540e+00;
	v16 =	vadd.f32 $1.000000000e+00, v55  }
0x310: {  	v40 =	vsel vm5, $0x0, v42;
	v59 =	vshll.u32 v45, $0xB;
	v32 =	vld.idx.msk [tilespmem:v13+s29+$0x0], $0xffff;
	v36 =	vsel vm4, v15, v52  }
0x311: {  	v24 =	vadd.s32 v24, v59;
	v35 =	vld.idx.msk [tilespmem:v31+s29+$0x0], $0xffff;
	v13 =	vadd.f32 $1.000000000e+00, v36;
	(erf) = vrcp.f32 v16  }
0x312: {  	v42 =	vsel vm5, $0x0, v2;
	v60 =	vshll.u32 v40, $0xB;
	v23 =	vor.u32 v23, v24;
	v31 =	vld.idx.msk [tilespmem:v18+s29+$0x0], $0xffff  }
0x313: {  	s1 =	sadd.s32 $0xFFFFFFF0, s16;
	v24 =	vsel vm6, $0x0, v2;
	v22 =	vadd.s32 v22, v60;
	v15 =	vld.idx.msk [tilespmem:v54+s29+$0x0], $0xffff;
	(erf) = vrcp.f32 v13  }
0x314: {  	v21 =	vor.u32 v21, v23;
	v17 =	vor.u32 v17, v22;
	v57 =	vmov s1;
	v13 =	vld.idx.msk [tilespmem:v46+s29+$0x0], $0xffff  }
0x315: {  	v22 =	vmax.f32 v39, v41;
	vm2 =	vgt.s32 v57, v0;
	v38 =	vshra.s32 v38, $0x17;
	v18 =	vld.idx.msk [tilespmem:v50+s29+$0x0], $0xffff  }
0x316: {  	v43 =	vshra.s32 v43, $0x17;
	v50 =	vor.u32 v14, v17;
	v14 =	vmax.f32 v26, v33;
	v16 =	vld.idx.msk [tilespmem:v51+s29+$0x0], $0xffff  }
0x317: {  	v17 =	vmax.f32 v34, v30;
	v56 =	vmax.f32 v28, v11;
	v55 =	vadd.f32 $-1.000000000e+00, v55  }
0x318: {  	v14 =	vmax.f32 v14, v17;
	v52 =	vmax.f32 v47, v49;
	v51 =	vmax.f32 v29, v27  }
0x319: {  	v17 =	vadd.f32 $-1.000000000e+00, v36;
	v54 =	vmax.f32 v37, v53;
	v60 =	vmax.f32 v15, v13  }
0x31a: {  	v57 =	vmax.f32 v25, v35;
	v51 =	vmax.f32 v51, v56;
	v46 =	vmax.f32 v44, v48;
	v61 =	vpop (erf)  }
0x31b: {  	v22 =	vmax.f32 v22, v46;
	v59 =	vmax.f32 v18, v16;
	v46 =	vmul.f32 v61, v55  }
0x31c: {  	v58 =	vmax.f32 v31, v32;
	v14 =	vmax.f32 v14, v51;
	v63 =	vmax.f32 v59, v60;
	v60 =	vpop (erf)  }
0x31d: {  	v14 =	vmax.f32 v14, v22;
	v51 =	vmul.f32 v46, v46;
	v56 =	vmul.f32 v60, v17  }
0x31e: {  	v62 =	vmax.f32 v57, v58;
	v22 =	vsub.f32 v39, v14;
	v26 =	vsub.f32 v26, v14  }
0x31f: {  	v36 =	vmax.f32 v62, v63;
	v61 =	vmul.f32 $1.428571490e-01, v51;
	v62 =	vmul.f32 v56, v56  }
0x320: {  	v22 =	vmul.f32 $1.442695020e+00, v22;
	v63 =	vsub.f32 v41, v14;
	v41 =	vsub.f32 v44, v14  }
0x321: {  	v34 =	vsub.f32 v34, v14;
	v39 =	vadd.f32 $2.000000030e-01, v61;
	v55 =	vmul.f32 $1.428571490e-01, v62  }
0x322: {  	v44 =	vsub.f32 v48, v14;
	(erf) = vpow2.f32 v22;
	v41 =	vmul.f32 $1.442695020e+00, v41  }
0x323: {  	v17 =	vmax.f32 v52, v54;
	v58 =	vmul.f32 v39, v51;
	v59 =	vadd.f32 $2.000000030e-01, v55  }
0x324: {  	v44 =	vmul.f32 $1.442695020e+00, v44;
	v60 =	vsel vm4, $0x1, v1;
	v17 =	vmax.f32 v36, v17  }
0x325: {  	v57 =	vsub.f32 v37, v17;
	v37 =	vadd.f32 $3.333333430e-01, v58;
	v39 =	vmul.f32 v59, v62  }
0x326: {  	v46 =	vadd.f32 v46, v46;
	v43 =	vadd.s32 v60, v43;
	v61 =	vsel vm3, $0x1, v1  }
0x327: {  	v38 =	vadd.s32 v61, v38;
	v37 =	vmul.f32 v37, v51;
	v39 =	vadd.f32 $3.333333430e-01, v39  }
0x328: {  	v36 =	vmul.f32 $1.442695020e+00, v63;
	v43 =	vadd.s32 $0xFFFFFF81, v43;
	v38 =	vadd.s32 $0xFFFFFF81, v38  }
0x329: {  	v38 =	vcvt.s32.f32 v38;
	v37 =	vadd.f32 $1.000000000e+00, v37;
	v39 =	vmul.f32 v39, v62  }
0x32a: {  	v60 =	vmul.f32 $1.442695020e+00, v34;
	v63 =	vadd.f32 v56, v56;
	v43 =	vcvt.s32.f32 v43  }
0x32b: {  	v45 =	vld.idx.msk [tilespmem:v45+s20+$0x0], $0xffff;
	v38 =	vmul.f32 $6.931471820e-01, v38;
	v37 =	vmul.f32 v37, v46;
	v39 =	vadd.f32 $1.000000000e+00, v39  }
0x32c: {  	v21 =	vld.idx.msk [tilespmem:v21+s29+$0x0], $0xffff;
	v47 =	vsub.f32 v47, v17;
	v49 =	vsub.f32 v49, v17;
	(erf) = vpow2.f32 v36  }
0x32d: {  	v40 =	vld.idx.msk [tilespmem:v40+s20+$0x0], $0xffff;
	v52 =	vmul.f32 $6.931471820e-01, v43;
	v37 =	vadd.f32 v37, v38;
	v51 =	vmul.f32 v39, v63  }
0x32e: {  	v54 =	vmul.f32 $1.442695020e+00, v47;
	v23 =	vmul.f32 $1.442695020e+00, v57;
	v62 =	vsub.f32 v53, v17;
	v53 =	vld.idx.msk [tilespmem:v50+s29+$0x0], $0xffff  }
0x32f: {  	(erf) = vpow2.f32 v41;
	v20 =	vadd.f32 v37, v20;
	v56 =	vadd.f32 v51, v52  }
0x330: {  	v33 =	vsub.f32 v33, v14;
	v57 =	vmul.f32 v24, v45;
	(erf) = vpow2.f32 v44  }
0x331: {  	v55 =	vmul.f32 $1.442695020e+00, v49;
	v20 =	vsub.f32 v20, v21;
	v19 =	vadd.f32 v56, v19  }
0x332: {  	v29 =	vsub.f32 v29, v14;
	v24 =	vmul.f32 v42, v40;
	(erf) = vpow2.f32 v54  }
0x333: {  	(erf) = vpow2.f32 v55;
	v20 =	vmul.f32 v20, v57;
	v19 =	vsub.f32 v19, v53  }
0x334: {  	v58 =	vsub.f32 v30, v14;
	(erf) = vpow2.f32 v23;
	v59 =	vmul.f32 $1.442695020e+00, v62  }
0x335: {  	v20 =	vnsel vm1, $0x0, v20;
	v19 =	vmul.f32 v19, v24;
	v24 =	vmul.f32 $1.442695020e+00, v26  }
0x336: {  	(erf) = vpow2.f32 v59;
	v3 =	vadd.f32 v20, v3;
	v20 =	vmul.f32 $1.442695020e+00, v33  }
0x337: {  	v61 =	vsub.f32 v27, v14;
	v19 =	vnsel vm2, $0x0, v19;
	(erf) = vpow2.f32 v24  }
0x338: {  	p1 =	sgt.s32 s15, $0x4;
	v27 =	vpop (erf);
	v3 =	vadd.f32 v19, v3;
	v19 =	vmul.f32 $1.442695020e+00, v58;
	(erf) = vpow2.f32 v20  }
.Ltmp14:
0x339: {  	v62 =	vsub.f32 v28, v14;
	v28 =	vpop (erf);
	v20 =	vmul.f32 $1.442695020e+00, v29;
	(erf) = vpow2.f32 v60;
	(pc) =	sbr.rel @!p1 .LBB2_26-.Ltmp14, $4  }
0x33a: {  	v63 =	vsub.f32 v25, v17;
	v21 =	vmul.f32 $1.442695020e+00, v61;
	v29 =	vpop (erf);
	(erf) = vpow2.f32 v19  }
0x33b: {  	v23 =	vmul.f32 $1.442695020e+00, v62;
	v30 =	vpop (erf);
	v19 =	vsub.f32 v35, v17;
	(erf) = vpow2.f32 v20  }
0x33c: {  	s18 =	simm.s32 $0x4;
	v33 =	vmul.f32 $1.442695020e+00, v63;
	v35 =	vsub.f32 v31, v17;
	v31 =	vpop (erf);
	(erf) = vpow2.f32 v21  }
0x33d: {  	s19 =	simm.s32 $0x10050;
	p0 =	por $0x1, $0x1;
	s17 =	smov.u32 s16;
	v36 =	vsub.f32 v32, v17;
	v32 =	vpop (erf);
	v34 =	vmul.f32 $1.442695020e+00, v19;
	(erf) = vpow2.f32 v23  }
.LBB2_27:
0x33e: {  	v19 =	vld [tilespmem:s19+$0x0];
	v35 =	vmul.f32 $1.442695020e+00, v35;
	v18 =	vsub.f32 v18, v17;
	(erf) = vpow2.f32 v33;
	v21 =	vpop (erf)  }
0x33f: {  	v16 =	vsub.f32 v16, v17;
	v22 =	vmul.f32 $1.442695020e+00, v36;
	(erf) = vpow2.f32 v34;
	v23 =	vpop (erf)  }
0x340: {  	v15 =	vsub.f32 v15, v17;
	v25 =	vmul.f32 $1.442695020e+00, v18;
	(erf) = vpow2.f32 v35;
	v20 =	vpop (erf)  }
0x341: {  	v13 =	vsub.f32 v13, v17;
	v26 =	vmul.f32 $1.442695020e+00, v16;
	(erf) = vpow2.f32 v22;
	v24 =	vpop (erf)  }
0x342: {  	v11 =	vsub.f32 v11, v14;
	v22 =	vmul.f32 $1.442695020e+00, v15;
	(erf) = vpow2.f32 v25;
	v18 =	vpop (erf)  }
0x343: {  	v33 =	vmul.f32 $1.442695020e+00, v13;
	v25 =	vld [tilespmem:s19+$0xFFFFFFF0];
	v35 =	vand.u32 $0xFFFFFF80, v19;
	(erf) = vpow2.f32 v26;
	v16 =	vpop (erf)  }
0x344: {  	v11 =	vmul.f32 $1.442695020e+00, v11;
	v36 =	vand.u32 $0x78, v19;
	(erf) = vpow2.f32 v22;
	v15 =	vpop (erf)  }
0x345: {  	v34 =	vand.u32 $0x7, v19;
	v22 =	vor.u32 v36, v35;
	(erf) = vpow2.f32 v33;
	v13 =	vpop (erf)  }
0x346: {  	v26 =	vor.u32 v34, v22;
	v40 =	vpop (erf);
	(erf) = vpow2.f32 v11  }
0x347: {  	v11 =	vadd.s32 $0x4000, v26;
	v38 =	vpop (erf)  }
0x348: {  	v41 =	vadd.s32 $0x4800, v26;
	v39 =	vand.u32 $0xFFFFFF80, v25;
	v37 =	vand.u32 $0x78, v25;
	v43 =	vld.idx.msk [tilespmem:v6+s0+$0x0], $0xffff;
	v42 =	vpop (erf)  }
0x349: {  	v44 =	vadd.s32 $0x5000, v26;
	v33 =	vand.u32 $0x7, v25;
	v49 =	vor.u32 v37, v39;
	v45 =	vld.idx.msk [tilespmem:v12+s0+$0x0], $0xffff;
	v12 =	vpop (erf)  }
0x34a: {  	v47 =	vadd.s32 $0x5800, v26;
	v6 =	vmov v19;
	v46 =	vor.u32 v33, v49;
	v22 =	vld.idx.msk [tilespmem:v19+s29+$0x0], $0xffff;
	v48 =	vpop (erf)  }
0x34b: {  	v50 =	vadd.f32 v28, v27;
	v30 =	vadd.f32 v30, v29;
	v49 =	vadd.s32 $0x800, v26;
	v19 =	vld.idx.msk [tilespmem:v25+s29+$0x0], $0xffff;
	v27 =	vpop (erf)  }
0x34c: {  	v21 =	vadd.f32 v23, v21;
	v51 =	vadd.s32 $0x1000, v26;
	v29 =	vld.idx.msk [tilespmem:v11+s29+$0x0], $0xffff;
	v11 =	vadd.f32 v32, v31;
	v23 =	vpop (erf)  }
0x34d: {  	v20 =	vadd.f32 v24, v20;
	v16 =	vadd.f32 v16, v18;
	v52 =	vadd.s32 $0x1800, v26;
	v31 =	vld.idx.msk [tilespmem:v41+s29+$0x0], $0xffff;
	v18 =	vpop (erf)  }
0x34e: {  	v24 =	vadd.s32 $0x2000, v26;
	v41 =	vadd.f32 v42, v38;
	v42 =	vadd.f32 v48, v12;
	v32 =	vld.idx.msk [tilespmem:v44+s29+$0x0], $0xffff;
	v12 =	vpop (erf)  }
0x34f: {  	v23 =	vadd.f32 v23, v27;
	v44 =	vadd.s32 $0x2800, v26;
	v38 =	vld.idx.msk [tilespmem:v47+s29+$0x0], $0xffff;
	v18 =	vadd.f32 v12, v18;
	v12 =	vpop (erf)  }
0x350: {  	v13 =	vadd.f32 v13, v15;
	v47 =	vadd.s32 $0x3000, v26;
	v28 =	vld.idx.msk [tilespmem:v49+s29+$0x0], $0xffff;
	v15 =	vadd.f32 v12, v40;
	v12 =	vmovc v25  }
0x351: {  	v25 =	vadd.s32 $0x3800, v26;
	v40 =	vadd.f32 v42, v41;
	v27 =	vld.idx.msk [tilespmem:v51+s29+$0x0], $0xffff;
	v18 =	vadd.f32 v18, v23  }
0x352: {  	v16 =	vadd.f32 v16, v20;
	v11 =	vadd.f32 v21, v11;
	v42 =	vadd.s32 $0x4000, v46;
	v26 =	vld.idx.msk [tilespmem:v52+s29+$0x0], $0xffff  }
0x353: {  	v48 =	vadd.s32 $0x4800, v46;
	v13 =	vadd.f32 v15, v13;
	v23 =	vld.idx.msk [tilespmem:v24+s29+$0x0], $0xffff;
	v18 =	vadd.f32 v18, v40  }
0x354: {  	v15 =	vadd.s32 $0x5000, v46;
	v24 =	vadd.f32 v30, v50;
	v21 =	vld.idx.msk [tilespmem:v44+s29+$0x0], $0xffff  }
0x355: {  	s17 =	sadd.s32 $0xFFFFFFE0, s17;
	v30 =	vadd.s32 $0x5800, v46;
	v13 =	vadd.f32 v13, v16;
	v20 =	vld.idx.msk [tilespmem:v47+s29+$0x0], $0xffff;
	v41 =	vadd.f32 v18, v11  }
0x356: {  	v16 =	vadd.s32 $0x800, v46;
	v18 =	vmov s17;
	v11 =	vld.idx.msk [tilespmem:v25+s29+$0x0], $0xffff  }
0x357: {  	s1 =	sadd.s32 $0xFFFFFFF0, s17;
	v25 =	vadd.s32 $0x1000, v46;
	v47 =	vadd.f32 v13, v24;
	v44 =	vld.idx.msk [tilespmem:v42+s29+$0x0], $0xffff;
	v40 =	vand.u32 $0x7FFFFF, v41  }
0x358: {  	v13 =	vadd.s32 $0x1800, v46;
	v48 =	vld.idx.msk [tilespmem:v48+s29+$0x0], $0xffff;
	v24 =	vor.u32 $0x3F800000, v40;
	v40 =	vmov s1  }
0x359: {  	v49 =	vadd.s32 $0x2000, v46;
	v51 =	vand.u32 $0x7FFFFF, v47;
	v50 =	vld.idx.msk [tilespmem:v15+s29+$0x0], $0xffff;
	v15 =	vmul.f32 $5.000000000e-01, v24  }
0x35a: {  	v52 =	vadd.s32 $0x2800, v46;
	vm3 =	vgt.f32 v24, $1.414213540e+00;
	v51 =	vor.u32 $0x3F800000, v51;
	v42 =	vld.idx.msk [tilespmem:v30+s29+$0x0], $0xffff  }
0x35b: {  	v53 =	vadd.s32 $0x3000, v46;
	v30 =	vld.idx.msk [tilespmem:v16+s29+$0x0], $0xffff;
	v54 =	vsel vm3, v15, v24;
	v15 =	vmul.f32 $5.000000000e-01, v51  }
0x35c: {  	v46 =	vadd.s32 $0x3800, v46;
	vm4 =	vgt.f32 v51, $1.414213540e+00;
	v24 =	vld.idx.msk [tilespmem:v25+s29+$0x0], $0xffff;
	v16 =	vadd.f32 $1.000000000e+00, v54  }
0x35d: {  	vm5 =	veq.s32 v43, $0xFF;
	vm1 =	vgt.s32 v18, v0;
	v25 =	vld.idx.msk [tilespmem:v13+s29+$0x0], $0xffff;
	v51 =	vsel vm4, v15, v51  }
0x35e: {  	vm6 =	veq.s32 v45, $0xFF;
	v18 =	vld.idx.msk [tilespmem:v49+s29+$0x0], $0xffff;
	v13 =	vadd.f32 $1.000000000e+00, v51;
	(erf) = vrcp.f32 v16  }
0x35f: {  	v43 =	vsel vm5, $0x0, v43;
	v45 =	vsel vm6, $0x0, v45;
	vm2 =	vgt.s32 v40, v0;
	v16 =	vld.idx.msk [tilespmem:v52+s29+$0x0], $0xffff  }
0x360: {  	v40 =	vshll.u32 v45, $0xB;
	v49 =	vshll.u32 v43, $0xB;
	v15 =	vld.idx.msk [tilespmem:v53+s29+$0x0], $0xffff;
	(erf) = vrcp.f32 v13  }
0x361: {  	v52 =	vadd.s32 v9, v40;
	v40 =	vsel vm5, $0x0, v2;
	v13 =	vld.idx.msk [tilespmem:v46+s29+$0x0], $0xffff;
	v46 =	vadd.s32 v7, v49;
	v7 =	vmovc v35  }
0x362: {  	v9 =	vmovc v39;
	v35 =	vor.u32 v10, v52;
	v49 =	vsel vm6, $0x0, v2;
	v55 =	vor.u32 v4, v46;
	v4 =	vmovc v36  }
0x363: {  	v39 =	vmax.f32 v32, v38;
	v36 =	vmax.f32 v29, v31;
	v46 =	vor.u32 v5, v55;
	v5 =	vmovc v34  }
0x364: {  	v53 =	vmax.f32 v23, v21;
	v52 =	vmax.f32 v27, v26;
	v10 =	vmovc v37;
	v34 =	vmax.f32 v22, v28  }
0x365: {  	v56 =	vmax.f32 v20, v11;
	v37 =	vmax.f32 v44, v48;
	v55 =	vmax.f32 v50, v42  }
0x366: {  	v54 =	vadd.f32 $-1.000000000e+00, v54;
	v57 =	vmax.f32 v19, v30;
	v58 =	vmax.f32 v24, v25  }
0x367: {  	v36 =	vmax.f32 v36, v39;
	v59 =	vmax.f32 v18, v16;
	v60 =	vmax.f32 v15, v13;
	v39 =	vpop (erf)  }
0x368: {  	v51 =	vadd.f32 $-1.000000000e+00, v51;
	v34 =	vmax.f32 v34, v52;
	v39 =	vmul.f32 v39, v54  }
0x369: {  	v53 =	vmax.f32 v53, v56;
	v52 =	vmax.f32 v57, v58;
	v54 =	vmax.f32 v59, v60;
	v56 =	vpop (erf)  }
0x36a: {  	v34 =	vmax.f32 v34, v53;
	v53 =	vmul.f32 v39, v39;
	v51 =	vmul.f32 v56, v51  }
0x36b: {  	v37 =	vmax.f32 v37, v55;
	v34 =	vmax.f32 v34, v36;
	v52 =	vmax.f32 v52, v54  }
0x36c: {  	v29 =	vsub.f32 v29, v34;
	v36 =	vmul.f32 $1.428571490e-01, v53;
	v54 =	vmul.f32 v51, v51  }
0x36d: {  	v31 =	vsub.f32 v31, v34;
	v32 =	vsub.f32 v32, v34;
	v37 =	vmax.f32 v52, v37  }
0x36e: {  	v38 =	vsub.f32 v38, v34;
	v36 =	vadd.f32 $2.000000030e-01, v36;
	v52 =	vmul.f32 $1.428571490e-01, v54  }
0x36f: {  	v35 =	vor.u32 v8, v35;
	v8 =	vmovc v33;
	v44 =	vsub.f32 v44, v37;
	v48 =	vsub.f32 v48, v37  }
0x370: {  	v33 =	vsub.f32 v50, v37;
	v36 =	vmul.f32 v36, v53;
	v50 =	vadd.f32 $2.000000030e-01, v52  }
0x371: {  	v41 =	vshra.s32 v41, $0x17;
	v47 =	vshra.s32 v47, $0x17;
	v52 =	vsel vm4, $0x1, v1  }
0x372: {  	v55 =	vsel vm3, $0x1, v1;
	v36 =	vadd.f32 $3.333333430e-01, v36;
	v50 =	vmul.f32 v50, v54  }
0x373: {  	v41 =	vadd.s32 v55, v41;
	v29 =	vmul.f32 $1.442695020e+00, v29;
	v47 =	vadd.s32 v52, v47  }
0x374: {  	v41 =	vadd.s32 $0xFFFFFF81, v41;
	v36 =	vmul.f32 v36, v53;
	v50 =	vadd.f32 $3.333333430e-01, v50  }
0x375: {  	v41 =	vcvt.s32.f32 v41;
	v31 =	vmul.f32 $1.442695020e+00, v31;
	v47 =	vadd.s32 $0xFFFFFF81, v47  }
0x376: {  	v39 =	vadd.f32 v39, v39;
	v36 =	vadd.f32 $1.000000000e+00, v36;
	v50 =	vmul.f32 v50, v54  }
0x377: {  	v41 =	vmul.f32 $6.931471820e-01, v41;
	v42 =	vsub.f32 v42, v37;
	v47 =	vcvt.s32.f32 v47;
	v45 =	vld.idx.msk [tilespmem:v45+s20+$0x0], $0xffff  }
0x378: {  	s18 =	sadd.s32 $0x2, s18;
	v36 =	vmul.f32 v36, v39;
	v35 =	vld.idx.msk [tilespmem:v35+s29+$0x0], $0xffff;
	v39 =	vadd.f32 v51, v51;
	v50 =	vadd.f32 $1.000000000e+00, v50  }
0x379: {  	p1 =	slt.s32 s18, s15;
	v22 =	vsub.f32 v22, v34;
	v32 =	vmul.f32 $1.442695020e+00, v32;
	v38 =	vmul.f32 $1.442695020e+00, v38;
	v43 =	vld.idx.msk [tilespmem:v43+s20+$0x0], $0xffff  }
0x37a: {  	v36 =	vadd.f32 v36, v41;
	v39 =	vmul.f32 v50, v39;
	v41 =	vmul.f32 $6.931471820e-01, v47;
	v46 =	vld.idx.msk [tilespmem:v46+s29+$0x0], $0xffff  }
0x37b: {  	v28 =	vsub.f32 v28, v34;
	v44 =	vmul.f32 $1.442695020e+00, v44;
	v47 =	vmul.f32 $1.442695020e+00, v48  }
0x37c: {  	v33 =	vmul.f32 $1.442695020e+00, v33;
	v36 =	vadd.f32 v36, v17;
	v39 =	vadd.f32 v39, v41;
	v17 =	vmovc v37  }
0x37d: {  	v27 =	vsub.f32 v27, v34;
	(erf) = vpow2.f32 v29;
	v29 =	vmul.f32 v49, v45  }
0x37e: {  	(erf) = vpow2.f32 v31;
	v31 =	vsub.f32 v36, v35;
	v35 =	vadd.f32 v39, v14;
	v14 =	vmovc v34  }
0x37f: {  	v26 =	vsub.f32 v26, v14;
	(erf) = vpow2.f32 v32;
	v32 =	vmul.f32 v40, v43  }
0x380: {  	(erf) = vpow2.f32 v38;
	v29 =	vmul.f32 v31, v29;
	v31 =	vsub.f32 v35, v46  }
0x381: {  	v34 =	vmul.f32 $1.442695020e+00, v42;
	v23 =	vsub.f32 v23, v14;
	(erf) = vpow2.f32 v44  }
0x382: {  	(erf) = vpow2.f32 v47;
	v29 =	vnsel vm1, $0x0, v29;
	v31 =	vmul.f32 v31, v32  }
0x383: {  	v22 =	vmul.f32 $1.442695020e+00, v22;
	(erf) = vpow2.f32 v33;
	v3 =	vadd.f32 v29, v3  }
0x384: {  	v32 =	vmul.f32 $1.442695020e+00, v28;
	(erf) = vpow2.f32 v34;
	v29 =	vnsel vm2, $0x0, v31  }
0x385: {  	v31 =	vmul.f32 $1.442695020e+00, v27;
	(erf) = vpow2.f32 v22;
	v3 =	vadd.f32 v29, v3  }
0x386: {  	v21 =	vsub.f32 v21, v14;
	v22 =	vmul.f32 $1.442695020e+00, v26;
	(erf) = vpow2.f32 v32;
	v27 =	vpop (erf)  }
.Ltmp15:
0x387: {  	v20 =	vsub.f32 v20, v14;
	v23 =	vmul.f32 $1.442695020e+00, v23;
	(erf) = vpow2.f32 v31;
	v28 =	vpop (erf);
	(pc) =	sbr.rel @p1 .LBB2_27-.Ltmp15, $4  }
0x388: {  	v19 =	vsub.f32 v19, v17;
	v21 =	vmul.f32 $1.442695020e+00, v21;
	(erf) = vpow2.f32 v22;
	v29 =	vpop (erf)  }
0x389: {  	v20 =	vmul.f32 $1.442695020e+00, v20;
	v22 =	vsub.f32 v30, v17;
	(erf) = vpow2.f32 v23;
	v30 =	vpop (erf)  }
0x38a: {  	v35 =	vsub.f32 v24, v17;
	v33 =	vmul.f32 $1.442695020e+00, v19;
	v31 =	vpop (erf);
	(erf) = vpow2.f32 v21  }
0x38b: {  	s19 =	sadd.s32 $0x20, s19;
	v36 =	vsub.f32 v25, v17;
	v34 =	vmul.f32 $1.442695020e+00, v22;
	v32 =	vpop (erf);
	(erf) = vpow2.f32 v20  }
0x38c: {  	v20 =	vmovc v17;
	v19 =	vmovc v14;
	v26 =	vmov v6;
	v25 =	vmov v12;
	v24 =	vmov v9  }
0x38d: {  	v22 =	vmovc v7;
	v23 =	vmovc v10;
	v17 =	vmov v4;
	v14 =	vmov v5;
	v21 =	vmov v8  }
.LBB2_29:
0x38e: {  	v4 =	vmul.f32 $1.442695020e+00, v35;
	v5 =	vsub.f32 v18, v20;
	_ =	sdelay $0x1  }
0x38f: {  	(erf) = vpow2.f32 v33;
	v6 =	vpop (erf);
	v5 =	vmul.f32 $1.442695020e+00, v5  }
0x390: {  	v7 =	vmul.f32 $1.442695020e+00, v36;
	v8 =	vsub.f32 v16, v20;
	(erf) = vpow2.f32 v34;
	v9 =	vpop (erf)  }
0x391: {  	v10 =	vsub.f32 v15, v20;
	(erf) = vpow2.f32 v4;
	v4 =	vpop (erf)  }
0x392: {  	v12 =	vsub.f32 v13, v20;
	v8 =	vmul.f32 $1.442695020e+00, v8;
	(erf) = vpow2.f32 v7;
	v52 =	vpop (erf)  }
0x393: {  	v10 =	vmul.f32 $1.442695020e+00, v10;
	(erf) = vpow2.f32 v5;
	v5 =	vpop (erf)  }
0x394: {  	v11 =	vsub.f32 v11, v19;
	v12 =	vmul.f32 $1.442695020e+00, v12;
	(erf) = vpow2.f32 v8;
	v53 =	vpop (erf)  }
0x395: {  	(erf) = vpow2.f32 v10;
	v54 =	vpop (erf)  }
0x396: {  	v11 =	vmul.f32 $1.442695020e+00, v11;
	(erf) = vpow2.f32 v12;
	v55 =	vpop (erf)  }
0x397: {  	v56 =	vpop (erf)  }
0x398: {  	(erf) = vpow2.f32 v11;
	v57 =	vpop (erf)  }
0x399: {  	v58 =	vpop (erf)  }
0x39a: {  	v59 =	vpop (erf)  }
0x39b: {  	v60 =	vpop (erf)  }
0x39c: {  	v27 =	vadd.f32 v28, v27;
	v61 =	vadd.f32 v30, v29;
	v62 =	vpop (erf)  }
0x39d: {  	v63 =	vadd.f32 v32, v31;
	v6 =	vadd.f32 v9, v6;
	v31 =	vpop (erf)  }
0x39e: {  	v4 =	vadd.f32 v52, v4;
	v5 =	vadd.f32 v53, v5;
	v32 =	vpop (erf)  }
0x39f: {  	v33 =	vadd.f32 v58, v57;
	v34 =	vadd.f32 v60, v59;
	v35 =	vpop (erf)  }
0x3a0: {  	v9 =	vadd.f32 v31, v62;
	v7 =	vadd.f32 v35, v32  }
0x3a1: {  	v10 =	vadd.f32 v55, v54;
	v8 =	vadd.f32 v34, v33;
	v36 =	vpop (erf)  }
0x3a2: {  	v37 =	vadd.f32 v36, v56;
	v7 =	vadd.f32 v7, v9  }
0x3a3: {  	v6 =	vadd.f32 v6, v63;
	v4 =	vadd.f32 v5, v4  }
0x3a4: {  	v38 =	vadd.f32 v37, v10;
	v5 =	vadd.f32 v7, v8  }
0x3a5: {  	v39 =	vadd.f32 v61, v27  }
0x3a6: {  	v4 =	vadd.f32 v38, v4;
	v5 =	vadd.f32 v5, v6;
	_ =	sdelay $0x1  }
0x3a7: {  	v4 =	vadd.f32 v4, v39;
	v6 =	vand.u32 $0x7FFFFF, v5  }
0x3a8: {  	v6 =	vor.u32 $0x3F800000, v6  }
0x3a9: {  	v8 =	vand.u32 $0x7FFFFF, v4;
	v40 =	vmul.f32 $5.000000000e-01, v6  }
0x3aa: {  	vm3 =	vgt.f32 v6, $1.414213540e+00;
	v8 =	vor.u32 $0x3F800000, v8  }
0x3ab: {  	v41 =	vmul.f32 $5.000000000e-01, v8;
	v6 =	vsel vm3, v40, v6  }
0x3ac: {  	vm4 =	vgt.f32 v8, $1.414213540e+00;
	v42 =	vadd.f32 $1.000000000e+00, v6  }
0x3ad: {  	v7 =	vsel vm4, v41, v8  }
0x3ae: {  	v8 =	vadd.f32 $1.000000000e+00, v7;
	(erf) = vrcp.f32 v42;
	_ =	sdelay $0x1  }
0x3af: {  	(erf) = vrcp.f32 v8;
	_ =	sdelay $0x4  }
0x3b0: {  	v44 =	vld.idx.msk [tilespmem:v26+s0+$0x0], $0xffff  }
0x3b1: {  	v6 =	vadd.f32 $-1.000000000e+00, v6  }
0x3b2: {  	v45 =	vpop (erf)  }
0x3b3: {  	v43 =	vld.idx.msk [tilespmem:v25+s0+$0x0], $0xffff;
	v7 =	vadd.f32 $-1.000000000e+00, v7;
	v6 =	vmul.f32 v45, v6  }
0x3b4: {  	v46 =	vpop (erf)  }
0x3b5: {  	vm1 =	veq.s32 v44, $0xFF;
	v7 =	vmul.f32 v46, v7;
	v47 =	vmul.f32 v6, v6  }
0x3b6: {  	v9 =	vsel vm1, $0x0, v44  }
0x3b7: {  	v51 =	vshll.u32 v9, $0xB;
	v49 =	vmul.f32 v7, v7;
	v48 =	vmul.f32 $1.428571490e-01, v47  }
0x3b8: {  	vm2 =	veq.s32 v43, $0xFF;
	v15 =	vadd.s32 v22, v51  }
0x3b9: {  	v15 =	vor.u32 v17, v15;
	v52 =	vmul.f32 $1.428571490e-01, v49;
	v10 =	vadd.f32 $2.000000030e-01, v48  }
0x3ba: {  	v5 =	vshra.s32 v5, $0x17;
	v4 =	vshra.s32 v4, $0x17;
	v54 =	vsel vm3, $0x1, v1  }
0x3bb: {  	v8 =	vsel vm2, $0x0, v43;
	v16 =	vadd.f32 $2.000000030e-01, v52;
	v10 =	vmul.f32 v10, v47  }
0x3bc: {  	v53 =	vsel vm4, $0x1, v1;
	v5 =	vadd.s32 v54, v5;
	v50 =	vshll.u32 v8, $0xB  }
0x3bd: {  	v13 =	vadd.s32 v24, v50;
	v16 =	vmul.f32 v16, v49;
	v10 =	vadd.f32 $3.333333430e-01, v10  }
0x3be: {  	v4 =	vadd.s32 v53, v4;
	v5 =	vadd.s32 $0xFFFFFF81, v5;
	v13 =	vor.u32 v23, v13  }
0x3bf: {  	v13 =	vor.u32 v21, v13;
	v55 =	vadd.f32 $3.333333430e-01, v16;
	v10 =	vmul.f32 v10, v47  }
0x3c0: {  	v14 =	vor.u32 v14, v15;
	v5 =	vcvt.s32.f32 v5;
	v4 =	vadd.s32 $0xFFFFFF81, v4  }
0x3c1: {  	v6 =	vadd.f32 v6, v6;
	v11 =	vmul.f32 v55, v49;
	v10 =	vadd.f32 $1.000000000e+00, v10  }
0x3c2: {  	v4 =	vcvt.s32.f32 v4;
	v5 =	vmul.f32 $6.931471820e-01, v5  }
0x3c3: {  	v8 =	vld.idx.msk [tilespmem:v8+s20+$0x0], $0xffff;
	v7 =	vadd.f32 v7, v7;
	v56 =	vadd.f32 $1.000000000e+00, v11;
	v6 =	vmul.f32 v10, v6  }
0x3c4: {  	v57 =	vld.idx.msk [tilespmem:v13+s29+$0x0], $0xffff  }
0x3c5: {  	v9 =	vld.idx.msk [tilespmem:v9+s20+$0x0], $0xffff;
	v4 =	vmul.f32 $6.931471820e-01, v4;
	v58 =	vmul.f32 v56, v7;
	v5 =	vadd.f32 v6, v5  }
0x3c6: {  	v59 =	vld.idx.msk [tilespmem:v14+s29+$0x0], $0xffff  }
0x3c7: {  	v4 =	vadd.f32 v58, v4;
	v5 =	vadd.f32 v5, v20  }
0x3c8: {  	s1 =	sadd.s32 @p0 $0xFFFFFFE0, s17;
	v60 =	vsel vm2, $0x0, v2  }
0x3c9: {  	s16 =	smov.u32 @p0 s1;
	v6 =	vmul.f32 v60, v8;
	v4 =	vadd.f32 v4, v19;
	v5 =	vsub.f32 v5, v57  }
0x3ca: {  	v61 =	vmov s16;
	v62 =	vsel vm1, $0x0, v2  }
0x3cb: {  	v9 =	vmul.f32 v62, v9;
	v4 =	vsub.f32 v4, v59;
	v5 =	vmul.f32 v5, v6  }
0x3cc: {  	s1 =	sadd.s32 $0xFFFFFFF0, s16;
	vm1 =	vgt.s32 v61, v0  }
0x3cd: {  	v63 =	vmov s1;
	v4 =	vmul.f32 v4, v9;
	v5 =	vnsel vm1, $0x0, v5  }
0x3ce: {  	vm1 =	vgt.s32 v63, v0;
	v3 =	vadd.f32 v5, v3  }
0x3cf: {  	v4 =	vnsel vm1, $0x0, v4  }
0x3d0: {  	v3 =	vadd.f32 v4, v3  }
.LBB2_20:
0x3d1: {  	s1 =	ssub.s32 s14, s15  }
0x3d2: {  	p0 =	slt.s32 s1, $0x1  }
.Ltmp16:
0x3d3: {  	_ = 	snop;
	(pc) =	sbr.rel @p0 .LBB2_22-.Ltmp16, $1  }
0x3d4: {  	_ =	sdelay $0x3  }
0x3d5: {  	s14 =	sshll.u32 s15, $0x4  }
0x3d6: {  	v4 =	vld [tilespmem:s14+$0x10000];
	_ =	sdelay $0x4  }
0x3d7: {  	v5 =	vand.u32 $0xFFFFFF80, v4;
	v6 =	vand.u32 $0x78, v4  }
0x3d8: {  	v7 =	vand.u32 $0x7, v4;
	v8 =	vor.u32 v6, v5  }
0x3d9: {  	v8 =	vor.u32 v7, v8  }
0x3da: {  	v9 =	vadd.s32 $0x800, v8  }
0x3db: {  	v10 =	vadd.s32 $0x1000, v8  }
0x3dc: {  	v11 =	vadd.s32 $0x1800, v8  }
0x3dd: {  	v12 =	vadd.s32 $0x2000, v8  }
0x3de: {  	v13 =	vld.idx.msk [tilespmem:v4+s29+$0x0], $0xffff;
	v14 =	vadd.s32 $0x2800, v8  }
0x3df: {  	v15 =	vadd.s32 $0x3000, v8;
	v9 =	vld.idx.msk [tilespmem:v9+s29+$0x0], $0xffff  }
0x3e0: {  	v16 =	vadd.s32 $0x3800, v8;
	v10 =	vld.idx.msk [tilespmem:v10+s29+$0x0], $0xffff  }
0x3e1: {  	v17 =	vadd.s32 $0x4000, v8;
	v11 =	vld.idx.msk [tilespmem:v11+s29+$0x0], $0xffff  }
0x3e2: {  	v18 =	vadd.s32 $0x4800, v8;
	v12 =	vld.idx.msk [tilespmem:v12+s29+$0x0], $0xffff  }
0x3e3: {  	v19 =	vadd.s32 $0x5000, v8;
	v14 =	vld.idx.msk [tilespmem:v14+s29+$0x0], $0xffff  }
0x3e4: {  	v8 =	vadd.s32 $0x5800, v8;
	v15 =	vld.idx.msk [tilespmem:v15+s29+$0x0], $0xffff  }
0x3e5: {  	v16 =	vld.idx.msk [tilespmem:v16+s29+$0x0], $0xffff  }
0x3e6: {  	v17 =	vld.idx.msk [tilespmem:v17+s29+$0x0], $0xffff  }
0x3e7: {  	v18 =	vld.idx.msk [tilespmem:v18+s29+$0x0], $0xffff  }
0x3e8: {  	v19 =	vld.idx.msk [tilespmem:v19+s29+$0x0], $0xffff  }
0x3e9: {  	v8 =	vld.idx.msk [tilespmem:v8+s29+$0x0], $0xffff;
	_ =	sdelay $0x2  }
0x3ea: {  	v20 =	vmax.f32 v13, v9;
	v21 =	vmax.f32 v10, v11  }
0x3eb: {  	v63 =	vmax.f32 v12, v14;
	v22 =	vmax.f32 v15, v16;
	v24 =	vmax.f32 v17, v18  }
0x3ec: {  	v23 =	vmax.f32 v19, v8;
	v20 =	vmax.f32 v20, v21;
	v21 =	vmax.f32 v63, v22  }
0x3ed: {  	v25 =	vmax.f32 v24, v23;
	v20 =	vmax.f32 v20, v21  }
0x3ee: {  	v20 =	vmax.f32 v20, v25  }
0x3ef: {  	v17 =	vsub.f32 v17, v20  }
0x3f0: {  	v18 =	vsub.f32 v18, v20  }
0x3f1: {  	v19 =	vsub.f32 v19, v20;
	v17 =	vmul.f32 $1.442695020e+00, v17  }
0x3f2: {  	v8 =	vsub.f32 v8, v20;
	v18 =	vmul.f32 $1.442695020e+00, v18  }
0x3f3: {  	v13 =	vsub.f32 v13, v20;
	v26 =	vmul.f32 $1.442695020e+00, v19;
	(erf) = vpow2.f32 v17  }
0x3f4: {  	v9 =	vsub.f32 v9, v20;
	v8 =	vmul.f32 $1.442695020e+00, v8;
	(erf) = vpow2.f32 v18  }
0x3f5: {  	v10 =	vsub.f32 v10, v20;
	v13 =	vmul.f32 $1.442695020e+00, v13;
	(erf) = vpow2.f32 v26  }
0x3f6: {  	v28 =	vsub.f32 v11, v20;
	v27 =	vmul.f32 $1.442695020e+00, v9;
	(erf) = vpow2.f32 v8  }
0x3f7: {  	v29 =	vsub.f32 v12, v20;
	v10 =	vmul.f32 $1.442695020e+00, v10;
	(erf) = vpow2.f32 v13  }
0x3f8: {  	v31 =	vsub.f32 v14, v20;
	v30 =	vmul.f32 $1.442695020e+00, v28;
	(erf) = vpow2.f32 v27  }
0x3f9: {  	v33 =	vsub.f32 v15, v20;
	v32 =	vmul.f32 $1.442695020e+00, v29;
	(erf) = vpow2.f32 v10  }
0x3fa: {  	v35 =	vsub.f32 v16, v20;
	v34 =	vmul.f32 $1.442695020e+00, v31;
	(erf) = vpow2.f32 v30  }
0x3fb: {  	v36 =	vmul.f32 $1.442695020e+00, v33;
	(erf) = vpow2.f32 v32  }
0x3fc: {  	v38 =	vmul.f32 $1.442695020e+00, v35;
	v37 =	vpop (erf);
	(erf) = vpow2.f32 v34  }
0x3fd: {  	v39 =	vpop (erf);
	(erf) = vpow2.f32 v36  }
0x3fe: {  	v40 =	vpop (erf);
	(erf) = vpow2.f32 v38  }
0x3ff: {  	v41 =	vpop (erf)  }
0x400: {  	v42 =	vpop (erf)  }
0x401: {  	v43 =	vpop (erf)  }
0x402: {  	v44 =	vpop (erf)  }
0x403: {  	v45 =	vpop (erf)  }
0x404: {  	v46 =	vpop (erf)  }
0x405: {  	v47 =	vpop (erf)  }
0x406: {  	v48 =	vpop (erf)  }
0x407: {  	v12 =	vadd.f32 v43, v42;
	v49 =	vadd.f32 v45, v44;
	v50 =	vpop (erf)  }
0x408: {  	v51 =	vadd.f32 v47, v46;
	v14 =	vadd.f32 v50, v48  }
0x409: {  	v9 =	vadd.f32 v39, v37;
	v8 =	vadd.f32 v41, v40  }
0x40a: {  	v52 =	vadd.f32 v49, v12;
	v53 =	vadd.f32 v14, v51;
	_ =	sdelay $0x1  }
0x40b: {  	v8 =	vadd.f32 v8, v9;
	v54 =	vadd.f32 v53, v52;
	_ =	sdelay $0x1  }
0x40c: {  	v8 =	vadd.f32 v54, v8;
	_ =	sdelay $0x1  }
0x40d: {  	v9 =	vand.u32 $0x7FFFFF, v8  }
0x40e: {  	v9 =	vor.u32 $0x3F800000, v9  }
0x40f: {  	v55 =	vmul.f32 $5.000000000e-01, v9  }
0x410: {  	vm1 =	vgt.f32 v9, $1.414213540e+00  }
0x411: {  	v9 =	vsel vm1, v55, v9  }
0x412: {  	v10 =	vadd.f32 $1.000000000e+00, v9;
	_ =	sdelay $0x1  }
0x413: {  	(erf) = vrcp.f32 v10;
	_ =	sdelay $0x7  }
0x414: {  	v9 =	vadd.f32 $-1.000000000e+00, v9  }
0x415: {  	v10 =	vpop (erf)  }
0x416: {  	v9 =	vmul.f32 v10, v9;
	_ =	sdelay $0x1  }
0x417: {  	v4 =	vld.idx.msk [tilespmem:v4+s0+$0x0], $0xffff;
	v10 =	vmul.f32 v9, v9;
	_ =	sdelay $0x1  }
0x418: {  	v56 =	vmul.f32 $1.428571490e-01, v10;
	_ =	sdelay $0x1  }
0x419: {  	v11 =	vadd.f32 $2.000000030e-01, v56  }
0x41a: {  	vm2 =	veq.s32 v4, $0xFF  }
0x41b: {  	v4 =	vsel vm2, $0x0, v4;
	v11 =	vmul.f32 v11, v10  }
0x41c: {  	v57 =	vshll.u32 v4, $0xB  }
0x41d: {  	v5 =	vadd.s32 v5, v57;
	v58 =	vadd.f32 $3.333333430e-01, v11  }
0x41e: {  	v5 =	vor.u32 v6, v5;
	v59 =	vshra.s32 v8, $0x17;
	v60 =	vsel vm1, $0x1, v1  }
0x41f: {  	v5 =	vor.u32 v7, v5;
	v7 =	vadd.s32 v60, v59;
	v6 =	vmul.f32 v58, v10  }
0x420: {  	v7 =	vadd.s32 $0xFFFFFF81, v7  }
0x421: {  	v7 =	vcvt.s32.f32 v7;
	v61 =	vadd.f32 v9, v9;
	v6 =	vadd.f32 $1.000000000e+00, v6;
	_ =	sdelay $0x1  }
0x422: {  	v4 =	vld.idx.msk [tilespmem:v4+s20+$0x0], $0xffff;
	v7 =	vmul.f32 $6.931471820e-01, v7;
	v6 =	vmul.f32 v6, v61  }
0x423: {  	v5 =	vld.idx.msk [tilespmem:v5+s29+$0x0], $0xffff  }
0x424: {  	v6 =	vadd.f32 v6, v7;
	_ =	sdelay $0x1  }
0x425: {  	v6 =	vadd.f32 v6, v20  }
0x426: {  	v62 =	vsel vm2, $0x0, v2  }
0x427: {  	v4 =	vmul.f32 v62, v4;
	v5 =	vsub.f32 v6, v5  }
.Ltmp17:
0x428: {  	s1 =	ssub.s32 s13, s14;
	(pc) =	sbr.rel .LBB2_22-.Ltmp17, $4  }
0x429: {  	v63 =	vmov s1;
	v4 =	vmul.f32 v5, v4  }
0x42a: {  	vm1 =	vgt.s32 v63, v0  }
0x42b: {  	v4 =	vnsel vm1, $0x0, v4  }
0x42c: {  	v3 =	vadd.f32 v4, v3  }
.LBB2_14:
.Ltmp18:
0x42d: {  	(pc) =	sbr.rel .LBB2_19-.Ltmp18, $2  }
0x42e: {  	_ =	sdelay $0x2  }
0x42f: {  	s17 =	smov.u32 s18;
	s11 =	smov.u32 s13;
	s2 =	rddreg [dreg:$0x13]  }
.LBB2_12:
.Ltmp19:
0x430: {  	(pc) =	sbr.rel .LBB2_29-.Ltmp19, $2  }
0x431: {  	_ =	sdelay $0x2  }
0x432: {  	s17 =	smov.u32 s16  }
.LBB2_16:
.Ltmp20:
0x433: {  	(pc) =	sbr.rel .LBB2_19-.Ltmp20, $3  }
0x434: {  	_ =	sdelay $0x1  }
0x435: {  	v20 =	vmovc v17;
	v19 =	vmovc v14;
	v26 =	vmov v6;
	v25 =	vmov v12;
	v24 =	vmov v9  }
0x436: {  	s17 =	smov.u32 s18;
	v22 =	vmovc v7;
	v23 =	vmovc v10;
	v17 =	vmov v4;
	v14 =	vmov v5;
	v21 =	vmov v8;
	s2 =	rddreg [dreg:$0x13]  }
.LBB2_26:
.Ltmp21:
0x437: {  	(pc) =	sbr.rel .LBB2_29-.Ltmp21, $3  }
0x438: {  	_ =	sdelay $0x1  }
0x439: {  	v20 =	vmovc v17;
	v19 =	vmovc v14;
	v26 =	vmov v6;
	v25 =	vmov v12;
	v24 =	vmov v9  }
0x43a: {  	s17 =	smov.u32 s16;
	v22 =	vmovc v7;
	v23 =	vmovc v10;
	v17 =	vmov v4;
	v14 =	vmov v5;
	v21 =	vmov v8  }
.LBB2_24:
0x43b: {  	_ =	sfence.sel $0x180000  }
0x43c: {  	[bflag:$0x0] =	sbarrier.arrive $0xFFFF  }
0x43d: {  	_ =	strace $0x90000047  }
0x43e: {  	s0 =	stileid.u32;
	[bflag:$0x2] =	sbarrier.arrive $0xFFFF  }
0x43f: {  	p0 =	sne.s32 s0, $0x0;
	s0 =	rddreg [dreg:$0x5]  }
0x440: {  	s0 =	sadd.s32 @!p0 $0x100000, s0  }
0x441: {  	[sflag:s0] =	ssyncadd.tile.s32 @!p0 $0x1;
	_ =	shalt  }
.Lfunc_end2:
_tile_overlayer_lowered:
.L_overlay_start_2:
0x442: {  	(tag) =	ssettag $0x2  }
0x443: {  	s0 =	rddreg [dreg:$0x0];
	s2 =	stileid.u32  }
0x444: {  	s1 =	rddreg [dreg:$0x1];
	p0 =	sne.s32 s2, $0x0  }
0x445: {  	s3 =	rddreg [dreg:$0x2];
	[bflag:$0x3] =	sbarrier.arrive $0xFFFF;
	s2 =	simm.s32 @!p0 $0x1C03  }
0x446: {  	[timem:s3], [sflag:s2] =	dma.local @!p0 [hbm:s0], s1  }
0x447: {  	s0 =	simm.s32 @!p0 $0x3  }
0x448: {  	_ =	swait.ge @!p0 [sflag:s0], s1  }
0x449: {  	s1 =	ssub.s32 @!p0 $0x0, s1;
	[sflag:s0] =	ssyncset.done @!p0 $0x0  }
0x44a: {  	[sflag:s0] =	ssyncadd.s32 @!p0 s1  }
0x44b: {  	[bflag:$0x3] =	sbarrier.arrive $0xFFFF  }
0x44c: {  	_ =	shalt  }

</sc_bundles>
